<compile_context>
chip_gen: v7x
topology: tpu7x:2x2x1
jax: 0.10.2.dev20260603
libtpu: 0.0.44.dev20260713+nightly
codegen_flags: <defaults>
</compile_context>

<pallas_src>
import functools

import jax
import jax.numpy as jnp
from jax import lax
from jax.experimental import pallas as pl
from jax.experimental.pallas import tpu as pltpu
from jax.experimental.pallas import tpu_sc as plsc

_N = 10000
_E = 320000
_D = 128
_EPS = 1e-7

_NS = 16
_CH = 50
_EPT = _E // _NS
_K = _EPT // _CH
_IB = 40
_NSLOT = 4
_AH = 3
_NP = 10240
_RPT = _NP // _NS

_GB = _CH * _D * 4

_BR = 2000



def _sc_agg_body(q_hbm, p_hbm, src_hbm, dst_hbm, zeros_hbm,
                 aq_hbm, ap_hbm,
                 srcv, dstv, g0, g1, g2, g3, acc,
                 sg0, sg1, sg2, sg3, semis, semid, semz):
    c = lax.axis_index("c")
    s = lax.axis_index("s")
    row0 = s * _K
    gbufs = (g0, g1, g2, g3)
    semg = (sg0, sg1, sg2, sg3)
    _NB = _K // _IB
    pltpu.async_copy(zeros_hbm.at[pl.ds(s * _RPT, _RPT)],
                     acc.at[pl.ds(s * _RPT, _RPT)], semz)

    def run(table):
        pltpu.sync_copy(src_hbm.at[pl.ds(row0, _IB)],
                        srcv.at[pl.ds(0, _IB)])
        pltpu.sync_copy(dst_hbm.at[pl.ds(row0, _IB)],
                        dstv.at[pl.ds(0, _IB)])
        for i in range(_AH):
            pltpu.async_copy(table.at[srcv.at[i]], gbufs[i], semg[i])
        pltpu.make_async_copy(zeros_hbm.at[pl.ds(s * _RPT, _RPT)],
                              acc.at[pl.ds(s * _RPT, _RPT)], semz).wait()
        plsc.subcore_barrier()

        def blk(b, carry):
            off = lax.rem(b, 2) * _IB
            noff = lax.rem(b + 1, 2) * _IB

            @pl.when(b + 1 < _NB)
            def _():
                pltpu.async_copy(src_hbm.at[pl.ds(row0 + (b + 1) * _IB,
                                                  _IB)],
                                 srcv.at[pl.ds(noff, _IB)], semis)
                pltpu.async_copy(dst_hbm.at[pl.ds(row0 + (b + 1) * _IB,
                                                  _IB)],
                                 dstv.at[pl.ds(noff, _IB)], semid)

            def step(kk, carry2):
                k = _NSLOT * kk
                last = kk == _IB // _NSLOT - 1
                for i in range(_NSLOT):
                    if i == _NSLOT - _AH:
                        @pl.when(last & (b + 1 < _NB))
                        def _():
                            pltpu.make_async_copy(
                                src_hbm.at[pl.ds(row0, _IB)],
                                srcv.at[pl.ds(noff, _IB)], semis).wait()
                            pltpu.make_async_copy(
                                dst_hbm.at[pl.ds(row0, _IB)],
                                dstv.at[pl.ds(noff, _IB)], semid).wait()
                    r = off + k + i
                    pltpu.make_async_copy(table.at[srcv.at[r]], gbufs[i],
                                          semg[i]).wait()
                    nxt = k + i + _AH
                    rn = jnp.where(nxt < _IB, off + nxt, noff + nxt - _IB)

                    @pl.when((nxt < _IB) | (b + 1 < _NB))
                    def _():
                        j = (i + _AH) % _NSLOT
                        pltpu.async_copy(table.at[srcv.at[rn]], gbufs[j],
                                         semg[j])
                    pltpu.sync_copy(gbufs[i], acc.at[dstv.at[r]], add=True)
                return carry2
            lax.fori_loop(0, _IB // _NSLOT, step, 0)
            return carry
        lax.fori_loop(0, _NB, blk, 0)

    @pl.when(c == 0)
    def _():
        run(q_hbm)

    @pl.when(c == 1)
    def _():
        run(p_hbm)

    plsc.subcore_barrier()

    @pl.when(c == 0)
    def _():
        pltpu.sync_copy(acc.at[pl.ds(s * _RPT, _RPT)],
                        aq_hbm.at[pl.ds(s * _RPT, _RPT)])

    @pl.when(c == 1)
    def _():
        pltpu.sync_copy(acc.at[pl.ds(s * _RPT, _RPT)],
                        ap_hbm.at[pl.ds(s * _RPT, _RPT)])


@functools.lru_cache(maxsize=None)
def _make_sc_agg():
    return pl.kernel(
        _sc_agg_body,
        out_type=(jax.ShapeDtypeStruct((_NP, _D), jnp.float32),
                  jax.ShapeDtypeStruct((_NP, _D), jnp.float32)),
        mesh=plsc.VectorSubcoreMesh(core_axis_name="c",
                                    subcore_axis_name="s"),
        scratch_types=[
            pltpu.VMEM((2 * _IB, _CH), jnp.int32),
            pltpu.VMEM((2 * _IB, _CH), jnp.int32),
        ] + [pltpu.VMEM((_CH, _D), jnp.float32)] * _NSLOT + [
            pltpu.VMEM_SHARED((_NP, _D), jnp.float32),
        ] + [pltpu.SemaphoreType.DMA] * (_NSLOT + 3),
    )



def _ln(u, g, b):
    mu = jnp.mean(u, axis=-1, keepdims=True)
    var = jnp.mean((u - mu) * (u - mu), axis=-1, keepdims=True)
    return (u - mu) * lax.rsqrt(var + 1e-5) * g + b


def _tc_pre_body(x_ref, w_ref, b_ref, t_ref, h_ref, q_ref, p_ref):
    h = jnp.dot(x_ref[...], w_ref[...], preferred_element_type=jnp.float32)
    h = h + b_ref[...]
    h_ref[...] = h
    m = jnp.maximum(h, 0.0) + _EPS
    q = jnp.exp(m * t_ref[0, 0])
    q_ref[...] = q
    p_ref[...] = m * q


def _tc_mid_body(aq_ref, ap_ref, h_ref, w1_ref, b1_ref, g1_ref, be1_ref,
                 w2_ref, b2_ref, ng_ref, nb_ref, t_ref,
                 h1_ref, q_ref, p_ref):
    aggr = ap_ref[...] / (aq_ref[...] + 1e-16)
    out = aggr + h_ref[...]
    u = jnp.dot(out, w1_ref[...], preferred_element_type=jnp.float32)
    u = _ln(u + b1_ref[...], g1_ref[...], be1_ref[...])
    u = jnp.maximum(u, 0.0)
    h1 = jnp.dot(u, w2_ref[...], preferred_element_type=jnp.float32)
    h1 = h1 + b2_ref[...]
    h1_ref[...] = h1
    z = jnp.maximum(_ln(h1, ng_ref[...], nb_ref[...]), 0.0)
    m = z + _EPS
    q = jnp.exp(m * t_ref[0, 0])
    q_ref[...] = q
    p_ref[...] = m * q


def _tc_post_body(aq_ref, ap_ref, h1_ref, ng1_ref, nb1_ref, w1_ref, b1_ref,
                  g1_ref, be1_ref, w2_ref, b2_ref, ng_ref, nb_ref, wo_ref,
                  bo_ref, hf_ref, y_ref):
    z = jnp.maximum(_ln(h1_ref[...], ng1_ref[...], nb1_ref[...]), 0.0)
    aggr = ap_ref[...] / (aq_ref[...] + 1e-16)
    out = aggr + z
    u = jnp.dot(out, w1_ref[...], preferred_element_type=jnp.float32)
    u = _ln(u + b1_ref[...], g1_ref[...], be1_ref[...])
    u = jnp.maximum(u, 0.0)
    z2 = jnp.dot(u, w2_ref[...], preferred_element_type=jnp.float32)
    h2 = h1_ref[...] + z2 + b2_ref[...]
    hf = jnp.maximum(_ln(h2, ng_ref[...], nb_ref[...]), 0.0)
    hf_ref[...] = hf
    y = jnp.dot(hf, wo_ref[...], preferred_element_type=jnp.float32)
    y_ref[...] = y + bo_ref[...]


def _row_spec(cols):
    return pl.BlockSpec((_BR, cols), lambda i: (i, 0))


def _full_spec(rows, cols):
    return pl.BlockSpec((rows, cols), lambda i: (0, 0))


_GRID = _N // _BR

_tc_pre = pl.pallas_call(
    _tc_pre_body,
    grid=(_GRID,),
    in_specs=[_row_spec(_D), _full_spec(_D, _D), _full_spec(1, _D),
              _full_spec(1, 1)],
    out_specs=[_row_spec(_D)] * 3,
    out_shape=[jax.ShapeDtypeStruct((_N, _D), jnp.float32)] * 3,
)

_tc_mid = pl.pallas_call(
    _tc_mid_body,
    grid=(_GRID,),
    in_specs=[_row_spec(_D), _row_spec(_D), _row_spec(_D),
              _full_spec(_D, 2 * _D), _full_spec(1, 2 * _D),
              _full_spec(1, 2 * _D), _full_spec(1, 2 * _D),
              _full_spec(2 * _D, _D), _full_spec(1, _D),
              _full_spec(1, _D), _full_spec(1, _D), _full_spec(1, 1)],
    out_specs=[_row_spec(_D)] * 3,
    out_shape=[jax.ShapeDtypeStruct((_N, _D), jnp.float32)] * 3,
)

_tc_post = pl.pallas_call(
    _tc_post_body,
    grid=(_GRID,),
    in_specs=[_row_spec(_D), _row_spec(_D), _row_spec(_D),
              _full_spec(1, _D), _full_spec(1, _D),
              _full_spec(_D, 2 * _D), _full_spec(1, 2 * _D),
              _full_spec(1, 2 * _D), _full_spec(1, 2 * _D),
              _full_spec(2 * _D, _D), _full_spec(1, _D),
              _full_spec(1, _D), _full_spec(1, _D),
              _full_spec(_D, _D), _full_spec(1, _D)],
    out_specs=[_row_spec(_D)] * 2,
    out_shape=[jax.ShapeDtypeStruct((_N, _D), jnp.float32)] * 2,
)


def kernel(x, edge_index, W_enc, b_enc, t0, W1_0, b1_0, g1_0, be1_0, W2_0,
           b2_0, ng0, nb0, t1, W1_1, b1_1, g1_1, be1_1, W2_1, b2_1, ng1,
           nb1, W_out, b_out):
    r2 = lambda v: v.reshape(1, -1)
    src2d = edge_index[0].reshape(_E // _CH, _CH)
    dst2d = edge_index[1].reshape(_E // _CH, _CH)
    zeros = jnp.zeros((_NP, _D), jnp.float32)

    sc_agg = _make_sc_agg()
    h, q0, p0 = _tc_pre(x, W_enc, r2(b_enc), t0.reshape(1, 1))
    aq0, ap0 = sc_agg(q0, p0, src2d, dst2d, zeros)
    h1, q1, p1 = _tc_mid(aq0, ap0, h, W1_0, r2(b1_0), r2(g1_0),
                         r2(be1_0), W2_0, r2(b2_0), r2(ng1), r2(nb1),
                         t1.reshape(1, 1))
    aq1, ap1 = sc_agg(q1, p1, src2d, dst2d, zeros)
    hf, y = _tc_post(aq1, ap1, h1, r2(ng1), r2(nb1), W1_1, r2(b1_1),
                     r2(g1_1), r2(be1_1), W2_1, r2(b2_1), r2(ng0),
                     r2(nb0), W_out, r2(b_out))
    return (hf, y)

# --- scband reference (transcript-rebuilt; emitter-appended) ---
"""Pipeline reference for scband-deeper-gcn-90297392431233 (READ-ONLY COPY).

The authoritative reference and input builder live on the scoring server;
editing this copy changes nothing except your own understanding.
"""

import jax, jax.numpy as jnp
import numpy as np

N = 10000
E = 320000
IN_DIM = 128
HID = 128
OUT_DIM = 128
MSG_EPS = 1e-7


def _glorot(key, shape):
    lim = np.sqrt(6.0 / (shape[0] + shape[1]))
    return jax.random.uniform(key, shape, jnp.float32, -lim, lim)


def _layer_norm(x, g, b, eps=1e-5):
    mu = jnp.mean(x, axis=-1, keepdims=True)
    var = jnp.var(x, axis=-1, keepdims=True)
    return (x - mu) * jax.lax.rsqrt(var + eps) * g + b


def _gen_conv(x, src, dst, t, W1, b1, g1, be1, W2, b2):
    # GENConv with aggr='softmax', learn_t, eps=1e-7, 2-layer MLP with LayerNorm
    msg = jax.nn.relu(x[src]) + MSG_EPS
    logits = msg * t
    seg_max = jax.ops.segment_max(logits, dst, num_segments=N)
    seg_max = jnp.where(jnp.isfinite(seg_max), seg_max, 0.0)
    ex = jnp.exp(logits - seg_max[dst])
    denom = jax.ops.segment_sum(ex, dst, num_segments=N)
    alpha = ex / (denom[dst] + 1e-16)
    aggr = jax.ops.segment_sum(msg * alpha, dst, num_segments=N)
    out = aggr + x
    h = out @ W1 + b1
    h = _layer_norm(h, g1, be1)
    h = jax.nn.relu(h)
    return h @ W2 + b2


def setup_inputs(seed: int = 0):
    key = jax.random.key(seed)
    ks = jax.random.split(key, 16)
    inp = {}
    inp["x"] = jax.random.normal(ks[0], (N, IN_DIM), dtype=jnp.float32)
    inp["edge_index"] = jax.random.randint(ks[1], (2, E), 0, N, dtype=jnp.int32)
    inp["W_enc"] = _glorot(ks[2], (IN_DIM, HID))
    inp["b_enc"] = jnp.zeros((HID,), jnp.float32)
    for l in range(2):
        kk = jax.random.split(ks[3 + l], 4)
        inp[f"t{l}"] = jnp.array(1.0, jnp.float32)
        inp[f"W1_{l}"] = _glorot(kk[0], (HID, 2 * HID))
        inp[f"b1_{l}"] = jnp.zeros((2 * HID,), jnp.float32)
        inp[f"g1_{l}"] = jnp.ones((2 * HID,), jnp.float32)
        inp[f"be1_{l}"] = jnp.zeros((2 * HID,), jnp.float32)
        inp[f"W2_{l}"] = _glorot(kk[1], (2 * HID, HID))
        inp[f"b2_{l}"] = jnp.zeros((HID,), jnp.float32)
        inp[f"ng{l}"] = jnp.ones((HID,), jnp.float32)
        inp[f"nb{l}"] = jnp.zeros((HID,), jnp.float32)
    inp["W_out"] = _glorot(ks[5], (HID, OUT_DIM))
    inp["b_out"] = jnp.zeros((OUT_DIM,), jnp.float32)
    return inp


def reference(x, edge_index, W_enc, b_enc, t0, W1_0, b1_0, g1_0, be1_0, W2_0, b2_0, ng0, nb0, t1, W1_1, b1_1, g1_1, be1_1, W2_1, b2_1, ng1, nb1, W_out, b_out):
    src, dst = edge_index[0], edge_index[1]
    h = x @ W_enc + b_enc
    # layers[0].conv applied directly (no pre-norm/act), per the model's forward
    h = _gen_conv(h, src, dst, t0, W1_0, b1_0, g1_0, be1_0, W2_0, b2_0)
    # layers[1] is DeepGCNLayer block='res+': x + conv(act(norm(x)))
    z = jax.nn.relu(_layer_norm(h, ng1, nb1))
    z = _gen_conv(z, src, dst, t1, W1_1, b1_1, g1_1, be1_1, W2_1, b2_1)
    h = h + z
    # final: act(norm(x)) using layers[0].norm / layers[0].act
    h = jax.nn.relu(_layer_norm(h, ng0, nb0))
    return (h, h @ W_out + b_out)

if __name__ == "__main__":
    import jax
    _d = setup_inputs()
    print(jax.jit(kernel)(*tuple(_d.values())))

</pallas_src>

<mosaic_0001>
#map = affine_map<(d0, d1) -> (0, 0)>
module attributes {stable_mosaic.version = 14 : i64} {
  func.func @_sc_agg_body(%arg0: i32, %arg1: i32, %arg2: memref<10000x128xf32, #tpu.memory_space<hbm>>, %arg3: memref<10000x128xf32, #tpu.memory_space<hbm>>, %arg4: memref<6400x50xi32, #tpu.memory_space<hbm>>, %arg5: memref<6400x50xi32, #tpu.memory_space<hbm>>, %arg6: memref<10240x128xf32, #tpu.memory_space<hbm>>, %arg7: memref<10240x128xf32, #tpu.memory_space<hbm>>, %arg8: memref<10240x128xf32, #tpu.memory_space<hbm>>, %arg9: memref<80x50xi32, #tpu.memory_space<vmem>>, %arg10: memref<80x50xi32, #tpu.memory_space<vmem>>, %arg11: memref<50x128xf32, #tpu.memory_space<vmem>>, %arg12: memref<50x128xf32, #tpu.memory_space<vmem>>, %arg13: memref<50x128xf32, #tpu.memory_space<vmem>>, %arg14: memref<50x128xf32, #tpu.memory_space<vmem>>, %arg15: memref<10240x128xf32, #tpu.memory_space<vmem_shared>>, %arg16: memref<!tpu.dma_semaphore, #tpu.memory_space<semaphore_mem>>, %arg17: memref<!tpu.dma_semaphore, #tpu.memory_space<semaphore_mem>>, %arg18: memref<!tpu.dma_semaphore, #tpu.memory_space<semaphore_mem>>, %arg19: memref<!tpu.dma_semaphore, #tpu.memory_space<semaphore_mem>>, %arg20: memref<!tpu.dma_semaphore, #tpu.memory_space<semaphore_mem>>, %arg21: memref<!tpu.dma_semaphore, #tpu.memory_space<semaphore_mem>>, %arg22: memref<!tpu.dma_semaphore, #tpu.memory_space<semaphore_mem>>) attributes {dimension_semantics = [#tpu.dimension_semantics<core_parallel>, #tpu.dimension_semantics<subcore_parallel>], iteration_bounds = array<i64: 2, 16>, scalar_prefetch = 0 : i64, scratch_operands = 14 : i64, tpu.core_type = #tpu.core_type<sc_vector_subcore>, window_params = [{transform_indices = #map}, {transform_indices = #map}, {transform_indices = #map}, {transform_indices = #map}, {transform_indices = #map}, {transform_indices = #map}, {transform_indices = #map}]} {
    %mul3A = arith.constant 400 : i32
    %mul3A_0 = arith.muli %arg1, %mul3A : i32
    %mul3A_1 = arith.constant 640 : i32
    %mul3A_2 = arith.muli %arg1, %mul3A_1 : i32
    %mul3A_3 = arith.constant 640 : i32
    %mul3A_4 = arith.muli %arg1, %mul3A_3 : i32
    %dma_start3A = arith.constant 0 : i32
    %dma_start3A_5 = tpu.memref_slice %arg15[%mul3A_4, %dma_start3A] : memref<10240x128xf32, #tpu.memory_space<vmem_shared>> -> memref<640x128xf32, #tpu.memory_space<vmem_shared>>
    %dma_start3A_6 = arith.constant 0 : i32
    %dma_start3A_7 = tpu.memref_slice %arg6[%mul3A_2, %dma_start3A_6] : memref<10240x128xf32, #tpu.memory_space<hbm>> -> memref<640x128xf32, #tpu.memory_space<hbm>>
    tpu.enqueue_dma source(%dma_start3A_7 : memref<640x128xf32, #tpu.memory_space<hbm>>) target(%dma_start3A_5 : memref<640x128xf32, #tpu.memory_space<vmem_shared>>) target_semaphore(%arg22 : memref<!tpu.dma_semaphore, #tpu.memory_space<semaphore_mem>>)
    %eq3A = arith.constant 0 : i32
    %eq3A_8 = arith.cmpi eq, %arg0, %eq3A : i32
    %convert_element_type3A = arith.extui %eq3A_8 : i1 to i32
    %cond3A = arith.constant 0 : i32
    %cond3A_9 = arith.cmpi ne, %convert_element_type3A, %cond3A : i32
    scf.if %cond3A_9 {
      "tpu.region"() ({
        %run_scoped3A = tpu.sem_alloc : memref<!tpu.dma_semaphore, #tpu.memory_space<semaphore_mem>>
        %dma_start3A_59 = arith.constant 0 : i32
        %dma_start3A_60 = arith.constant 0 : i32
        %dma_start3A_61 = tpu.memref_slice %arg9[%dma_start3A_59, %dma_start3A_60] : memref<80x50xi32, #tpu.memory_space<vmem>> -> memref<40x50xi32, #tpu.memory_space<vmem>>
        %dma_start3A_62 = arith.constant 0 : i32
        %dma_start3A_63 = tpu.memref_slice %arg4[%mul3A_0, %dma_start3A_62] : memref<6400x50xi32, #tpu.memory_space<hbm>> -> memref<40x50xi32, #tpu.memory_space<hbm>>
        %dma_start3A_64 = arith.constant 0 : i32
        %dma_start3A_65 = arith.constant 0 : i32
        %dma_start3A_66 = tpu.memref_slice %arg9[%dma_start3A_64, %dma_start3A_65] : memref<80x50xi32, #tpu.memory_space<vmem>> -> memref<40x50xi32, #tpu.memory_space<vmem>>
        %dma_start3A_67 = arith.constant 0 : i32
        %dma_start3A_68 = tpu.memref_slice %arg4[%mul3A_0, %dma_start3A_67] : memref<6400x50xi32, #tpu.memory_space<hbm>> -> memref<40x50xi32, #tpu.memory_space<hbm>>
        tpu.enqueue_dma source(%dma_start3A_68 : memref<40x50xi32, #tpu.memory_space<hbm>>) target(%dma_start3A_66 : memref<40x50xi32, #tpu.memory_space<vmem>>) target_semaphore(%run_scoped3A : memref<!tpu.dma_semaphore, #tpu.memory_space<semaphore_mem>>)
        %dma_wait3A_69 = arith.constant 0 : i32
        %dma_wait3A_70 = arith.constant 0 : i32
        %dma_wait3A_71 = tpu.memref_slice %arg9[%dma_wait3A_69, %dma_wait3A_70] : memref<80x50xi32, #tpu.memory_space<vmem>> -> memref<40x50xi32, #tpu.memory_space<vmem>>
        %dma_wait3A_72 = arith.constant 0 : i32
        %dma_wait3A_73 = tpu.memref_slice %arg4[%mul3A_0, %dma_wait3A_72] : memref<6400x50xi32, #tpu.memory_space<hbm>> -> memref<40x50xi32, #tpu.memory_space<hbm>>
        %dma_wait3A_74 = arith.constant 0 : i32
        %dma_wait3A_75 = arith.constant 0 : i32
        %dma_wait3A_76 = tpu.memref_slice %arg9[%dma_wait3A_74, %dma_wait3A_75] : memref<80x50xi32, #tpu.memory_space<vmem>> -> memref<40x50xi32, #tpu.memory_space<vmem>>
        %dma_wait3A_77 = arith.constant 0 : i32
        %dma_wait3A_78 = tpu.memref_slice %arg4[%mul3A_0, %dma_wait3A_77] : memref<6400x50xi32, #tpu.memory_space<hbm>> -> memref<40x50xi32, #tpu.memory_space<hbm>>
        tpu.wait_dma2 semaphore(%run_scoped3A : memref<!tpu.dma_semaphore, #tpu.memory_space<semaphore_mem>>) src(%dma_wait3A_78 : memref<40x50xi32, #tpu.memory_space<hbm>>) dst(%dma_wait3A_76 : memref<40x50xi32, #tpu.memory_space<vmem>>)
        tpu.yield
      }) : () -> ()
      "tpu.region"() ({
        %run_scoped3A = tpu.sem_alloc : memref<!tpu.dma_semaphore, #tpu.memory_space<semaphore_mem>>
        %dma_start3A_59 = arith.constant 0 : i32
        %dma_start3A_60 = arith.constant 0 : i32
        %dma_start3A_61 = tpu.memref_slice %arg10[%dma_start3A_59, %dma_start3A_60] : memref<80x50xi32, #tpu.memory_space<vmem>> -> memref<40x50xi32, #tpu.memory_space<vmem>>
        %dma_start3A_62 = arith.constant 0 : i32
        %dma_start3A_63 = tpu.memref_slice %arg5[%mul3A_0, %dma_start3A_62] : memref<6400x50xi32, #tpu.memory_space<hbm>> -> memref<40x50xi32, #tpu.memory_space<hbm>>
        %dma_start3A_64 = arith.constant 0 : i32
        %dma_start3A_65 = arith.constant 0 : i32
        %dma_start3A_66 = tpu.memref_slice %arg10[%dma_start3A_64, %dma_start3A_65] : memref<80x50xi32, #tpu.memory_space<vmem>> -> memref<40x50xi32, #tpu.memory_space<vmem>>
        %dma_start3A_67 = arith.constant 0 : i32
        %dma_start3A_68 = tpu.memref_slice %arg5[%mul3A_0, %dma_start3A_67] : memref<6400x50xi32, #tpu.memory_space<hbm>> -> memref<40x50xi32, #tpu.memory_space<hbm>>
        tpu.enqueue_dma source(%dma_start3A_68 : memref<40x50xi32, #tpu.memory_space<hbm>>) target(%dma_start3A_66 : memref<40x50xi32, #tpu.memory_space<vmem>>) target_semaphore(%run_scoped3A : memref<!tpu.dma_semaphore, #tpu.memory_space<semaphore_mem>>)
        %dma_wait3A_69 = arith.constant 0 : i32
        %dma_wait3A_70 = arith.constant 0 : i32
        %dma_wait3A_71 = tpu.memref_slice %arg10[%dma_wait3A_69, %dma_wait3A_70] : memref<80x50xi32, #tpu.memory_space<vmem>> -> memref<40x50xi32, #tpu.memory_space<vmem>>
        %dma_wait3A_72 = arith.constant 0 : i32
        %dma_wait3A_73 = tpu.memref_slice %arg5[%mul3A_0, %dma_wait3A_72] : memref<6400x50xi32, #tpu.memory_space<hbm>> -> memref<40x50xi32, #tpu.memory_space<hbm>>
        %dma_wait3A_74 = arith.constant 0 : i32
        %dma_wait3A_75 = arith.constant 0 : i32
        %dma_wait3A_76 = tpu.memref_slice %arg10[%dma_wait3A_74, %dma_wait3A_75] : memref<80x50xi32, #tpu.memory_space<vmem>> -> memref<40x50xi32, #tpu.memory_space<vmem>>
        %dma_wait3A_77 = arith.constant 0 : i32
        %dma_wait3A_78 = tpu.memref_slice %arg5[%mul3A_0, %dma_wait3A_77] : memref<6400x50xi32, #tpu.memory_space<hbm>> -> memref<40x50xi32, #tpu.memory_space<hbm>>
        tpu.wait_dma2 semaphore(%run_scoped3A : memref<!tpu.dma_semaphore, #tpu.memory_space<semaphore_mem>>) src(%dma_wait3A_78 : memref<40x50xi32, #tpu.memory_space<hbm>>) dst(%dma_wait3A_76 : memref<40x50xi32, #tpu.memory_space<vmem>>)
        tpu.yield
      }) : () -> ()
      %dma_start3A_25 = arith.constant 0 : i32
      %dma_start3A_26 = arith.constant 0 : i32
      %dma_start3A_27 = tpu.memref_slice %arg9[%dma_start3A_25, %dma_start3A_26] : memref<80x50xi32, #tpu.memory_space<vmem>> -> memref<1x50xi32, #tpu.memory_space<vmem>>
      %dma_start3A_28 = tpu.memref_squeeze %dma_start3A_27 : memref<1x50xi32, #tpu.memory_space<vmem>> -> memref<50xi32, #tpu.memory_space<vmem>>
      %dma_start3A_29 = arith.constant 0 : i32
      %dma_start3A_30 = arith.constant 0 : i32
      %dma_start3A_31 = tpu.memref_slice %arg2[%dma_start3A_29, %dma_start3A_30] : memref<10000x128xf32, #tpu.memory_space<hbm>> -> memref<10000x128xf32, #tpu.memory_space<hbm>>
      tpu.enqueue_indirect_dma source(%dma_start3A_31 : memref<10000x128xf32, #tpu.memory_space<hbm>>) target(%arg11 : memref<50x128xf32, #tpu.memory_space<vmem>>) offsets(%dma_start3A_28 : memref<50xi32, #tpu.memory_space<vmem>>) semaphore(%arg16 : memref<!tpu.dma_semaphore, #tpu.memory_space<semaphore_mem>>)
      %dma_start3A_32 = arith.constant 1 : i32
      %dma_start3A_33 = arith.constant 0 : i32
      %dma_start3A_34 = tpu.memref_slice %arg9[%dma_start3A_32, %dma_start3A_33] : memref<80x50xi32, #tpu.memory_space<vmem>> -> memref<1x50xi32, #tpu.memory_space<vmem>>
      %dma_start3A_35 = tpu.memref_squeeze %dma_start3A_34 : memref<1x50xi32, #tpu.memory_space<vmem>> -> memref<50xi32, #tpu.memory_space<vmem>>
      %dma_start3A_36 = arith.constant 0 : i32
      %dma_start3A_37 = arith.constant 0 : i32
      %dma_start3A_38 = tpu.memref_slice %arg2[%dma_start3A_36, %dma_start3A_37] : memref<10000x128xf32, #tpu.memory_space<hbm>> -> memref<10000x128xf32, #tpu.memory_space<hbm>>
      tpu.enqueue_indirect_dma source(%dma_start3A_38 : memref<10000x128xf32, #tpu.memory_space<hbm>>) target(%arg12 : memref<50x128xf32, #tpu.memory_space<vmem>>) offsets(%dma_start3A_35 : memref<50xi32, #tpu.memory_space<vmem>>) semaphore(%arg17 : memref<!tpu.dma_semaphore, #tpu.memory_space<semaphore_mem>>)
      %dma_start3A_39 = arith.constant 2 : i32
      %dma_start3A_40 = arith.constant 0 : i32
      %dma_start3A_41 = tpu.memref_slice %arg9[%dma_start3A_39, %dma_start3A_40] : memref<80x50xi32, #tpu.memory_space<vmem>> -> memref<1x50xi32, #tpu.memory_space<vmem>>
      %dma_start3A_42 = tpu.memref_squeeze %dma_start3A_41 : memref<1x50xi32, #tpu.memory_space<vmem>> -> memref<50xi32, #tpu.memory_space<vmem>>
      %dma_start3A_43 = arith.constant 0 : i32
      %dma_start3A_44 = arith.constant 0 : i32
      %dma_start3A_45 = tpu.memref_slice %arg2[%dma_start3A_43, %dma_start3A_44] : memref<10000x128xf32, #tpu.memory_space<hbm>> -> memref<10000x128xf32, #tpu.memory_space<hbm>>
      tpu.enqueue_indirect_dma source(%dma_start3A_45 : memref<10000x128xf32, #tpu.memory_space<hbm>>) target(%arg13 : memref<50x128xf32, #tpu.memory_space<vmem>>) offsets(%dma_start3A_42 : memref<50xi32, #tpu.memory_space<vmem>>) semaphore(%arg18 : memref<!tpu.dma_semaphore, #tpu.memory_space<semaphore_mem>>)
      %mul3A_46 = arith.constant 640 : i32
      %mul3A_47 = arith.muli %arg1, %mul3A_46 : i32
      %mul3A_48 = arith.constant 640 : i32
      %mul3A_49 = arith.muli %arg1, %mul3A_48 : i32
      %dma_wait3A = arith.constant 0 : i32
      %dma_wait3A_50 = tpu.memref_slice %arg15[%mul3A_49, %dma_wait3A] : memref<10240x128xf32, #tpu.memory_space<vmem_shared>> -> memref<640x128xf32, #tpu.memory_space<vmem_shared>>
      %dma_wait3A_51 = arith.constant 0 : i32
      %dma_wait3A_52 = tpu.memref_slice %arg6[%mul3A_47, %dma_wait3A_51] : memref<10240x128xf32, #tpu.memory_space<hbm>> -> memref<640x128xf32, #tpu.memory_space<hbm>>
      tpu.wait_dma2 semaphore(%arg22 : memref<!tpu.dma_semaphore, #tpu.memory_space<semaphore_mem>>) src(%dma_wait3A_52 : memref<640x128xf32, #tpu.memory_space<hbm>>) dst(%dma_wait3A_50 : memref<640x128xf32, #tpu.memory_space<vmem_shared>>)
      %barrier3A_53 = arith.constant 0 : index
      tpu.barrier barrier_id(%barrier3A_53)
      %scan3A = arith.constant 0 : i32
      %scan3A_54 = arith.constant 0 : i32
      %scan3A_55 = arith.constant 10 : i32
      %scan3A_56 = arith.addi %scan3A_54, %scan3A_55 : i32
      %scan3A_57 = arith.constant 1 : i32
      scf.for %scan3A_59 = %scan3A_54 to %scan3A_56 step %scan3A_57  : i32 {
        %rem3A = arith.constant 2 : i32
        %rem3A_60 = arith.remsi %scan3A_59, %rem3A : i32
        %mul3A_61 = arith.constant 40 : i32
        %mul3A_62 = arith.muli %rem3A_60, %mul3A_61 : i32
        %add3A = arith.constant 1 : i32
        %add3A_63 = arith.addi %scan3A_59, %add3A : i32
        %rem3A_64 = arith.constant 2 : i32
        %rem3A_65 = arith.remsi %add3A_63, %rem3A_64 : i32
        %mul3A_66 = arith.constant 40 : i32
        %mul3A_67 = arith.muli %rem3A_65, %mul3A_66 : i32
        %add3A_68 = arith.constant 1 : i32
        %add3A_69 = arith.addi %scan3A_59, %add3A_68 : i32
        %lt3A = arith.constant 10 : i32
        %lt3A_70 = arith.cmpi slt, %add3A_69, %lt3A : i32
        %convert_element_type3A_71 = arith.extui %lt3A_70 : i1 to i32
        %cond3A_72 = arith.constant 0 : i32
        %cond3A_73 = arith.cmpi ne, %convert_element_type3A_71, %cond3A_72 : i32
        scf.if %cond3A_73 {
          %add3A_80 = arith.constant 1 : i32
          %add3A_81 = arith.addi %scan3A_59, %add3A_80 : i32
          %mul3A_82 = arith.constant 40 : i32
          %mul3A_83 = arith.muli %add3A_81, %mul3A_82 : i32
          %add3A_84 = arith.addi %mul3A_0, %mul3A_83 : i32
          %dma_start3A_85 = arith.constant 0 : i32
          %dma_start3A_86 = tpu.memref_slice %arg9[%mul3A_67, %dma_start3A_85] : memref<80x50xi32, #tpu.memory_space<vmem>> -> memref<40x50xi32, #tpu.memory_space<vmem>>
          %dma_start3A_87 = arith.constant 0 : i32
          %dma_start3A_88 = tpu.memref_slice %arg4[%add3A_84, %dma_start3A_87] : memref<6400x50xi32, #tpu.memory_space<hbm>> -> memref<40x50xi32, #tpu.memory_space<hbm>>
          %dma_start3A_89 = arith.constant 0 : i32
          %dma_start3A_90 = tpu.memref_slice %arg9[%mul3A_67, %dma_start3A_89] : memref<80x50xi32, #tpu.memory_space<vmem>> -> memref<40x50xi32, #tpu.memory_space<vmem>>
          %dma_start3A_91 = arith.constant 0 : i32
          %dma_start3A_92 = tpu.memref_slice %arg4[%add3A_84, %dma_start3A_91] : memref<6400x50xi32, #tpu.memory_space<hbm>> -> memref<40x50xi32, #tpu.memory_space<hbm>>
          tpu.enqueue_dma source(%dma_start3A_92 : memref<40x50xi32, #tpu.memory_space<hbm>>) target(%dma_start3A_90 : memref<40x50xi32, #tpu.memory_space<vmem>>) target_semaphore(%arg20 : memref<!tpu.dma_semaphore, #tpu.memory_space<semaphore_mem>>)
          %add3A_93 = arith.constant 1 : i32
          %add3A_94 = arith.addi %scan3A_59, %add3A_93 : i32
          %mul3A_95 = arith.constant 40 : i32
          %mul3A_96 = arith.muli %add3A_94, %mul3A_95 : i32
          %add3A_97 = arith.addi %mul3A_0, %mul3A_96 : i32
          %dma_start3A_98 = arith.constant 0 : i32
          %dma_start3A_99 = tpu.memref_slice %arg10[%mul3A_67, %dma_start3A_98] : memref<80x50xi32, #tpu.memory_space<vmem>> -> memref<40x50xi32, #tpu.memory_space<vmem>>
          %dma_start3A_100 = arith.constant 0 : i32
          %dma_start3A_101 = tpu.memref_slice %arg5[%add3A_97, %dma_start3A_100] : memref<6400x50xi32, #tpu.memory_space<hbm>> -> memref<40x50xi32, #tpu.memory_space<hbm>>
          %dma_start3A_102 = arith.constant 0 : i32
          %dma_start3A_103 = tpu.memref_slice %arg10[%mul3A_67, %dma_start3A_102] : memref<80x50xi32, #tpu.memory_space<vmem>> -> memref<40x50xi32, #tpu.memory_space<vmem>>
          %dma_start3A_104 = arith.constant 0 : i32
          %dma_start3A_105 = tpu.memref_slice %arg5[%add3A_97, %dma_start3A_104] : memref<6400x50xi32, #tpu.memory_space<hbm>> -> memref<40x50xi32, #tpu.memory_space<hbm>>
          tpu.enqueue_dma source(%dma_start3A_105 : memref<40x50xi32, #tpu.memory_space<hbm>>) target(%dma_start3A_103 : memref<40x50xi32, #tpu.memory_space<vmem>>) target_semaphore(%arg21 : memref<!tpu.dma_semaphore, #tpu.memory_space<semaphore_mem>>)
        } else {
        }
        %scan3A_74 = arith.constant 0 : i32
        %scan3A_75 = arith.constant 0 : i32
        %scan3A_76 = arith.constant 10 : i32
        %scan3A_77 = arith.addi %scan3A_75, %scan3A_76 : i32
        %scan3A_78 = arith.constant 1 : i32
        scf.for %scan3A_80 = %scan3A_75 to %scan3A_77 step %scan3A_78  : i32 {
          %mul3A_81 = arith.constant 4 : i32
          %mul3A_82 = arith.muli %mul3A_81, %scan3A_80 : i32
          %eq3A_83 = arith.constant 9 : i32
          %eq3A_84 = arith.cmpi eq, %scan3A_80, %eq3A_83 : i32
          %add3A_85 = arith.addi %mul3A_62, %mul3A_82 : i32
          %add3A_86 = arith.constant 0 : i32
          %add3A_87 = arith.addi %add3A_85, %add3A_86 : i32
          %dma_wait3A_88 = arith.constant 0 : i32
          %dma_wait3A_89 = tpu.memref_slice %arg9[%add3A_87, %dma_wait3A_88] : memref<80x50xi32, #tpu.memory_space<vmem>> -> memref<1x50xi32, #tpu.memory_space<vmem>>
          %dma_wait3A_90 = tpu.memref_squeeze %dma_wait3A_89 : memref<1x50xi32, #tpu.memory_space<vmem>> -> memref<50xi32, #tpu.memory_space<vmem>>
          %dma_wait3A_91 = arith.constant 0 : i32
          %dma_wait3A_92 = arith.constant 0 : i32
          %dma_wait3A_93 = tpu.memref_slice %arg2[%dma_wait3A_91, %dma_wait3A_92] : memref<10000x128xf32, #tpu.memory_space<hbm>> -> memref<10000x128xf32, #tpu.memory_space<hbm>>
          tpu.wait_indirect_dma semaphore(%arg16 : memref<!tpu.dma_semaphore, #tpu.memory_space<semaphore_mem>>) src(%dma_wait3A_93 : memref<10000x128xf32, #tpu.memory_space<hbm>>) dst(%arg11 : memref<50x128xf32, #tpu.memory_space<vmem>>)
          %add3A_94 = arith.constant 0 : i32
          %add3A_95 = arith.addi %mul3A_82, %add3A_94 : i32
          %add3A_96 = arith.constant 3 : i32
          %add3A_97 = arith.addi %add3A_95, %add3A_96 : i32
          %lt3A_98 = arith.constant 40 : i32
          %lt3A_99 = arith.cmpi slt, %add3A_97, %lt3A_98 : i32
          %add3A_100 = arith.addi %mul3A_62, %add3A_97 : i32
          %add3A_101 = arith.addi %mul3A_67, %add3A_97 : i32
          %sub3A = arith.constant 40 : i32
          %sub3A_102 = arith.subi %add3A_101, %sub3A : i32
          %select_n3A = arith.select %lt3A_99, %add3A_100, %sub3A_102 : i32
          %lt3A_103 = arith.constant 40 : i32
          %lt3A_104 = arith.cmpi slt, %add3A_97, %lt3A_103 : i32
          %add3A_105 = arith.constant 1 : i32
          %add3A_106 = arith.addi %scan3A_59, %add3A_105 : i32
          %lt3A_107 = arith.constant 10 : i32
          %lt3A_108 = arith.cmpi slt, %add3A_106, %lt3A_107 : i32
          %or3A = arith.ori %lt3A_104, %lt3A_108 : i1
          %convert_element_type3A_109 = arith.extui %or3A : i1 to i32
          %cond3A_110 = arith.constant 0 : i32
          %cond3A_111 = arith.cmpi ne, %convert_element_type3A_109, %cond3A_110 : i32
          scf.if %cond3A_111 {
            %dma_start3A_209 = arith.constant 0 : i32
            %dma_start3A_210 = tpu.memref_slice %arg9[%select_n3A, %dma_start3A_209] : memref<80x50xi32, #tpu.memory_space<vmem>> -> memref<1x50xi32, #tpu.memory_space<vmem>>
            %dma_start3A_211 = tpu.memref_squeeze %dma_start3A_210 : memref<1x50xi32, #tpu.memory_space<vmem>> -> memref<50xi32, #tpu.memory_space<vmem>>
            %dma_start3A_212 = arith.constant 0 : i32
            %dma_start3A_213 = arith.constant 0 : i32
            %dma_start3A_214 = tpu.memref_slice %arg2[%dma_start3A_212, %dma_start3A_213] : memref<10000x128xf32, #tpu.memory_space<hbm>> -> memref<10000x128xf32, #tpu.memory_space<hbm>>
            tpu.enqueue_indirect_dma source(%dma_start3A_214 : memref<10000x128xf32, #tpu.memory_space<hbm>>) target(%arg14 : memref<50x128xf32, #tpu.memory_space<vmem>>) offsets(%dma_start3A_211 : memref<50xi32, #tpu.memory_space<vmem>>) semaphore(%arg19 : memref<!tpu.dma_semaphore, #tpu.memory_space<semaphore_mem>>)
          } else {
          }
          "tpu.region"() ({
            %run_scoped3A = tpu.sem_alloc : memref<!tpu.dma_semaphore, #tpu.memory_space<semaphore_mem>>
            %dma_start3A_209 = arith.constant 0 : i32
            %dma_start3A_210 = tpu.memref_slice %arg10[%add3A_87, %dma_start3A_209] : memref<80x50xi32, #tpu.memory_space<vmem>> -> memref<1x50xi32, #tpu.memory_space<vmem>>
            %dma_start3A_211 = tpu.memref_squeeze %dma_start3A_210 : memref<1x50xi32, #tpu.memory_space<vmem>> -> memref<50xi32, #tpu.memory_space<vmem>>
            %dma_start3A_212 = arith.constant 0 : i32
            %dma_start3A_213 = arith.constant 0 : i32
            %dma_start3A_214 = tpu.memref_slice %arg15[%dma_start3A_212, %dma_start3A_213] : memref<10240x128xf32, #tpu.memory_space<vmem_shared>> -> memref<10240x128xf32, #tpu.memory_space<vmem_shared>>
            tpu.enqueue_indirect_dma source(%arg11 : memref<50x128xf32, #tpu.memory_space<vmem>>) target(%dma_start3A_214 : memref<10240x128xf32, #tpu.memory_space<vmem_shared>>) offsets(%dma_start3A_211 : memref<50xi32, #tpu.memory_space<vmem>>) semaphore(%run_scoped3A : memref<!tpu.dma_semaphore, #tpu.memory_space<semaphore_mem>>) {add = true}
            %dma_wait3A_215 = arith.constant 0 : i32
            %dma_wait3A_216 = tpu.memref_slice %arg10[%add3A_87, %dma_wait3A_215] : memref<80x50xi32, #tpu.memory_space<vmem>> -> memref<1x50xi32, #tpu.memory_space<vmem>>
            %dma_wait3A_217 = tpu.memref_squeeze %dma_wait3A_216 : memref<1x50xi32, #tpu.memory_space<vmem>> -> memref<50xi32, #tpu.memory_space<vmem>>
            %dma_wait3A_218 = arith.constant 0 : i32
            %dma_wait3A_219 = arith.constant 0 : i32
            %dma_wait3A_220 = tpu.memref_slice %arg15[%dma_wait3A_218, %dma_wait3A_219] : memref<10240x128xf32, #tpu.memory_space<vmem_shared>> -> memref<10240x128xf32, #tpu.memory_space<vmem_shared>>
            tpu.wait_indirect_dma semaphore(%run_scoped3A : memref<!tpu.dma_semaphore, #tpu.memory_space<semaphore_mem>>) src(%arg11 : memref<50x128xf32, #tpu.memory_space<vmem>>) dst(%dma_wait3A_220 : memref<10240x128xf32, #tpu.memory_space<vmem_shared>>)
            tpu.yield
          }) : () -> ()
          %add3A_112 = arith.constant 1 : i32
          %add3A_113 = arith.addi %scan3A_59, %add3A_112 : i32
          %lt3A_114 = arith.constant 10 : i32
          %lt3A_115 = arith.cmpi slt, %add3A_113, %lt3A_114 : i32
          %and3A = arith.andi %eq3A_84, %lt3A_115 : i1
          %convert_element_type3A_116 = arith.extui %and3A : i1 to i32
          %cond3A_117 = arith.constant 0 : i32
          %cond3A_118 = arith.cmpi ne, %convert_element_type3A_116, %cond3A_117 : i32
          scf.if %cond3A_118 {
            %dma_wait3A_209 = arith.constant 0 : i32
            %dma_wait3A_210 = tpu.memref_slice %arg9[%mul3A_67, %dma_wait3A_209] : memref<80x50xi32, #tpu.memory_space<vmem>> -> memref<40x50xi32, #tpu.memory_space<vmem>>
            %dma_wait3A_211 = arith.constant 0 : i32
            %dma_wait3A_212 = tpu.memref_slice %arg4[%mul3A_0, %dma_wait3A_211] : memref<6400x50xi32, #tpu.memory_space<hbm>> -> memref<40x50xi32, #tpu.memory_space<hbm>>
            %dma_wait3A_213 = arith.constant 0 : i32
            %dma_wait3A_214 = tpu.memref_slice %arg9[%mul3A_67, %dma_wait3A_213] : memref<80x50xi32, #tpu.memory_space<vmem>> -> memref<40x50xi32, #tpu.memory_space<vmem>>
            %dma_wait3A_215 = arith.constant 0 : i32
            %dma_wait3A_216 = tpu.memref_slice %arg4[%mul3A_0, %dma_wait3A_215] : memref<6400x50xi32, #tpu.memory_space<hbm>> -> memref<40x50xi32, #tpu.memory_space<hbm>>
            tpu.wait_dma2 semaphore(%arg20 : memref<!tpu.dma_semaphore, #tpu.memory_space<semaphore_mem>>) src(%dma_wait3A_216 : memref<40x50xi32, #tpu.memory_space<hbm>>) dst(%dma_wait3A_214 : memref<40x50xi32, #tpu.memory_space<vmem>>)
            %dma_wait3A_217 = arith.constant 0 : i32
            %dma_wait3A_218 = tpu.memref_slice %arg10[%mul3A_67, %dma_wait3A_217] : memref<80x50xi32, #tpu.memory_space<vmem>> -> memref<40x50xi32, #tpu.memory_space<vmem>>
            %dma_wait3A_219 = arith.constant 0 : i32
            %dma_wait3A_220 = tpu.memref_slice %arg5[%mul3A_0, %dma_wait3A_219] : memref<6400x50xi32, #tpu.memory_space<hbm>> -> memref<40x50xi32, #tpu.memory_space<hbm>>
            %dma_wait3A_221 = arith.constant 0 : i32
            %dma_wait3A_222 = tpu.memref_slice %arg10[%mul3A_67, %dma_wait3A_221] : memref<80x50xi32, #tpu.memory_space<vmem>> -> memref<40x50xi32, #tpu.memory_space<vmem>>
            %dma_wait3A_223 = arith.constant 0 : i32
            %dma_wait3A_224 = tpu.memref_slice %arg5[%mul3A_0, %dma_wait3A_223] : memref<6400x50xi32, #tpu.memory_space<hbm>> -> memref<40x50xi32, #tpu.memory_space<hbm>>
            tpu.wait_dma2 semaphore(%arg21 : memref<!tpu.dma_semaphore, #tpu.memory_space<semaphore_mem>>) src(%dma_wait3A_224 : memref<40x50xi32, #tpu.memory_space<hbm>>) dst(%dma_wait3A_222 : memref<40x50xi32, #tpu.memory_space<vmem>>)
          } else {
          }
          %add3A_119 = arith.addi %mul3A_62, %mul3A_82 : i32
          %add3A_120 = arith.constant 1 : i32
          %add3A_121 = arith.addi %add3A_119, %add3A_120 : i32
          %dma_wait3A_122 = arith.constant 0 : i32
          %dma_wait3A_123 = tpu.memref_slice %arg9[%add3A_121, %dma_wait3A_122] : memref<80x50xi32, #tpu.memory_space<vmem>> -> memref<1x50xi32, #tpu.memory_space<vmem>>
          %dma_wait3A_124 = tpu.memref_squeeze %dma_wait3A_123 : memref<1x50xi32, #tpu.memory_space<vmem>> -> memref<50xi32, #tpu.memory_space<vmem>>
          %dma_wait3A_125 = arith.constant 0 : i32
          %dma_wait3A_126 = arith.constant 0 : i32
          %dma_wait3A_127 = tpu.memref_slice %arg2[%dma_wait3A_125, %dma_wait3A_126] : memref<10000x128xf32, #tpu.memory_space<hbm>> -> memref<10000x128xf32, #tpu.memory_space<hbm>>
          tpu.wait_indirect_dma semaphore(%arg17 : memref<!tpu.dma_semaphore, #tpu.memory_space<semaphore_mem>>) src(%dma_wait3A_127 : memref<10000x128xf32, #tpu.memory_space<hbm>>) dst(%arg12 : memref<50x128xf32, #tpu.memory_space<vmem>>)
          %add3A_128 = arith.constant 1 : i32
          %add3A_129 = arith.addi %mul3A_82, %add3A_128 : i32
          %add3A_130 = arith.constant 3 : i32
          %add3A_131 = arith.addi %add3A_129, %add3A_130 : i32
          %lt3A_132 = arith.constant 40 : i32
          %lt3A_133 = arith.cmpi slt, %add3A_131, %lt3A_132 : i32
          %add3A_134 = arith.addi %mul3A_62, %add3A_131 : i32
          %add3A_135 = arith.addi %mul3A_67, %add3A_131 : i32
          %sub3A_136 = arith.constant 40 : i32
          %sub3A_137 = arith.subi %add3A_135, %sub3A_136 : i32
          %select_n3A_138 = arith.select %lt3A_133, %add3A_134, %sub3A_137 : i32
          %lt3A_139 = arith.constant 40 : i32
          %lt3A_140 = arith.cmpi slt, %add3A_131, %lt3A_139 : i32
          %add3A_141 = arith.constant 1 : i32
          %add3A_142 = arith.addi %scan3A_59, %add3A_141 : i32
          %lt3A_143 = arith.constant 10 : i32
          %lt3A_144 = arith.cmpi slt, %add3A_142, %lt3A_143 : i32
          %or3A_145 = arith.ori %lt3A_140, %lt3A_144 : i1
          %convert_element_type3A_146 = arith.extui %or3A_145 : i1 to i32
          %cond3A_147 = arith.constant 0 : i32
          %cond3A_148 = arith.cmpi ne, %convert_element_type3A_146, %cond3A_147 : i32
          scf.if %cond3A_148 {
            %dma_start3A_209 = arith.constant 0 : i32
            %dma_start3A_210 = tpu.memref_slice %arg9[%select_n3A_138, %dma_start3A_209] : memref<80x50xi32, #tpu.memory_space<vmem>> -> memref<1x50xi32, #tpu.memory_space<vmem>>
            %dma_start3A_211 = tpu.memref_squeeze %dma_start3A_210 : memref<1x50xi32, #tpu.memory_space<vmem>> -> memref<50xi32, #tpu.memory_space<vmem>>
            %dma_start3A_212 = arith.constant 0 : i32
            %dma_start3A_213 = arith.constant 0 : i32
            %dma_start3A_214 = tpu.memref_slice %arg2[%dma_start3A_212, %dma_start3A_213] : memref<10000x128xf32, #tpu.memory_space<hbm>> -> memref<10000x128xf32, #tpu.memory_space<hbm>>
            tpu.enqueue_indirect_dma source(%dma_start3A_214 : memref<10000x128xf32, #tpu.memory_space<hbm>>) target(%arg11 : memref<50x128xf32, #tpu.memory_space<vmem>>) offsets(%dma_start3A_211 : memref<50xi32, #tpu.memory_space<vmem>>) semaphore(%arg16 : memref<!tpu.dma_semaphore, #tpu.memory_space<semaphore_mem>>)
          } else {
          }
          "tpu.region"() ({
            %run_scoped3A = tpu.sem_alloc : memref<!tpu.dma_semaphore, #tpu.memory_space<semaphore_mem>>
            %dma_start3A_209 = arith.constant 0 : i32
            %dma_start3A_210 = tpu.memref_slice %arg10[%add3A_121, %dma_start3A_209] : memref<80x50xi32, #tpu.memory_space<vmem>> -> memref<1x50xi32, #tpu.memory_space<vmem>>
            %dma_start3A_211 = tpu.memref_squeeze %dma_start3A_210 : memref<1x50xi32, #tpu.memory_space<vmem>> -> memref<50xi32, #tpu.memory_space<vmem>>
            %dma_start3A_212 = arith.constant 0 : i32
            %dma_start3A_213 = arith.constant 0 : i32
            %dma_start3A_214 = tpu.memref_slice %arg15[%dma_start3A_212, %dma_start3A_213] : memref<10240x128xf32, #tpu.memory_space<vmem_shared>> -> memref<10240x128xf32, #tpu.memory_space<vmem_shared>>
            tpu.enqueue_indirect_dma source(%arg12 : memref<50x128xf32, #tpu.memory_space<vmem>>) target(%dma_start3A_214 : memref<10240x128xf32, #tpu.memory_space<vmem_shared>>) offsets(%dma_start3A_211 : memref<50xi32, #tpu.memory_space<vmem>>) semaphore(%run_scoped3A : memref<!tpu.dma_semaphore, #tpu.memory_space<semaphore_mem>>) {add = true}
            %dma_wait3A_215 = arith.constant 0 : i32
            %dma_wait3A_216 = tpu.memref_slice %arg10[%add3A_121, %dma_wait3A_215] : memref<80x50xi32, #tpu.memory_space<vmem>> -> memref<1x50xi32, #tpu.memory_space<vmem>>
            %dma_wait3A_217 = tpu.memref_squeeze %dma_wait3A_216 : memref<1x50xi32, #tpu.memory_space<vmem>> -> memref<50xi32, #tpu.memory_space<vmem>>
            %dma_wait3A_218 = arith.constant 0 : i32
            %dma_wait3A_219 = arith.constant 0 : i32
            %dma_wait3A_220 = tpu.memref_slice %arg15[%dma_wait3A_218, %dma_wait3A_219] : memref<10240x128xf32, #tpu.memory_space<vmem_shared>> -> memref<10240x128xf32, #tpu.memory_space<vmem_shared>>
            tpu.wait_indirect_dma semaphore(%run_scoped3A : memref<!tpu.dma_semaphore, #tpu.memory_space<semaphore_mem>>) src(%arg12 : memref<50x128xf32, #tpu.memory_space<vmem>>) dst(%dma_wait3A_220 : memref<10240x128xf32, #tpu.memory_space<vmem_shared>>)
            tpu.yield
          }) : () -> ()
          %add3A_149 = arith.addi %mul3A_62, %mul3A_82 : i32
          %add3A_150 = arith.constant 2 : i32
          %add3A_151 = arith.addi %add3A_149, %add3A_150 : i32
          %dma_wait3A_152 = arith.constant 0 : i32
          %dma_wait3A_153 = tpu.memref_slice %arg9[%add3A_151, %dma_wait3A_152] : memref<80x50xi32, #tpu.memory_space<vmem>> -> memref<1x50xi32, #tpu.memory_space<vmem>>
          %dma_wait3A_154 = tpu.memref_squeeze %dma_wait3A_153 : memref<1x50xi32, #tpu.memory_space<vmem>> -> memref<50xi32, #tpu.memory_space<vmem>>
          %dma_wait3A_155 = arith.constant 0 : i32
          %dma_wait3A_156 = arith.constant 0 : i32
          %dma_wait3A_157 = tpu.memref_slice %arg2[%dma_wait3A_155, %dma_wait3A_156] : memref<10000x128xf32, #tpu.memory_space<hbm>> -> memref<10000x128xf32, #tpu.memory_space<hbm>>
          tpu.wait_indirect_dma semaphore(%arg18 : memref<!tpu.dma_semaphore, #tpu.memory_space<semaphore_mem>>) src(%dma_wait3A_157 : memref<10000x128xf32, #tpu.memory_space<hbm>>) dst(%arg13 : memref<50x128xf32, #tpu.memory_space<vmem>>)
          %add3A_158 = arith.constant 2 : i32
          %add3A_159 = arith.addi %mul3A_82, %add3A_158 : i32
          %add3A_160 = arith.constant 3 : i32
          %add3A_161 = arith.addi %add3A_159, %add3A_160 : i32
          %lt3A_162 = arith.constant 40 : i32
          %lt3A_163 = arith.cmpi slt, %add3A_161, %lt3A_162 : i32
          %add3A_164 = arith.addi %mul3A_62, %add3A_161 : i32
          %add3A_165 = arith.addi %mul3A_67, %add3A_161 : i32
          %sub3A_166 = arith.constant 40 : i32
          %sub3A_167 = arith.subi %add3A_165, %sub3A_166 : i32
          %select_n3A_168 = arith.select %lt3A_163, %add3A_164, %sub3A_167 : i32
          %lt3A_169 = arith.constant 40 : i32
          %lt3A_170 = arith.cmpi slt, %add3A_161, %lt3A_169 : i32
          %add3A_171 = arith.constant 1 : i32
          %add3A_172 = arith.addi %scan3A_59, %add3A_171 : i32
          %lt3A_173 = arith.constant 10 : i32
          %lt3A_174 = arith.cmpi slt, %add3A_172, %lt3A_173 : i32
          %or3A_175 = arith.ori %lt3A_170, %lt3A_174 : i1
          %convert_element_type3A_176 = arith.extui %or3A_175 : i1 to i32
          %cond3A_177 = arith.constant 0 : i32
          %cond3A_178 = arith.cmpi ne, %convert_element_type3A_176, %cond3A_177 : i32
          scf.if %cond3A_178 {
            %dma_start3A_209 = arith.constant 0 : i32
            %dma_start3A_210 = tpu.memref_slice %arg9[%select_n3A_168, %dma_start3A_209] : memref<80x50xi32, #tpu.memory_space<vmem>> -> memref<1x50xi32, #tpu.memory_space<vmem>>
            %dma_start3A_211 = tpu.memref_squeeze %dma_start3A_210 : memref<1x50xi32, #tpu.memory_space<vmem>> -> memref<50xi32, #tpu.memory_space<vmem>>
            %dma_start3A_212 = arith.constant 0 : i32
            %dma_start3A_213 = arith.constant 0 : i32
            %dma_start3A_214 = tpu.memref_slice %arg2[%dma_start3A_212, %dma_start3A_213] : memref<10000x128xf32, #tpu.memory_space<hbm>> -> memref<10000x128xf32, #tpu.memory_space<hbm>>
            tpu.enqueue_indirect_dma source(%dma_start3A_214 : memref<10000x128xf32, #tpu.memory_space<hbm>>) target(%arg12 : memref<50x128xf32, #tpu.memory_space<vmem>>) offsets(%dma_start3A_211 : memref<50xi32, #tpu.memory_space<vmem>>) semaphore(%arg17 : memref<!tpu.dma_semaphore, #tpu.memory_space<semaphore_mem>>)
          } else {
          }
          "tpu.region"() ({
            %run_scoped3A = tpu.sem_alloc : memref<!tpu.dma_semaphore, #tpu.memory_space<semaphore_mem>>
            %dma_start3A_209 = arith.constant 0 : i32
            %dma_start3A_210 = tpu.memref_slice %arg10[%add3A_151, %dma_start3A_209] : memref<80x50xi32, #tpu.memory_space<vmem>> -> memref<1x50xi32, #tpu.memory_space<vmem>>
            %dma_start3A_211 = tpu.memref_squeeze %dma_start3A_210 : memref<1x50xi32, #tpu.memory_space<vmem>> -> memref<50xi32, #tpu.memory_space<vmem>>
            %dma_start3A_212 = arith.constant 0 : i32
            %dma_start3A_213 = arith.constant 0 : i32
            %dma_start3A_214 = tpu.memref_slice %arg15[%dma_start3A_212, %dma_start3A_213] : memref<10240x128xf32, #tpu.memory_space<vmem_shared>> -> memref<10240x128xf32, #tpu.memory_space<vmem_shared>>
            tpu.enqueue_indirect_dma source(%arg13 : memref<50x128xf32, #tpu.memory_space<vmem>>) target(%dma_start3A_214 : memref<10240x128xf32, #tpu.memory_space<vmem_shared>>) offsets(%dma_start3A_211 : memref<50xi32, #tpu.memory_space<vmem>>) semaphore(%run_scoped3A : memref<!tpu.dma_semaphore, #tpu.memory_space<semaphore_mem>>) {add = true}
            %dma_wait3A_215 = arith.constant 0 : i32
            %dma_wait3A_216 = tpu.memref_slice %arg10[%add3A_151, %dma_wait3A_215] : memref<80x50xi32, #tpu.memory_space<vmem>> -> memref<1x50xi32, #tpu.memory_space<vmem>>
            %dma_wait3A_217 = tpu.memref_squeeze %dma_wait3A_216 : memref<1x50xi32, #tpu.memory_space<vmem>> -> memref<50xi32, #tpu.memory_space<vmem>>
            %dma_wait3A_218 = arith.constant 0 : i32
            %dma_wait3A_219 = arith.constant 0 : i32
            %dma_wait3A_220 = tpu.memref_slice %arg15[%dma_wait3A_218, %dma_wait3A_219] : memref<10240x128xf32, #tpu.memory_space<vmem_shared>> -> memref<10240x128xf32, #tpu.memory_space<vmem_shared>>
            tpu.wait_indirect_dma semaphore(%run_scoped3A : memref<!tpu.dma_semaphore, #tpu.memory_space<semaphore_mem>>) src(%arg13 : memref<50x128xf32, #tpu.memory_space<vmem>>) dst(%dma_wait3A_220 : memref<10240x128xf32, #tpu.memory_space<vmem_shared>>)
            tpu.yield
          }) : () -> ()
          %add3A_179 = arith.addi %mul3A_62, %mul3A_82 : i32
          %add3A_180 = arith.constant 3 : i32
          %add3A_181 = arith.addi %add3A_179, %add3A_180 : i32
          %dma_wait3A_182 = arith.constant 0 : i32
          %dma_wait3A_183 = tpu.memref_slice %arg9[%add3A_181, %dma_wait3A_182] : memref<80x50xi32, #tpu.memory_space<vmem>> -> memref<1x50xi32, #tpu.memory_space<vmem>>
          %dma_wait3A_184 = tpu.memref_squeeze %dma_wait3A_183 : memref<1x50xi32, #tpu.memory_space<vmem>> -> memref<50xi32, #tpu.memory_space<vmem>>
          %dma_wait3A_185 = arith.constant 0 : i32
          %dma_wait3A_186 = arith.constant 0 : i32
          %dma_wait3A_187 = tpu.memref_slice %arg2[%dma_wait3A_185, %dma_wait3A_186] : memref<10000x128xf32, #tpu.memory_space<hbm>> -> memref<10000x128xf32, #tpu.memory_space<hbm>>
          tpu.wait_indirect_dma semaphore(%arg19 : memref<!tpu.dma_semaphore, #tpu.memory_space<semaphore_mem>>) src(%dma_wait3A_187 : memref<10000x128xf32, #tpu.memory_space<hbm>>) dst(%arg14 : memref<50x128xf32, #tpu.memory_space<vmem>>)
          %add3A_188 = arith.constant 3 : i32
          %add3A_189 = arith.addi %mul3A_82, %add3A_188 : i32
          %add3A_190 = arith.constant 3 : i32
          %add3A_191 = arith.addi %add3A_189, %add3A_190 : i32
          %lt3A_192 = arith.constant 40 : i32
          %lt3A_193 = arith.cmpi slt, %add3A_191, %lt3A_192 : i32
          %add3A_194 = arith.addi %mul3A_62, %add3A_191 : i32
          %add3A_195 = arith.addi %mul3A_67, %add3A_191 : i32
          %sub3A_196 = arith.constant 40 : i32
          %sub3A_197 = arith.subi %add3A_195, %sub3A_196 : i32
          %select_n3A_198 = arith.select %lt3A_193, %add3A_194, %sub3A_197 : i32
          %lt3A_199 = arith.constant 40 : i32
          %lt3A_200 = arith.cmpi slt, %add3A_191, %lt3A_199 : i32
          %add3A_201 = arith.constant 1 : i32
          %add3A_202 = arith.addi %scan3A_59, %add3A_201 : i32
          %lt3A_203 = arith.constant 10 : i32
          %lt3A_204 = arith.cmpi slt, %add3A_202, %lt3A_203 : i32
          %or3A_205 = arith.ori %lt3A_200, %lt3A_204 : i1
          %convert_element_type3A_206 = arith.extui %or3A_205 : i1 to i32
          %cond3A_207 = arith.constant 0 : i32
          %cond3A_208 = arith.cmpi ne, %convert_element_type3A_206, %cond3A_207 : i32
          scf.if %cond3A_208 {
            %dma_start3A_209 = arith.constant 0 : i32
            %dma_start3A_210 = tpu.memref_slice %arg9[%select_n3A_198, %dma_start3A_209] : memref<80x50xi32, #tpu.memory_space<vmem>> -> memref<1x50xi32, #tpu.memory_space<vmem>>
            %dma_start3A_211 = tpu.memref_squeeze %dma_start3A_210 : memref<1x50xi32, #tpu.memory_space<vmem>> -> memref<50xi32, #tpu.memory_space<vmem>>
            %dma_start3A_212 = arith.constant 0 : i32
            %dma_start3A_213 = arith.constant 0 : i32
            %dma_start3A_214 = tpu.memref_slice %arg2[%dma_start3A_212, %dma_start3A_213] : memref<10000x128xf32, #tpu.memory_space<hbm>> -> memref<10000x128xf32, #tpu.memory_space<hbm>>
            tpu.enqueue_indirect_dma source(%dma_start3A_214 : memref<10000x128xf32, #tpu.memory_space<hbm>>) target(%arg13 : memref<50x128xf32, #tpu.memory_space<vmem>>) offsets(%dma_start3A_211 : memref<50xi32, #tpu.memory_space<vmem>>) semaphore(%arg18 : memref<!tpu.dma_semaphore, #tpu.memory_space<semaphore_mem>>)
          } else {
          }
          "tpu.region"() ({
            %run_scoped3A = tpu.sem_alloc : memref<!tpu.dma_semaphore, #tpu.memory_space<semaphore_mem>>
            %dma_start3A_209 = arith.constant 0 : i32
            %dma_start3A_210 = tpu.memref_slice %arg10[%add3A_181, %dma_start3A_209] : memref<80x50xi32, #tpu.memory_space<vmem>> -> memref<1x50xi32, #tpu.memory_space<vmem>>
            %dma_start3A_211 = tpu.memref_squeeze %dma_start3A_210 : memref<1x50xi32, #tpu.memory_space<vmem>> -> memref<50xi32, #tpu.memory_space<vmem>>
            %dma_start3A_212 = arith.constant 0 : i32
            %dma_start3A_213 = arith.constant 0 : i32
            %dma_start3A_214 = tpu.memref_slice %arg15[%dma_start3A_212, %dma_start3A_213] : memref<10240x128xf32, #tpu.memory_space<vmem_shared>> -> memref<10240x128xf32, #tpu.memory_space<vmem_shared>>
            tpu.enqueue_indirect_dma source(%arg14 : memref<50x128xf32, #tpu.memory_space<vmem>>) target(%dma_start3A_214 : memref<10240x128xf32, #tpu.memory_space<vmem_shared>>) offsets(%dma_start3A_211 : memref<50xi32, #tpu.memory_space<vmem>>) semaphore(%run_scoped3A : memref<!tpu.dma_semaphore, #tpu.memory_space<semaphore_mem>>) {add = true}
            %dma_wait3A_215 = arith.constant 0 : i32
            %dma_wait3A_216 = tpu.memref_slice %arg10[%add3A_181, %dma_wait3A_215] : memref<80x50xi32, #tpu.memory_space<vmem>> -> memref<1x50xi32, #tpu.memory_space<vmem>>
            %dma_wait3A_217 = tpu.memref_squeeze %dma_wait3A_216 : memref<1x50xi32, #tpu.memory_space<vmem>> -> memref<50xi32, #tpu.memory_space<vmem>>
            %dma_wait3A_218 = arith.constant 0 : i32
            %dma_wait3A_219 = arith.constant 0 : i32
            %dma_wait3A_220 = tpu.memref_slice %arg15[%dma_wait3A_218, %dma_wait3A_219] : memref<10240x128xf32, #tpu.memory_space<vmem_shared>> -> memref<10240x128xf32, #tpu.memory_space<vmem_shared>>
            tpu.wait_indirect_dma semaphore(%run_scoped3A : memref<!tpu.dma_semaphore, #tpu.memory_space<semaphore_mem>>) src(%arg14 : memref<50x128xf32, #tpu.memory_space<vmem>>) dst(%dma_wait3A_220 : memref<10240x128xf32, #tpu.memory_space<vmem_shared>>)
            tpu.yield
          }) : () -> ()
        }
        %scan3A_79 = arith.constant 10 : i32
      }
      %scan3A_58 = arith.constant 10 : i32
    } else {
    }
    %eq3A_10 = arith.constant 1 : i32
    %eq3A_11 = arith.cmpi eq, %arg0, %eq3A_10 : i32
    %convert_element_type3A_12 = arith.extui %eq3A_11 : i1 to i32
    %cond3A_13 = arith.constant 0 : i32
    %cond3A_14 = arith.cmpi ne, %convert_element_type3A_12, %cond3A_13 : i32
    scf.if %cond3A_14 {
      "tpu.region"() ({
        %run_scoped3A = tpu.sem_alloc : memref<!tpu.dma_semaphore, #tpu.memory_space<semaphore_mem>>
        %dma_start3A_59 = arith.constant 0 : i32
        %dma_start3A_60 = arith.constant 0 : i32
        %dma_start3A_61 = tpu.memref_slice %arg9[%dma_start3A_59, %dma_start3A_60] : memref<80x50xi32, #tpu.memory_space<vmem>> -> memref<40x50xi32, #tpu.memory_space<vmem>>
        %dma_start3A_62 = arith.constant 0 : i32
        %dma_start3A_63 = tpu.memref_slice %arg4[%mul3A_0, %dma_start3A_62] : memref<6400x50xi32, #tpu.memory_space<hbm>> -> memref<40x50xi32, #tpu.memory_space<hbm>>
        %dma_start3A_64 = arith.constant 0 : i32
        %dma_start3A_65 = arith.constant 0 : i32
        %dma_start3A_66 = tpu.memref_slice %arg9[%dma_start3A_64, %dma_start3A_65] : memref<80x50xi32, #tpu.memory_space<vmem>> -> memref<40x50xi32, #tpu.memory_space<vmem>>
        %dma_start3A_67 = arith.constant 0 : i32
        %dma_start3A_68 = tpu.memref_slice %arg4[%mul3A_0, %dma_start3A_67] : memref<6400x50xi32, #tpu.memory_space<hbm>> -> memref<40x50xi32, #tpu.memory_space<hbm>>
        tpu.enqueue_dma source(%dma_start3A_68 : memref<40x50xi32, #tpu.memory_space<hbm>>) target(%dma_start3A_66 : memref<40x50xi32, #tpu.memory_space<vmem>>) target_semaphore(%run_scoped3A : memref<!tpu.dma_semaphore, #tpu.memory_space<semaphore_mem>>)
        %dma_wait3A_69 = arith.constant 0 : i32
        %dma_wait3A_70 = arith.constant 0 : i32
        %dma_wait3A_71 = tpu.memref_slice %arg9[%dma_wait3A_69, %dma_wait3A_70] : memref<80x50xi32, #tpu.memory_space<vmem>> -> memref<40x50xi32, #tpu.memory_space<vmem>>
        %dma_wait3A_72 = arith.constant 0 : i32
        %dma_wait3A_73 = tpu.memref_slice %arg4[%mul3A_0, %dma_wait3A_72] : memref<6400x50xi32, #tpu.memory_space<hbm>> -> memref<40x50xi32, #tpu.memory_space<hbm>>
        %dma_wait3A_74 = arith.constant 0 : i32
        %dma_wait3A_75 = arith.constant 0 : i32
        %dma_wait3A_76 = tpu.memref_slice %arg9[%dma_wait3A_74, %dma_wait3A_75] : memref<80x50xi32, #tpu.memory_space<vmem>> -> memref<40x50xi32, #tpu.memory_space<vmem>>
        %dma_wait3A_77 = arith.constant 0 : i32
        %dma_wait3A_78 = tpu.memref_slice %arg4[%mul3A_0, %dma_wait3A_77] : memref<6400x50xi32, #tpu.memory_space<hbm>> -> memref<40x50xi32, #tpu.memory_space<hbm>>
        tpu.wait_dma2 semaphore(%run_scoped3A : memref<!tpu.dma_semaphore, #tpu.memory_space<semaphore_mem>>) src(%dma_wait3A_78 : memref<40x50xi32, #tpu.memory_space<hbm>>) dst(%dma_wait3A_76 : memref<40x50xi32, #tpu.memory_space<vmem>>)
        tpu.yield
      }) : () -> ()
      "tpu.region"() ({
        %run_scoped3A = tpu.sem_alloc : memref<!tpu.dma_semaphore, #tpu.memory_space<semaphore_mem>>
        %dma_start3A_59 = arith.constant 0 : i32
        %dma_start3A_60 = arith.constant 0 : i32
        %dma_start3A_61 = tpu.memref_slice %arg10[%dma_start3A_59, %dma_start3A_60] : memref<80x50xi32, #tpu.memory_space<vmem>> -> memref<40x50xi32, #tpu.memory_space<vmem>>
        %dma_start3A_62 = arith.constant 0 : i32
        %dma_start3A_63 = tpu.memref_slice %arg5[%mul3A_0, %dma_start3A_62] : memref<6400x50xi32, #tpu.memory_space<hbm>> -> memref<40x50xi32, #tpu.memory_space<hbm>>
        %dma_start3A_64 = arith.constant 0 : i32
        %dma_start3A_65 = arith.constant 0 : i32
        %dma_start3A_66 = tpu.memref_slice %arg10[%dma_start3A_64, %dma_start3A_65] : memref<80x50xi32, #tpu.memory_space<vmem>> -> memref<40x50xi32, #tpu.memory_space<vmem>>
        %dma_start3A_67 = arith.constant 0 : i32
        %dma_start3A_68 = tpu.memref_slice %arg5[%mul3A_0, %dma_start3A_67] : memref<6400x50xi32, #tpu.memory_space<hbm>> -> memref<40x50xi32, #tpu.memory_space<hbm>>
        tpu.enqueue_dma source(%dma_start3A_68 : memref<40x50xi32, #tpu.memory_space<hbm>>) target(%dma_start3A_66 : memref<40x50xi32, #tpu.memory_space<vmem>>) target_semaphore(%run_scoped3A : memref<!tpu.dma_semaphore, #tpu.memory_space<semaphore_mem>>)
        %dma_wait3A_69 = arith.constant 0 : i32
        %dma_wait3A_70 = arith.constant 0 : i32
        %dma_wait3A_71 = tpu.memref_slice %arg10[%dma_wait3A_69, %dma_wait3A_70] : memref<80x50xi32, #tpu.memory_space<vmem>> -> memref<40x50xi32, #tpu.memory_space<vmem>>
        %dma_wait3A_72 = arith.constant 0 : i32
        %dma_wait3A_73 = tpu.memref_slice %arg5[%mul3A_0, %dma_wait3A_72] : memref<6400x50xi32, #tpu.memory_space<hbm>> -> memref<40x50xi32, #tpu.memory_space<hbm>>
        %dma_wait3A_74 = arith.constant 0 : i32
        %dma_wait3A_75 = arith.constant 0 : i32
        %dma_wait3A_76 = tpu.memref_slice %arg10[%dma_wait3A_74, %dma_wait3A_75] : memref<80x50xi32, #tpu.memory_space<vmem>> -> memref<40x50xi32, #tpu.memory_space<vmem>>
        %dma_wait3A_77 = arith.constant 0 : i32
        %dma_wait3A_78 = tpu.memref_slice %arg5[%mul3A_0, %dma_wait3A_77] : memref<6400x50xi32, #tpu.memory_space<hbm>> -> memref<40x50xi32, #tpu.memory_space<hbm>>
        tpu.wait_dma2 semaphore(%run_scoped3A : memref<!tpu.dma_semaphore, #tpu.memory_space<semaphore_mem>>) src(%dma_wait3A_78 : memref<40x50xi32, #tpu.memory_space<hbm>>) dst(%dma_wait3A_76 : memref<40x50xi32, #tpu.memory_space<vmem>>)
        tpu.yield
      }) : () -> ()
      %dma_start3A_25 = arith.constant 0 : i32
      %dma_start3A_26 = arith.constant 0 : i32
      %dma_start3A_27 = tpu.memref_slice %arg9[%dma_start3A_25, %dma_start3A_26] : memref<80x50xi32, #tpu.memory_space<vmem>> -> memref<1x50xi32, #tpu.memory_space<vmem>>
      %dma_start3A_28 = tpu.memref_squeeze %dma_start3A_27 : memref<1x50xi32, #tpu.memory_space<vmem>> -> memref<50xi32, #tpu.memory_space<vmem>>
      %dma_start3A_29 = arith.constant 0 : i32
      %dma_start3A_30 = arith.constant 0 : i32
      %dma_start3A_31 = tpu.memref_slice %arg3[%dma_start3A_29, %dma_start3A_30] : memref<10000x128xf32, #tpu.memory_space<hbm>> -> memref<10000x128xf32, #tpu.memory_space<hbm>>
      tpu.enqueue_indirect_dma source(%dma_start3A_31 : memref<10000x128xf32, #tpu.memory_space<hbm>>) target(%arg11 : memref<50x128xf32, #tpu.memory_space<vmem>>) offsets(%dma_start3A_28 : memref<50xi32, #tpu.memory_space<vmem>>) semaphore(%arg16 : memref<!tpu.dma_semaphore, #tpu.memory_space<semaphore_mem>>)
      %dma_start3A_32 = arith.constant 1 : i32
      %dma_start3A_33 = arith.constant 0 : i32
      %dma_start3A_34 = tpu.memref_slice %arg9[%dma_start3A_32, %dma_start3A_33] : memref<80x50xi32, #tpu.memory_space<vmem>> -> memref<1x50xi32, #tpu.memory_space<vmem>>
      %dma_start3A_35 = tpu.memref_squeeze %dma_start3A_34 : memref<1x50xi32, #tpu.memory_space<vmem>> -> memref<50xi32, #tpu.memory_space<vmem>>
      %dma_start3A_36 = arith.constant 0 : i32
      %dma_start3A_37 = arith.constant 0 : i32
      %dma_start3A_38 = tpu.memref_slice %arg3[%dma_start3A_36, %dma_start3A_37] : memref<10000x128xf32, #tpu.memory_space<hbm>> -> memref<10000x128xf32, #tpu.memory_space<hbm>>
      tpu.enqueue_indirect_dma source(%dma_start3A_38 : memref<10000x128xf32, #tpu.memory_space<hbm>>) target(%arg12 : memref<50x128xf32, #tpu.memory_space<vmem>>) offsets(%dma_start3A_35 : memref<50xi32, #tpu.memory_space<vmem>>) semaphore(%arg17 : memref<!tpu.dma_semaphore, #tpu.memory_space<semaphore_mem>>)
      %dma_start3A_39 = arith.constant 2 : i32
      %dma_start3A_40 = arith.constant 0 : i32
      %dma_start3A_41 = tpu.memref_slice %arg9[%dma_start3A_39, %dma_start3A_40] : memref<80x50xi32, #tpu.memory_space<vmem>> -> memref<1x50xi32, #tpu.memory_space<vmem>>
      %dma_start3A_42 = tpu.memref_squeeze %dma_start3A_41 : memref<1x50xi32, #tpu.memory_space<vmem>> -> memref<50xi32, #tpu.memory_space<vmem>>
      %dma_start3A_43 = arith.constant 0 : i32
      %dma_start3A_44 = arith.constant 0 : i32
      %dma_start3A_45 = tpu.memref_slice %arg3[%dma_start3A_43, %dma_start3A_44] : memref<10000x128xf32, #tpu.memory_space<hbm>> -> memref<10000x128xf32, #tpu.memory_space<hbm>>
      tpu.enqueue_indirect_dma source(%dma_start3A_45 : memref<10000x128xf32, #tpu.memory_space<hbm>>) target(%arg13 : memref<50x128xf32, #tpu.memory_space<vmem>>) offsets(%dma_start3A_42 : memref<50xi32, #tpu.memory_space<vmem>>) semaphore(%arg18 : memref<!tpu.dma_semaphore, #tpu.memory_space<semaphore_mem>>)
      %mul3A_46 = arith.constant 640 : i32
      %mul3A_47 = arith.muli %arg1, %mul3A_46 : i32
      %mul3A_48 = arith.constant 640 : i32
      %mul3A_49 = arith.muli %arg1, %mul3A_48 : i32
      %dma_wait3A = arith.constant 0 : i32
      %dma_wait3A_50 = tpu.memref_slice %arg15[%mul3A_49, %dma_wait3A] : memref<10240x128xf32, #tpu.memory_space<vmem_shared>> -> memref<640x128xf32, #tpu.memory_space<vmem_shared>>
      %dma_wait3A_51 = arith.constant 0 : i32
      %dma_wait3A_52 = tpu.memref_slice %arg6[%mul3A_47, %dma_wait3A_51] : memref<10240x128xf32, #tpu.memory_space<hbm>> -> memref<640x128xf32, #tpu.memory_space<hbm>>
      tpu.wait_dma2 semaphore(%arg22 : memref<!tpu.dma_semaphore, #tpu.memory_space<semaphore_mem>>) src(%dma_wait3A_52 : memref<640x128xf32, #tpu.memory_space<hbm>>) dst(%dma_wait3A_50 : memref<640x128xf32, #tpu.memory_space<vmem_shared>>)
      %barrier3A_53 = arith.constant 0 : index
      tpu.barrier barrier_id(%barrier3A_53)
      %scan3A = arith.constant 0 : i32
      %scan3A_54 = arith.constant 0 : i32
      %scan3A_55 = arith.constant 10 : i32
      %scan3A_56 = arith.addi %scan3A_54, %scan3A_55 : i32
      %scan3A_57 = arith.constant 1 : i32
      scf.for %scan3A_59 = %scan3A_54 to %scan3A_56 step %scan3A_57  : i32 {
        %rem3A = arith.constant 2 : i32
        %rem3A_60 = arith.remsi %scan3A_59, %rem3A : i32
        %mul3A_61 = arith.constant 40 : i32
        %mul3A_62 = arith.muli %rem3A_60, %mul3A_61 : i32
        %add3A = arith.constant 1 : i32
        %add3A_63 = arith.addi %scan3A_59, %add3A : i32
        %rem3A_64 = arith.constant 2 : i32
        %rem3A_65 = arith.remsi %add3A_63, %rem3A_64 : i32
        %mul3A_66 = arith.constant 40 : i32
        %mul3A_67 = arith.muli %rem3A_65, %mul3A_66 : i32
        %add3A_68 = arith.constant 1 : i32
        %add3A_69 = arith.addi %scan3A_59, %add3A_68 : i32
        %lt3A = arith.constant 10 : i32
        %lt3A_70 = arith.cmpi slt, %add3A_69, %lt3A : i32
        %convert_element_type3A_71 = arith.extui %lt3A_70 : i1 to i32
        %cond3A_72 = arith.constant 0 : i32
        %cond3A_73 = arith.cmpi ne, %convert_element_type3A_71, %cond3A_72 : i32
        scf.if %cond3A_73 {
          %add3A_80 = arith.constant 1 : i32
          %add3A_81 = arith.addi %scan3A_59, %add3A_80 : i32
          %mul3A_82 = arith.constant 40 : i32
          %mul3A_83 = arith.muli %add3A_81, %mul3A_82 : i32
          %add3A_84 = arith.addi %mul3A_0, %mul3A_83 : i32
          %dma_start3A_85 = arith.constant 0 : i32
          %dma_start3A_86 = tpu.memref_slice %arg9[%mul3A_67, %dma_start3A_85] : memref<80x50xi32, #tpu.memory_space<vmem>> -> memref<40x50xi32, #tpu.memory_space<vmem>>
          %dma_start3A_87 = arith.constant 0 : i32
          %dma_start3A_88 = tpu.memref_slice %arg4[%add3A_84, %dma_start3A_87] : memref<6400x50xi32, #tpu.memory_space<hbm>> -> memref<40x50xi32, #tpu.memory_space<hbm>>
          %dma_start3A_89 = arith.constant 0 : i32
          %dma_start3A_90 = tpu.memref_slice %arg9[%mul3A_67, %dma_start3A_89] : memref<80x50xi32, #tpu.memory_space<vmem>> -> memref<40x50xi32, #tpu.memory_space<vmem>>
          %dma_start3A_91 = arith.constant 0 : i32
          %dma_start3A_92 = tpu.memref_slice %arg4[%add3A_84, %dma_start3A_91] : memref<6400x50xi32, #tpu.memory_space<hbm>> -> memref<40x50xi32, #tpu.memory_space<hbm>>
          tpu.enqueue_dma source(%dma_start3A_92 : memref<40x50xi32, #tpu.memory_space<hbm>>) target(%dma_start3A_90 : memref<40x50xi32, #tpu.memory_space<vmem>>) target_semaphore(%arg20 : memref<!tpu.dma_semaphore, #tpu.memory_space<semaphore_mem>>)
          %add3A_93 = arith.constant 1 : i32
          %add3A_94 = arith.addi %scan3A_59, %add3A_93 : i32
          %mul3A_95 = arith.constant 40 : i32
          %mul3A_96 = arith.muli %add3A_94, %mul3A_95 : i32
          %add3A_97 = arith.addi %mul3A_0, %mul3A_96 : i32
          %dma_start3A_98 = arith.constant 0 : i32
          %dma_start3A_99 = tpu.memref_slice %arg10[%mul3A_67, %dma_start3A_98] : memref<80x50xi32, #tpu.memory_space<vmem>> -> memref<40x50xi32, #tpu.memory_space<vmem>>
          %dma_start3A_100 = arith.constant 0 : i32
          %dma_start3A_101 = tpu.memref_slice %arg5[%add3A_97, %dma_start3A_100] : memref<6400x50xi32, #tpu.memory_space<hbm>> -> memref<40x50xi32, #tpu.memory_space<hbm>>
          %dma_start3A_102 = arith.constant 0 : i32
          %dma_start3A_103 = tpu.memref_slice %arg10[%mul3A_67, %dma_start3A_102] : memref<80x50xi32, #tpu.memory_space<vmem>> -> memref<40x50xi32, #tpu.memory_space<vmem>>
          %dma_start3A_104 = arith.constant 0 : i32
          %dma_start3A_105 = tpu.memref_slice %arg5[%add3A_97, %dma_start3A_104] : memref<6400x50xi32, #tpu.memory_space<hbm>> -> memref<40x50xi32, #tpu.memory_space<hbm>>
          tpu.enqueue_dma source(%dma_start3A_105 : memref<40x50xi32, #tpu.memory_space<hbm>>) target(%dma_start3A_103 : memref<40x50xi32, #tpu.memory_space<vmem>>) target_semaphore(%arg21 : memref<!tpu.dma_semaphore, #tpu.memory_space<semaphore_mem>>)
        } else {
        }
        %scan3A_74 = arith.constant 0 : i32
        %scan3A_75 = arith.constant 0 : i32
        %scan3A_76 = arith.constant 10 : i32
        %scan3A_77 = arith.addi %scan3A_75, %scan3A_76 : i32
        %scan3A_78 = arith.constant 1 : i32
        scf.for %scan3A_80 = %scan3A_75 to %scan3A_77 step %scan3A_78  : i32 {
          %mul3A_81 = arith.constant 4 : i32
          %mul3A_82 = arith.muli %mul3A_81, %scan3A_80 : i32
          %eq3A_83 = arith.constant 9 : i32
          %eq3A_84 = arith.cmpi eq, %scan3A_80, %eq3A_83 : i32
          %add3A_85 = arith.addi %mul3A_62, %mul3A_82 : i32
          %add3A_86 = arith.constant 0 : i32
          %add3A_87 = arith.addi %add3A_85, %add3A_86 : i32
          %dma_wait3A_88 = arith.constant 0 : i32
          %dma_wait3A_89 = tpu.memref_slice %arg9[%add3A_87, %dma_wait3A_88] : memref<80x50xi32, #tpu.memory_space<vmem>> -> memref<1x50xi32, #tpu.memory_space<vmem>>
          %dma_wait3A_90 = tpu.memref_squeeze %dma_wait3A_89 : memref<1x50xi32, #tpu.memory_space<vmem>> -> memref<50xi32, #tpu.memory_space<vmem>>
          %dma_wait3A_91 = arith.constant 0 : i32
          %dma_wait3A_92 = arith.constant 0 : i32
          %dma_wait3A_93 = tpu.memref_slice %arg3[%dma_wait3A_91, %dma_wait3A_92] : memref<10000x128xf32, #tpu.memory_space<hbm>> -> memref<10000x128xf32, #tpu.memory_space<hbm>>
          tpu.wait_indirect_dma semaphore(%arg16 : memref<!tpu.dma_semaphore, #tpu.memory_space<semaphore_mem>>) src(%dma_wait3A_93 : memref<10000x128xf32, #tpu.memory_space<hbm>>) dst(%arg11 : memref<50x128xf32, #tpu.memory_space<vmem>>)
          %add3A_94 = arith.constant 0 : i32
          %add3A_95 = arith.addi %mul3A_82, %add3A_94 : i32
          %add3A_96 = arith.constant 3 : i32
          %add3A_97 = arith.addi %add3A_95, %add3A_96 : i32
          %lt3A_98 = arith.constant 40 : i32
          %lt3A_99 = arith.cmpi slt, %add3A_97, %lt3A_98 : i32
          %add3A_100 = arith.addi %mul3A_62, %add3A_97 : i32
          %add3A_101 = arith.addi %mul3A_67, %add3A_97 : i32
          %sub3A = arith.constant 40 : i32
          %sub3A_102 = arith.subi %add3A_101, %sub3A : i32
          %select_n3A = arith.select %lt3A_99, %add3A_100, %sub3A_102 : i32
          %lt3A_103 = arith.constant 40 : i32
          %lt3A_104 = arith.cmpi slt, %add3A_97, %lt3A_103 : i32
          %add3A_105 = arith.constant 1 : i32
          %add3A_106 = arith.addi %scan3A_59, %add3A_105 : i32
          %lt3A_107 = arith.constant 10 : i32
          %lt3A_108 = arith.cmpi slt, %add3A_106, %lt3A_107 : i32
          %or3A = arith.ori %lt3A_104, %lt3A_108 : i1
          %convert_element_type3A_109 = arith.extui %or3A : i1 to i32
          %cond3A_110 = arith.constant 0 : i32
          %cond3A_111 = arith.cmpi ne, %convert_element_type3A_109, %cond3A_110 : i32
          scf.if %cond3A_111 {
            %dma_start3A_209 = arith.constant 0 : i32
            %dma_start3A_210 = tpu.memref_slice %arg9[%select_n3A, %dma_start3A_209] : memref<80x50xi32, #tpu.memory_space<vmem>> -> memref<1x50xi32, #tpu.memory_space<vmem>>
            %dma_start3A_211 = tpu.memref_squeeze %dma_start3A_210 : memref<1x50xi32, #tpu.memory_space<vmem>> -> memref<50xi32, #tpu.memory_space<vmem>>
            %dma_start3A_212 = arith.constant 0 : i32
            %dma_start3A_213 = arith.constant 0 : i32
            %dma_start3A_214 = tpu.memref_slice %arg3[%dma_start3A_212, %dma_start3A_213] : memref<10000x128xf32, #tpu.memory_space<hbm>> -> memref<10000x128xf32, #tpu.memory_space<hbm>>
            tpu.enqueue_indirect_dma source(%dma_start3A_214 : memref<10000x128xf32, #tpu.memory_space<hbm>>) target(%arg14 : memref<50x128xf32, #tpu.memory_space<vmem>>) offsets(%dma_start3A_211 : memref<50xi32, #tpu.memory_space<vmem>>) semaphore(%arg19 : memref<!tpu.dma_semaphore, #tpu.memory_space<semaphore_mem>>)
          } else {
          }
          "tpu.region"() ({
            %run_scoped3A = tpu.sem_alloc : memref<!tpu.dma_semaphore, #tpu.memory_space<semaphore_mem>>
            %dma_start3A_209 = arith.constant 0 : i32
            %dma_start3A_210 = tpu.memref_slice %arg10[%add3A_87, %dma_start3A_209] : memref<80x50xi32, #tpu.memory_space<vmem>> -> memref<1x50xi32, #tpu.memory_space<vmem>>
            %dma_start3A_211 = tpu.memref_squeeze %dma_start3A_210 : memref<1x50xi32, #tpu.memory_space<vmem>> -> memref<50xi32, #tpu.memory_space<vmem>>
            %dma_start3A_212 = arith.constant 0 : i32
            %dma_start3A_213 = arith.constant 0 : i32
            %dma_start3A_214 = tpu.memref_slice %arg15[%dma_start3A_212, %dma_start3A_213] : memref<10240x128xf32, #tpu.memory_space<vmem_shared>> -> memref<10240x128xf32, #tpu.memory_space<vmem_shared>>
            tpu.enqueue_indirect_dma source(%arg11 : memref<50x128xf32, #tpu.memory_space<vmem>>) target(%dma_start3A_214 : memref<10240x128xf32, #tpu.memory_space<vmem_shared>>) offsets(%dma_start3A_211 : memref<50xi32, #tpu.memory_space<vmem>>) semaphore(%run_scoped3A : memref<!tpu.dma_semaphore, #tpu.memory_space<semaphore_mem>>) {add = true}
            %dma_wait3A_215 = arith.constant 0 : i32
            %dma_wait3A_216 = tpu.memref_slice %arg10[%add3A_87, %dma_wait3A_215] : memref<80x50xi32, #tpu.memory_space<vmem>> -> memref<1x50xi32, #tpu.memory_space<vmem>>
            %dma_wait3A_217 = tpu.memref_squeeze %dma_wait3A_216 : memref<1x50xi32, #tpu.memory_space<vmem>> -> memref<50xi32, #tpu.memory_space<vmem>>
            %dma_wait3A_218 = arith.constant 0 : i32
            %dma_wait3A_219 = arith.constant 0 : i32
            %dma_wait3A_220 = tpu.memref_slice %arg15[%dma_wait3A_218, %dma_wait3A_219] : memref<10240x128xf32, #tpu.memory_space<vmem_shared>> -> memref<10240x128xf32, #tpu.memory_space<vmem_shared>>
            tpu.wait_indirect_dma semaphore(%run_scoped3A : memref<!tpu.dma_semaphore, #tpu.memory_space<semaphore_mem>>) src(%arg11 : memref<50x128xf32, #tpu.memory_space<vmem>>) dst(%dma_wait3A_220 : memref<10240x128xf32, #tpu.memory_space<vmem_shared>>)
            tpu.yield
          }) : () -> ()
          %add3A_112 = arith.constant 1 : i32
          %add3A_113 = arith.addi %scan3A_59, %add3A_112 : i32
          %lt3A_114 = arith.constant 10 : i32
          %lt3A_115 = arith.cmpi slt, %add3A_113, %lt3A_114 : i32
          %and3A = arith.andi %eq3A_84, %lt3A_115 : i1
          %convert_element_type3A_116 = arith.extui %and3A : i1 to i32
          %cond3A_117 = arith.constant 0 : i32
          %cond3A_118 = arith.cmpi ne, %convert_element_type3A_116, %cond3A_117 : i32
          scf.if %cond3A_118 {
            %dma_wait3A_209 = arith.constant 0 : i32
            %dma_wait3A_210 = tpu.memref_slice %arg9[%mul3A_67, %dma_wait3A_209] : memref<80x50xi32, #tpu.memory_space<vmem>> -> memref<40x50xi32, #tpu.memory_space<vmem>>
            %dma_wait3A_211 = arith.constant 0 : i32
            %dma_wait3A_212 = tpu.memref_slice %arg4[%mul3A_0, %dma_wait3A_211] : memref<6400x50xi32, #tpu.memory_space<hbm>> -> memref<40x50xi32, #tpu.memory_space<hbm>>
            %dma_wait3A_213 = arith.constant 0 : i32
            %dma_wait3A_214 = tpu.memref_slice %arg9[%mul3A_67, %dma_wait3A_213] : memref<80x50xi32, #tpu.memory_space<vmem>> -> memref<40x50xi32, #tpu.memory_space<vmem>>
            %dma_wait3A_215 = arith.constant 0 : i32
            %dma_wait3A_216 = tpu.memref_slice %arg4[%mul3A_0, %dma_wait3A_215] : memref<6400x50xi32, #tpu.memory_space<hbm>> -> memref<40x50xi32, #tpu.memory_space<hbm>>
            tpu.wait_dma2 semaphore(%arg20 : memref<!tpu.dma_semaphore, #tpu.memory_space<semaphore_mem>>) src(%dma_wait3A_216 : memref<40x50xi32, #tpu.memory_space<hbm>>) dst(%dma_wait3A_214 : memref<40x50xi32, #tpu.memory_space<vmem>>)
            %dma_wait3A_217 = arith.constant 0 : i32
            %dma_wait3A_218 = tpu.memref_slice %arg10[%mul3A_67, %dma_wait3A_217] : memref<80x50xi32, #tpu.memory_space<vmem>> -> memref<40x50xi32, #tpu.memory_space<vmem>>
            %dma_wait3A_219 = arith.constant 0 : i32
            %dma_wait3A_220 = tpu.memref_slice %arg5[%mul3A_0, %dma_wait3A_219] : memref<6400x50xi32, #tpu.memory_space<hbm>> -> memref<40x50xi32, #tpu.memory_space<hbm>>
            %dma_wait3A_221 = arith.constant 0 : i32
            %dma_wait3A_222 = tpu.memref_slice %arg10[%mul3A_67, %dma_wait3A_221] : memref<80x50xi32, #tpu.memory_space<vmem>> -> memref<40x50xi32, #tpu.memory_space<vmem>>
            %dma_wait3A_223 = arith.constant 0 : i32
            %dma_wait3A_224 = tpu.memref_slice %arg5[%mul3A_0, %dma_wait3A_223] : memref<6400x50xi32, #tpu.memory_space<hbm>> -> memref<40x50xi32, #tpu.memory_space<hbm>>
            tpu.wait_dma2 semaphore(%arg21 : memref<!tpu.dma_semaphore, #tpu.memory_space<semaphore_mem>>) src(%dma_wait3A_224 : memref<40x50xi32, #tpu.memory_space<hbm>>) dst(%dma_wait3A_222 : memref<40x50xi32, #tpu.memory_space<vmem>>)
          } else {
          }
          %add3A_119 = arith.addi %mul3A_62, %mul3A_82 : i32
          %add3A_120 = arith.constant 1 : i32
          %add3A_121 = arith.addi %add3A_119, %add3A_120 : i32
          %dma_wait3A_122 = arith.constant 0 : i32
          %dma_wait3A_123 = tpu.memref_slice %arg9[%add3A_121, %dma_wait3A_122] : memref<80x50xi32, #tpu.memory_space<vmem>> -> memref<1x50xi32, #tpu.memory_space<vmem>>
          %dma_wait3A_124 = tpu.memref_squeeze %dma_wait3A_123 : memref<1x50xi32, #tpu.memory_space<vmem>> -> memref<50xi32, #tpu.memory_space<vmem>>
          %dma_wait3A_125 = arith.constant 0 : i32
          %dma_wait3A_126 = arith.constant 0 : i32
          %dma_wait3A_127 = tpu.memref_slice %arg3[%dma_wait3A_125, %dma_wait3A_126] : memref<10000x128xf32, #tpu.memory_space<hbm>> -> memref<10000x128xf32, #tpu.memory_space<hbm>>
          tpu.wait_indirect_dma semaphore(%arg17 : memref<!tpu.dma_semaphore, #tpu.memory_space<semaphore_mem>>) src(%dma_wait3A_127 : memref<10000x128xf32, #tpu.memory_space<hbm>>) dst(%arg12 : memref<50x128xf32, #tpu.memory_space<vmem>>)
          %add3A_128 = arith.constant 1 : i32
          %add3A_129 = arith.addi %mul3A_82, %add3A_128 : i32
          %add3A_130 = arith.constant 3 : i32
          %add3A_131 = arith.addi %add3A_129, %add3A_130 : i32
          %lt3A_132 = arith.constant 40 : i32
          %lt3A_133 = arith.cmpi slt, %add3A_131, %lt3A_132 : i32
          %add3A_134 = arith.addi %mul3A_62, %add3A_131 : i32
          %add3A_135 = arith.addi %mul3A_67, %add3A_131 : i32
          %sub3A_136 = arith.constant 40 : i32
          %sub3A_137 = arith.subi %add3A_135, %sub3A_136 : i32
          %select_n3A_138 = arith.select %lt3A_133, %add3A_134, %sub3A_137 : i32
          %lt3A_139 = arith.constant 40 : i32
          %lt3A_140 = arith.cmpi slt, %add3A_131, %lt3A_139 : i32
          %add3A_141 = arith.constant 1 : i32
          %add3A_142 = arith.addi %scan3A_59, %add3A_141 : i32
          %lt3A_143 = arith.constant 10 : i32
          %lt3A_144 = arith.cmpi slt, %add3A_142, %lt3A_143 : i32
          %or3A_145 = arith.ori %lt3A_140, %lt3A_144 : i1
          %convert_element_type3A_146 = arith.extui %or3A_145 : i1 to i32
          %cond3A_147 = arith.constant 0 : i32
          %cond3A_148 = arith.cmpi ne, %convert_element_type3A_146, %cond3A_147 : i32
          scf.if %cond3A_148 {
            %dma_start3A_209 = arith.constant 0 : i32
            %dma_start3A_210 = tpu.memref_slice %arg9[%select_n3A_138, %dma_start3A_209] : memref<80x50xi32, #tpu.memory_space<vmem>> -> memref<1x50xi32, #tpu.memory_space<vmem>>
            %dma_start3A_211 = tpu.memref_squeeze %dma_start3A_210 : memref<1x50xi32, #tpu.memory_space<vmem>> -> memref<50xi32, #tpu.memory_space<vmem>>
            %dma_start3A_212 = arith.constant 0 : i32
            %dma_start3A_213 = arith.constant 0 : i32
            %dma_start3A_214 = tpu.memref_slice %arg3[%dma_start3A_212, %dma_start3A_213] : memref<10000x128xf32, #tpu.memory_space<hbm>> -> memref<10000x128xf32, #tpu.memory_space<hbm>>
            tpu.enqueue_indirect_dma source(%dma_start3A_214 : memref<10000x128xf32, #tpu.memory_space<hbm>>) target(%arg11 : memref<50x128xf32, #tpu.memory_space<vmem>>) offsets(%dma_start3A_211 : memref<50xi32, #tpu.memory_space<vmem>>) semaphore(%arg16 : memref<!tpu.dma_semaphore, #tpu.memory_space<semaphore_mem>>)
          } else {
          }
          "tpu.region"() ({
            %run_scoped3A = tpu.sem_alloc : memref<!tpu.dma_semaphore, #tpu.memory_space<semaphore_mem>>
            %dma_start3A_209 = arith.constant 0 : i32
            %dma_start3A_210 = tpu.memref_slice %arg10[%add3A_121, %dma_start3A_209] : memref<80x50xi32, #tpu.memory_space<vmem>> -> memref<1x50xi32, #tpu.memory_space<vmem>>
            %dma_start3A_211 = tpu.memref_squeeze %dma_start3A_210 : memref<1x50xi32, #tpu.memory_space<vmem>> -> memref<50xi32, #tpu.memory_space<vmem>>
            %dma_start3A_212 = arith.constant 0 : i32
            %dma_start3A_213 = arith.constant 0 : i32
            %dma_start3A_214 = tpu.memref_slice %arg15[%dma_start3A_212, %dma_start3A_213] : memref<10240x128xf32, #tpu.memory_space<vmem_shared>> -> memref<10240x128xf32, #tpu.memory_space<vmem_shared>>
            tpu.enqueue_indirect_dma source(%arg12 : memref<50x128xf32, #tpu.memory_space<vmem>>) target(%dma_start3A_214 : memref<10240x128xf32, #tpu.memory_space<vmem_shared>>) offsets(%dma_start3A_211 : memref<50xi32, #tpu.memory_space<vmem>>) semaphore(%run_scoped3A : memref<!tpu.dma_semaphore, #tpu.memory_space<semaphore_mem>>) {add = true}
            %dma_wait3A_215 = arith.constant 0 : i32
            %dma_wait3A_216 = tpu.memref_slice %arg10[%add3A_121, %dma_wait3A_215] : memref<80x50xi32, #tpu.memory_space<vmem>> -> memref<1x50xi32, #tpu.memory_space<vmem>>
            %dma_wait3A_217 = tpu.memref_squeeze %dma_wait3A_216 : memref<1x50xi32, #tpu.memory_space<vmem>> -> memref<50xi32, #tpu.memory_space<vmem>>
            %dma_wait3A_218 = arith.constant 0 : i32
            %dma_wait3A_219 = arith.constant 0 : i32
            %dma_wait3A_220 = tpu.memref_slice %arg15[%dma_wait3A_218, %dma_wait3A_219] : memref<10240x128xf32, #tpu.memory_space<vmem_shared>> -> memref<10240x128xf32, #tpu.memory_space<vmem_shared>>
            tpu.wait_indirect_dma semaphore(%run_scoped3A : memref<!tpu.dma_semaphore, #tpu.memory_space<semaphore_mem>>) src(%arg12 : memref<50x128xf32, #tpu.memory_space<vmem>>) dst(%dma_wait3A_220 : memref<10240x128xf32, #tpu.memory_space<vmem_shared>>)
            tpu.yield
          }) : () -> ()
          %add3A_149 = arith.addi %mul3A_62, %mul3A_82 : i32
          %add3A_150 = arith.constant 2 : i32
          %add3A_151 = arith.addi %add3A_149, %add3A_150 : i32
          %dma_wait3A_152 = arith.constant 0 : i32
          %dma_wait3A_153 = tpu.memref_slice %arg9[%add3A_151, %dma_wait3A_152] : memref<80x50xi32, #tpu.memory_space<vmem>> -> memref<1x50xi32, #tpu.memory_space<vmem>>
          %dma_wait3A_154 = tpu.memref_squeeze %dma_wait3A_153 : memref<1x50xi32, #tpu.memory_space<vmem>> -> memref<50xi32, #tpu.memory_space<vmem>>
          %dma_wait3A_155 = arith.constant 0 : i32
          %dma_wait3A_156 = arith.constant 0 : i32
          %dma_wait3A_157 = tpu.memref_slice %arg3[%dma_wait3A_155, %dma_wait3A_156] : memref<10000x128xf32, #tpu.memory_space<hbm>> -> memref<10000x128xf32, #tpu.memory_space<hbm>>
          tpu.wait_indirect_dma semaphore(%arg18 : memref<!tpu.dma_semaphore, #tpu.memory_space<semaphore_mem>>) src(%dma_wait3A_157 : memref<10000x128xf32, #tpu.memory_space<hbm>>) dst(%arg13 : memref<50x128xf32, #tpu.memory_space<vmem>>)
          %add3A_158 = arith.constant 2 : i32
          %add3A_159 = arith.addi %mul3A_82, %add3A_158 : i32
          %add3A_160 = arith.constant 3 : i32
          %add3A_161 = arith.addi %add3A_159, %add3A_160 : i32
          %lt3A_162 = arith.constant 40 : i32
          %lt3A_163 = arith.cmpi slt, %add3A_161, %lt3A_162 : i32
          %add3A_164 = arith.addi %mul3A_62, %add3A_161 : i32
          %add3A_165 = arith.addi %mul3A_67, %add3A_161 : i32
          %sub3A_166 = arith.constant 40 : i32
          %sub3A_167 = arith.subi %add3A_165, %sub3A_166 : i32
          %select_n3A_168 = arith.select %lt3A_163, %add3A_164, %sub3A_167 : i32
          %lt3A_169 = arith.constant 40 : i32
          %lt3A_170 = arith.cmpi slt, %add3A_161, %lt3A_169 : i32
          %add3A_171 = arith.constant 1 : i32
          %add3A_172 = arith.addi %scan3A_59, %add3A_171 : i32
          %lt3A_173 = arith.constant 10 : i32
          %lt3A_174 = arith.cmpi slt, %add3A_172, %lt3A_173 : i32
          %or3A_175 = arith.ori %lt3A_170, %lt3A_174 : i1
          %convert_element_type3A_176 = arith.extui %or3A_175 : i1 to i32
          %cond3A_177 = arith.constant 0 : i32
          %cond3A_178 = arith.cmpi ne, %convert_element_type3A_176, %cond3A_177 : i32
          scf.if %cond3A_178 {
            %dma_start3A_209 = arith.constant 0 : i32
            %dma_start3A_210 = tpu.memref_slice %arg9[%select_n3A_168, %dma_start3A_209] : memref<80x50xi32, #tpu.memory_space<vmem>> -> memref<1x50xi32, #tpu.memory_space<vmem>>
            %dma_start3A_211 = tpu.memref_squeeze %dma_start3A_210 : memref<1x50xi32, #tpu.memory_space<vmem>> -> memref<50xi32, #tpu.memory_space<vmem>>
            %dma_start3A_212 = arith.constant 0 : i32
            %dma_start3A_213 = arith.constant 0 : i32
            %dma_start3A_214 = tpu.memref_slice %arg3[%dma_start3A_212, %dma_start3A_213] : memref<10000x128xf32, #tpu.memory_space<hbm>> -> memref<10000x128xf32, #tpu.memory_space<hbm>>
            tpu.enqueue_indirect_dma source(%dma_start3A_214 : memref<10000x128xf32, #tpu.memory_space<hbm>>) target(%arg12 : memref<50x128xf32, #tpu.memory_space<vmem>>) offsets(%dma_start3A_211 : memref<50xi32, #tpu.memory_space<vmem>>) semaphore(%arg17 : memref<!tpu.dma_semaphore, #tpu.memory_space<semaphore_mem>>)
          } else {
          }
          "tpu.region"() ({
            %run_scoped3A = tpu.sem_alloc : memref<!tpu.dma_semaphore, #tpu.memory_space<semaphore_mem>>
            %dma_start3A_209 = arith.constant 0 : i32
            %dma_start3A_210 = tpu.memref_slice %arg10[%add3A_151, %dma_start3A_209] : memref<80x50xi32, #tpu.memory_space<vmem>> -> memref<1x50xi32, #tpu.memory_space<vmem>>
            %dma_start3A_211 = tpu.memref_squeeze %dma_start3A_210 : memref<1x50xi32, #tpu.memory_space<vmem>> -> memref<50xi32, #tpu.memory_space<vmem>>
            %dma_start3A_212 = arith.constant 0 : i32
            %dma_start3A_213 = arith.constant 0 : i32
            %dma_start3A_214 = tpu.memref_slice %arg15[%dma_start3A_212, %dma_start3A_213] : memref<10240x128xf32, #tpu.memory_space<vmem_shared>> -> memref<10240x128xf32, #tpu.memory_space<vmem_shared>>
            tpu.enqueue_indirect_dma source(%arg13 : memref<50x128xf32, #tpu.memory_space<vmem>>) target(%dma_start3A_214 : memref<10240x128xf32, #tpu.memory_space<vmem_shared>>) offsets(%dma_start3A_211 : memref<50xi32, #tpu.memory_space<vmem>>) semaphore(%run_scoped3A : memref<!tpu.dma_semaphore, #tpu.memory_space<semaphore_mem>>) {add = true}
            %dma_wait3A_215 = arith.constant 0 : i32
            %dma_wait3A_216 = tpu.memref_slice %arg10[%add3A_151, %dma_wait3A_215] : memref<80x50xi32, #tpu.memory_space<vmem>> -> memref<1x50xi32, #tpu.memory_space<vmem>>
            %dma_wait3A_217 = tpu.memref_squeeze %dma_wait3A_216 : memref<1x50xi32, #tpu.memory_space<vmem>> -> memref<50xi32, #tpu.memory_space<vmem>>
            %dma_wait3A_218 = arith.constant 0 : i32
            %dma_wait3A_219 = arith.constant 0 : i32
            %dma_wait3A_220 = tpu.memref_slice %arg15[%dma_wait3A_218, %dma_wait3A_219] : memref<10240x128xf32, #tpu.memory_space<vmem_shared>> -> memref<10240x128xf32, #tpu.memory_space<vmem_shared>>
            tpu.wait_indirect_dma semaphore(%run_scoped3A : memref<!tpu.dma_semaphore, #tpu.memory_space<semaphore_mem>>) src(%arg13 : memref<50x128xf32, #tpu.memory_space<vmem>>) dst(%dma_wait3A_220 : memref<10240x128xf32, #tpu.memory_space<vmem_shared>>)
            tpu.yield
          }) : () -> ()
          %add3A_179 = arith.addi %mul3A_62, %mul3A_82 : i32
          %add3A_180 = arith.constant 3 : i32
          %add3A_181 = arith.addi %add3A_179, %add3A_180 : i32
          %dma_wait3A_182 = arith.constant 0 : i32
          %dma_wait3A_183 = tpu.memref_slice %arg9[%add3A_181, %dma_wait3A_182] : memref<80x50xi32, #tpu.memory_space<vmem>> -> memref<1x50xi32, #tpu.memory_space<vmem>>
          %dma_wait3A_184 = tpu.memref_squeeze %dma_wait3A_183 : memref<1x50xi32, #tpu.memory_space<vmem>> -> memref<50xi32, #tpu.memory_space<vmem>>
          %dma_wait3A_185 = arith.constant 0 : i32
          %dma_wait3A_186 = arith.constant 0 : i32
          %dma_wait3A_187 = tpu.memref_slice %arg3[%dma_wait3A_185, %dma_wait3A_186] : memref<10000x128xf32, #tpu.memory_space<hbm>> -> memref<10000x128xf32, #tpu.memory_space<hbm>>
          tpu.wait_indirect_dma semaphore(%arg19 : memref<!tpu.dma_semaphore, #tpu.memory_space<semaphore_mem>>) src(%dma_wait3A_187 : memref<10000x128xf32, #tpu.memory_space<hbm>>) dst(%arg14 : memref<50x128xf32, #tpu.memory_space<vmem>>)
          %add3A_188 = arith.constant 3 : i32
          %add3A_189 = arith.addi %mul3A_82, %add3A_188 : i32
          %add3A_190 = arith.constant 3 : i32
          %add3A_191 = arith.addi %add3A_189, %add3A_190 : i32
          %lt3A_192 = arith.constant 40 : i32
          %lt3A_193 = arith.cmpi slt, %add3A_191, %lt3A_192 : i32
          %add3A_194 = arith.addi %mul3A_62, %add3A_191 : i32
          %add3A_195 = arith.addi %mul3A_67, %add3A_191 : i32
          %sub3A_196 = arith.constant 40 : i32
          %sub3A_197 = arith.subi %add3A_195, %sub3A_196 : i32
          %select_n3A_198 = arith.select %lt3A_193, %add3A_194, %sub3A_197 : i32
          %lt3A_199 = arith.constant 40 : i32
          %lt3A_200 = arith.cmpi slt, %add3A_191, %lt3A_199 : i32
          %add3A_201 = arith.constant 1 : i32
          %add3A_202 = arith.addi %scan3A_59, %add3A_201 : i32
          %lt3A_203 = arith.constant 10 : i32
          %lt3A_204 = arith.cmpi slt, %add3A_202, %lt3A_203 : i32
          %or3A_205 = arith.ori %lt3A_200, %lt3A_204 : i1
          %convert_element_type3A_206 = arith.extui %or3A_205 : i1 to i32
          %cond3A_207 = arith.constant 0 : i32
          %cond3A_208 = arith.cmpi ne, %convert_element_type3A_206, %cond3A_207 : i32
          scf.if %cond3A_208 {
            %dma_start3A_209 = arith.constant 0 : i32
            %dma_start3A_210 = tpu.memref_slice %arg9[%select_n3A_198, %dma_start3A_209] : memref<80x50xi32, #tpu.memory_space<vmem>> -> memref<1x50xi32, #tpu.memory_space<vmem>>
            %dma_start3A_211 = tpu.memref_squeeze %dma_start3A_210 : memref<1x50xi32, #tpu.memory_space<vmem>> -> memref<50xi32, #tpu.memory_space<vmem>>
            %dma_start3A_212 = arith.constant 0 : i32
            %dma_start3A_213 = arith.constant 0 : i32
            %dma_start3A_214 = tpu.memref_slice %arg3[%dma_start3A_212, %dma_start3A_213] : memref<10000x128xf32, #tpu.memory_space<hbm>> -> memref<10000x128xf32, #tpu.memory_space<hbm>>
            tpu.enqueue_indirect_dma source(%dma_start3A_214 : memref<10000x128xf32, #tpu.memory_space<hbm>>) target(%arg13 : memref<50x128xf32, #tpu.memory_space<vmem>>) offsets(%dma_start3A_211 : memref<50xi32, #tpu.memory_space<vmem>>) semaphore(%arg18 : memref<!tpu.dma_semaphore, #tpu.memory_space<semaphore_mem>>)
          } else {
          }
          "tpu.region"() ({
            %run_scoped3A = tpu.sem_alloc : memref<!tpu.dma_semaphore, #tpu.memory_space<semaphore_mem>>
            %dma_start3A_209 = arith.constant 0 : i32
            %dma_start3A_210 = tpu.memref_slice %arg10[%add3A_181, %dma_start3A_209] : memref<80x50xi32, #tpu.memory_space<vmem>> -> memref<1x50xi32, #tpu.memory_space<vmem>>
            %dma_start3A_211 = tpu.memref_squeeze %dma_start3A_210 : memref<1x50xi32, #tpu.memory_space<vmem>> -> memref<50xi32, #tpu.memory_space<vmem>>
            %dma_start3A_212 = arith.constant 0 : i32
            %dma_start3A_213 = arith.constant 0 : i32
            %dma_start3A_214 = tpu.memref_slice %arg15[%dma_start3A_212, %dma_start3A_213] : memref<10240x128xf32, #tpu.memory_space<vmem_shared>> -> memref<10240x128xf32, #tpu.memory_space<vmem_shared>>
            tpu.enqueue_indirect_dma source(%arg14 : memref<50x128xf32, #tpu.memory_space<vmem>>) target(%dma_start3A_214 : memref<10240x128xf32, #tpu.memory_space<vmem_shared>>) offsets(%dma_start3A_211 : memref<50xi32, #tpu.memory_space<vmem>>) semaphore(%run_scoped3A : memref<!tpu.dma_semaphore, #tpu.memory_space<semaphore_mem>>) {add = true}
            %dma_wait3A_215 = arith.constant 0 : i32
            %dma_wait3A_216 = tpu.memref_slice %arg10[%add3A_181, %dma_wait3A_215] : memref<80x50xi32, #tpu.memory_space<vmem>> -> memref<1x50xi32, #tpu.memory_space<vmem>>
            %dma_wait3A_217 = tpu.memref_squeeze %dma_wait3A_216 : memref<1x50xi32, #tpu.memory_space<vmem>> -> memref<50xi32, #tpu.memory_space<vmem>>
            %dma_wait3A_218 = arith.constant 0 : i32
            %dma_wait3A_219 = arith.constant 0 : i32
            %dma_wait3A_220 = tpu.memref_slice %arg15[%dma_wait3A_218, %dma_wait3A_219] : memref<10240x128xf32, #tpu.memory_space<vmem_shared>> -> memref<10240x128xf32, #tpu.memory_space<vmem_shared>>
            tpu.wait_indirect_dma semaphore(%run_scoped3A : memref<!tpu.dma_semaphore, #tpu.memory_space<semaphore_mem>>) src(%arg14 : memref<50x128xf32, #tpu.memory_space<vmem>>) dst(%dma_wait3A_220 : memref<10240x128xf32, #tpu.memory_space<vmem_shared>>)
            tpu.yield
          }) : () -> ()
        }
        %scan3A_79 = arith.constant 10 : i32
      }
      %scan3A_58 = arith.constant 10 : i32
    } else {
    }
    %barrier3A = arith.constant 0 : index
    tpu.barrier barrier_id(%barrier3A)
    %eq3A_15 = arith.constant 0 : i32
    %eq3A_16 = arith.cmpi eq, %arg0, %eq3A_15 : i32
    %convert_element_type3A_17 = arith.extui %eq3A_16 : i1 to i32
    %cond3A_18 = arith.constant 0 : i32
    %cond3A_19 = arith.cmpi ne, %convert_element_type3A_17, %cond3A_18 : i32
    scf.if %cond3A_19 {
      %mul3A_25 = arith.constant 640 : i32
      %mul3A_26 = arith.muli %arg1, %mul3A_25 : i32
      %mul3A_27 = arith.constant 640 : i32
      %mul3A_28 = arith.muli %arg1, %mul3A_27 : i32
      "tpu.region"() ({
        %run_scoped3A = tpu.sem_alloc : memref<!tpu.dma_semaphore, #tpu.memory_space<semaphore_mem>>
        %dma_start3A_29 = arith.constant 0 : i32
        %dma_start3A_30 = tpu.memref_slice %arg7[%mul3A_28, %dma_start3A_29] : memref<10240x128xf32, #tpu.memory_space<hbm>> -> memref<640x128xf32, #tpu.memory_space<hbm>>
        %dma_start3A_31 = arith.constant 0 : i32
        %dma_start3A_32 = tpu.memref_slice %arg15[%mul3A_26, %dma_start3A_31] : memref<10240x128xf32, #tpu.memory_space<vmem_shared>> -> memref<640x128xf32, #tpu.memory_space<vmem_shared>>
        tpu.enqueue_dma source(%dma_start3A_32 : memref<640x128xf32, #tpu.memory_space<vmem_shared>>) target(%dma_start3A_30 : memref<640x128xf32, #tpu.memory_space<hbm>>) target_semaphore(%run_scoped3A : memref<!tpu.dma_semaphore, #tpu.memory_space<semaphore_mem>>)
        %dma_wait3A = arith.constant 0 : i32
        %dma_wait3A_33 = tpu.memref_slice %arg7[%mul3A_28, %dma_wait3A] : memref<10240x128xf32, #tpu.memory_space<hbm>> -> memref<640x128xf32, #tpu.memory_space<hbm>>
        %dma_wait3A_34 = arith.constant 0 : i32
        %dma_wait3A_35 = tpu.memref_slice %arg15[%mul3A_26, %dma_wait3A_34] : memref<10240x128xf32, #tpu.memory_space<vmem_shared>> -> memref<640x128xf32, #tpu.memory_space<vmem_shared>>
        tpu.wait_dma2 semaphore(%run_scoped3A : memref<!tpu.dma_semaphore, #tpu.memory_space<semaphore_mem>>) src(%dma_wait3A_35 : memref<640x128xf32, #tpu.memory_space<vmem_shared>>) dst(%dma_wait3A_33 : memref<640x128xf32, #tpu.memory_space<hbm>>)
        tpu.yield
      }) : () -> ()
    } else {
    }
    %eq3A_20 = arith.constant 1 : i32
    %eq3A_21 = arith.cmpi eq, %arg0, %eq3A_20 : i32
    %convert_element_type3A_22 = arith.extui %eq3A_21 : i1 to i32
    %cond3A_23 = arith.constant 0 : i32
    %cond3A_24 = arith.cmpi ne, %convert_element_type3A_22, %cond3A_23 : i32
    scf.if %cond3A_24 {
      %mul3A_25 = arith.constant 640 : i32
      %mul3A_26 = arith.muli %arg1, %mul3A_25 : i32
      %mul3A_27 = arith.constant 640 : i32
      %mul3A_28 = arith.muli %arg1, %mul3A_27 : i32
      "tpu.region"() ({
        %run_scoped3A = tpu.sem_alloc : memref<!tpu.dma_semaphore, #tpu.memory_space<semaphore_mem>>
        %dma_start3A_29 = arith.constant 0 : i32
        %dma_start3A_30 = tpu.memref_slice %arg8[%mul3A_28, %dma_start3A_29] : memref<10240x128xf32, #tpu.memory_space<hbm>> -> memref<640x128xf32, #tpu.memory_space<hbm>>
        %dma_start3A_31 = arith.constant 0 : i32
        %dma_start3A_32 = tpu.memref_slice %arg15[%mul3A_26, %dma_start3A_31] : memref<10240x128xf32, #tpu.memory_space<vmem_shared>> -> memref<640x128xf32, #tpu.memory_space<vmem_shared>>
        tpu.enqueue_dma source(%dma_start3A_32 : memref<640x128xf32, #tpu.memory_space<vmem_shared>>) target(%dma_start3A_30 : memref<640x128xf32, #tpu.memory_space<hbm>>) target_semaphore(%run_scoped3A : memref<!tpu.dma_semaphore, #tpu.memory_space<semaphore_mem>>)
        %dma_wait3A = arith.constant 0 : i32
        %dma_wait3A_33 = tpu.memref_slice %arg8[%mul3A_28, %dma_wait3A] : memref<10240x128xf32, #tpu.memory_space<hbm>> -> memref<640x128xf32, #tpu.memory_space<hbm>>
        %dma_wait3A_34 = arith.constant 0 : i32
        %dma_wait3A_35 = tpu.memref_slice %arg15[%mul3A_26, %dma_wait3A_34] : memref<10240x128xf32, #tpu.memory_space<vmem_shared>> -> memref<640x128xf32, #tpu.memory_space<vmem_shared>>
        tpu.wait_dma2 semaphore(%run_scoped3A : memref<!tpu.dma_semaphore, #tpu.memory_space<semaphore_mem>>) src(%dma_wait3A_35 : memref<640x128xf32, #tpu.memory_space<vmem_shared>>) dst(%dma_wait3A_33 : memref<640x128xf32, #tpu.memory_space<hbm>>)
        tpu.yield
      }) : () -> ()
    } else {
    }
    return
  }
}

#map = affine_map<(d0, d1) -> (0, 0)>
module attributes {stable_mosaic.version = 14 : i64} {
  func.func @_sc_agg_body(%arg0: i32, %arg1: i32, %arg2: memref<10000x128xf32, #tpu.memory_space<hbm>>, %arg3: memref<10000x128xf32, #tpu.memory_space<hbm>>, %arg4: memref<6400x50xi32, #tpu.memory_space<hbm>>, %arg5: memref<6400x50xi32, #tpu.memory_space<hbm>>, %arg6: memref<10240x128xf32, #tpu.memory_space<hbm>>, %arg7: memref<10240x128xf32, #tpu.memory_space<hbm>>, %arg8: memref<10240x128xf32, #tpu.memory_space<hbm>>, %arg9: memref<80x50xi32, #tpu.memory_space<vmem>>, %arg10: memref<80x50xi32, #tpu.memory_space<vmem>>, %arg11: memref<50x128xf32, #tpu.memory_space<vmem>>, %arg12: memref<50x128xf32, #tpu.memory_space<vmem>>, %arg13: memref<50x128xf32, #tpu.memory_space<vmem>>, %arg14: memref<50x128xf32, #tpu.memory_space<vmem>>, %arg15: memref<10240x128xf32, #tpu.memory_space<vmem_shared>>, %arg16: memref<!tpu.dma_semaphore, #tpu.memory_space<semaphore_mem>>, %arg17: memref<!tpu.dma_semaphore, #tpu.memory_space<semaphore_mem>>, %arg18: memref<!tpu.dma_semaphore, #tpu.memory_space<semaphore_mem>>, %arg19: memref<!tpu.dma_semaphore, #tpu.memory_space<semaphore_mem>>, %arg20: memref<!tpu.dma_semaphore, #tpu.memory_space<semaphore_mem>>, %arg21: memref<!tpu.dma_semaphore, #tpu.memory_space<semaphore_mem>>, %arg22: memref<!tpu.dma_semaphore, #tpu.memory_space<semaphore_mem>>) attributes {dimension_semantics = [#tpu.dimension_semantics<core_parallel>, #tpu.dimension_semantics<subcore_parallel>], iteration_bounds = array<i64: 2, 16>, scalar_prefetch = 0 : i64, scratch_operands = 14 : i64, tpu.core_type = #tpu.core_type<sc_vector_subcore>, window_params = [{transform_indices = #map}, {transform_indices = #map}, {transform_indices = #map}, {transform_indices = #map}, {transform_indices = #map}, {transform_indices = #map}, {transform_indices = #map}]} {
    %mul3A = arith.constant 400 : i32
    %mul3A_0 = arith.muli %arg1, %mul3A : i32
    %mul3A_1 = arith.constant 640 : i32
    %mul3A_2 = arith.muli %arg1, %mul3A_1 : i32
    %mul3A_3 = arith.constant 640 : i32
    %mul3A_4 = arith.muli %arg1, %mul3A_3 : i32
    %dma_start3A = arith.constant 0 : i32
    %dma_start3A_5 = tpu.memref_slice %arg15[%mul3A_4, %dma_start3A] : memref<10240x128xf32, #tpu.memory_space<vmem_shared>> -> memref<640x128xf32, #tpu.memory_space<vmem_shared>>
    %dma_start3A_6 = arith.constant 0 : i32
    %dma_start3A_7 = tpu.memref_slice %arg6[%mul3A_2, %dma_start3A_6] : memref<10240x128xf32, #tpu.memory_space<hbm>> -> memref<640x128xf32, #tpu.memory_space<hbm>>
    tpu.enqueue_dma source(%dma_start3A_7 : memref<640x128xf32, #tpu.memory_space<hbm>>) target(%dma_start3A_5 : memref<640x128xf32, #tpu.memory_space<vmem_shared>>) target_semaphore(%arg22 : memref<!tpu.dma_semaphore, #tpu.memory_space<semaphore_mem>>)
    %eq3A = arith.constant 0 : i32
    %eq3A_8 = arith.cmpi eq, %arg0, %eq3A : i32
    %convert_element_type3A = arith.extui %eq3A_8 : i1 to i32
    %cond3A = arith.constant 0 : i32
    %cond3A_9 = arith.cmpi ne, %convert_element_type3A, %cond3A : i32
    scf.if %cond3A_9 {
      "tpu.region"() ({
        %run_scoped3A = tpu.sem_alloc : memref<!tpu.dma_semaphore, #tpu.memory_space<semaphore_mem>>
        %dma_start3A_59 = arith.constant 0 : i32
        %dma_start3A_60 = arith.constant 0 : i32
        %dma_start3A_61 = tpu.memref_slice %arg9[%dma_start3A_59, %dma_start3A_60] : memref<80x50xi32, #tpu.memory_space<vmem>> -> memref<40x50xi32, #tpu.memory_space<vmem>>
        %dma_start3A_62 = arith.constant 0 : i32
        %dma_start3A_63 = tpu.memref_slice %arg4[%mul3A_0, %dma_start3A_62] : memref<6400x50xi32, #tpu.memory_space<hbm>> -> memref<40x50xi32, #tpu.memory_space<hbm>>
        %dma_start3A_64 = arith.constant 0 : i32
        %dma_start3A_65 = arith.constant 0 : i32
        %dma_start3A_66 = tpu.memref_slice %arg9[%dma_start3A_64, %dma_start3A_65] : memref<80x50xi32, #tpu.memory_space<vmem>> -> memref<40x50xi32, #tpu.memory_space<vmem>>
        %dma_start3A_67 = arith.constant 0 : i32
        %dma_start3A_68 = tpu.memref_slice %arg4[%mul3A_0, %dma_start3A_67] : memref<6400x50xi32, #tpu.memory_space<hbm>> -> memref<40x50xi32, #tpu.memory_space<hbm>>
        tpu.enqueue_dma source(%dma_start3A_68 : memref<40x50xi32, #tpu.memory_space<hbm>>) target(%dma_start3A_66 : memref<40x50xi32, #tpu.memory_space<vmem>>) target_semaphore(%run_scoped3A : memref<!tpu.dma_semaphore, #tpu.memory_space<semaphore_mem>>)
        %dma_wait3A_69 = arith.constant 0 : i32
        %dma_wait3A_70 = arith.constant 0 : i32
        %dma_wait3A_71 = tpu.memref_slice %arg9[%dma_wait3A_69, %dma_wait3A_70] : memref<80x50xi32, #tpu.memory_space<vmem>> -> memref<40x50xi32, #tpu.memory_space<vmem>>
        %dma_wait3A_72 = arith.constant 0 : i32
        %dma_wait3A_73 = tpu.memref_slice %arg4[%mul3A_0, %dma_wait3A_72] : memref<6400x50xi32, #tpu.memory_space<hbm>> -> memref<40x50xi32, #tpu.memory_space<hbm>>
        %dma_wait3A_74 = arith.constant 0 : i32
        %dma_wait3A_75 = arith.constant 0 : i32
        %dma_wait3A_76 = tpu.memref_slice %arg9[%dma_wait3A_74, %dma_wait3A_75] : memref<80x50xi32, #tpu.memory_space<vmem>> -> memref<40x50xi32, #tpu.memory_space<vmem>>
        %dma_wait3A_77 = arith.constant 0 : i32
        %dma_wait3A_78 = tpu.memref_slice %arg4[%mul3A_0, %dma_wait3A_77] : memref<6400x50xi32, #tpu.memory_space<hbm>> -> memref<40x50xi32, #tpu.memory_space<hbm>>
        tpu.wait_dma2 semaphore(%run_scoped3A : memref<!tpu.dma_semaphore, #tpu.memory_space<semaphore_mem>>) src(%dma_wait3A_78 : memref<40x50xi32, #tpu.memory_space<hbm>>) dst(%dma_wait3A_76 : memref<40x50xi32, #tpu.memory_space<vmem>>)
        tpu.yield
      }) : () -> ()
      "tpu.region"() ({
        %run_scoped3A = tpu.sem_alloc : memref<!tpu.dma_semaphore, #tpu.memory_space<semaphore_mem>>
        %dma_start3A_59 = arith.constant 0 : i32
        %dma_start3A_60 = arith.constant 0 : i32
        %dma_start3A_61 = tpu.memref_slice %arg10[%dma_start3A_59, %dma_start3A_60] : memref<80x50xi32, #tpu.memory_space<vmem>> -> memref<40x50xi32, #tpu.memory_space<vmem>>
        %dma_start3A_62 = arith.constant 0 : i32
        %dma_start3A_63 = tpu.memref_slice %arg5[%mul3A_0, %dma_start3A_62] : memref<6400x50xi32, #tpu.memory_space<hbm>> -> memref<40x50xi32, #tpu.memory_space<hbm>>
        %dma_start3A_64 = arith.constant 0 : i32
        %dma_start3A_65 = arith.constant 0 : i32
        %dma_start3A_66 = tpu.memref_slice %arg10[%dma_start3A_64, %dma_start3A_65] : memref<80x50xi32, #tpu.memory_space<vmem>> -> memref<40x50xi32, #tpu.memory_space<vmem>>
        %dma_start3A_67 = arith.constant 0 : i32
        %dma_start3A_68 = tpu.memref_slice %arg5[%mul3A_0, %dma_start3A_67] : memref<6400x50xi32, #tpu.memory_space<hbm>> -> memref<40x50xi32, #tpu.memory_space<hbm>>
        tpu.enqueue_dma source(%dma_start3A_68 : memref<40x50xi32, #tpu.memory_space<hbm>>) target(%dma_start3A_66 : memref<40x50xi32, #tpu.memory_space<vmem>>) target_semaphore(%run_scoped3A : memref<!tpu.dma_semaphore, #tpu.memory_space<semaphore_mem>>)
        %dma_wait3A_69 = arith.constant 0 : i32
        %dma_wait3A_70 = arith.constant 0 : i32
        %dma_wait3A_71 = tpu.memref_slice %arg10[%dma_wait3A_69, %dma_wait3A_70] : memref<80x50xi32, #tpu.memory_space<vmem>> -> memref<40x50xi32, #tpu.memory_space<vmem>>
        %dma_wait3A_72 = arith.constant 0 : i32
        %dma_wait3A_73 = tpu.memref_slice %arg5[%mul3A_0, %dma_wait3A_72] : memref<6400x50xi32, #tpu.memory_space<hbm>> -> memref<40x50xi32, #tpu.memory_space<hbm>>
        %dma_wait3A_74 = arith.constant 0 : i32
        %dma_wait3A_75 = arith.constant 0 : i32
        %dma_wait3A_76 = tpu.memref_slice %arg10[%dma_wait3A_74, %dma_wait3A_75] : memref<80x50xi32, #tpu.memory_space<vmem>> -> memref<40x50xi32, #tpu.memory_space<vmem>>
        %dma_wait3A_77 = arith.constant 0 : i32
        %dma_wait3A_78 = tpu.memref_slice %arg5[%mul3A_0, %dma_wait3A_77] : memref<6400x50xi32, #tpu.memory_space<hbm>> -> memref<40x50xi32, #tpu.memory_space<hbm>>
        tpu.wait_dma2 semaphore(%run_scoped3A : memref<!tpu.dma_semaphore, #tpu.memory_space<semaphore_mem>>) src(%dma_wait3A_78 : memref<40x50xi32, #tpu.memory_space<hbm>>) dst(%dma_wait3A_76 : memref<40x50xi32, #tpu.memory_space<vmem>>)
        tpu.yield
      }) : () -> ()
      %dma_start3A_25 = arith.constant 0 : i32
      %dma_start3A_26 = arith.constant 0 : i32
      %dma_start3A_27 = tpu.memref_slice %arg9[%dma_start3A_25, %dma_start3A_26] : memref<80x50xi32, #tpu.memory_space<vmem>> -> memref<1x50xi32, #tpu.memory_space<vmem>>
      %dma_start3A_28 = tpu.memref_squeeze %dma_start3A_27 : memref<1x50xi32, #tpu.memory_space<vmem>> -> memref<50xi32, #tpu.memory_space<vmem>>
      %dma_start3A_29 = arith.constant 0 : i32
      %dma_start3A_30 = arith.constant 0 : i32
      %dma_start3A_31 = tpu.memref_slice %arg2[%dma_start3A_29, %dma_start3A_30] : memref<10000x128xf32, #tpu.memory_space<hbm>> -> memref<10000x128xf32, #tpu.memory_space<hbm>>
      tpu.enqueue_indirect_dma source(%dma_start3A_31 : memref<10000x128xf32, #tpu.memory_space<hbm>>) target(%arg11 : memref<50x128xf32, #tpu.memory_space<vmem>>) offsets(%dma_start3A_28 : memref<50xi32, #tpu.memory_space<vmem>>) semaphore(%arg16 : memref<!tpu.dma_semaphore, #tpu.memory_space<semaphore_mem>>)
      %dma_start3A_32 = arith.constant 1 : i32
      %dma_start3A_33 = arith.constant 0 : i32
      %dma_start3A_34 = tpu.memref_slice %arg9[%dma_start3A_32, %dma_start3A_33] : memref<80x50xi32, #tpu.memory_space<vmem>> -> memref<1x50xi32, #tpu.memory_space<vmem>>
      %dma_start3A_35 = tpu.memref_squeeze %dma_start3A_34 : memref<1x50xi32, #tpu.memory_space<vmem>> -> memref<50xi32, #tpu.memory_space<vmem>>
      %dma_start3A_36 = arith.constant 0 : i32
      %dma_start3A_37 = arith.constant 0 : i32
      %dma_start3A_38 = tpu.memref_slice %arg2[%dma_start3A_36, %dma_start3A_37] : memref<10000x128xf32, #tpu.memory_space<hbm>> -> memref<10000x128xf32, #tpu.memory_space<hbm>>
      tpu.enqueue_indirect_dma source(%dma_start3A_38 : memref<10000x128xf32, #tpu.memory_space<hbm>>) target(%arg12 : memref<50x128xf32, #tpu.memory_space<vmem>>) offsets(%dma_start3A_35 : memref<50xi32, #tpu.memory_space<vmem>>) semaphore(%arg17 : memref<!tpu.dma_semaphore, #tpu.memory_space<semaphore_mem>>)
      %dma_start3A_39 = arith.constant 2 : i32
      %dma_start3A_40 = arith.constant 0 : i32
      %dma_start3A_41 = tpu.memref_slice %arg9[%dma_start3A_39, %dma_start3A_40] : memref<80x50xi32, #tpu.memory_space<vmem>> -> memref<1x50xi32, #tpu.memory_space<vmem>>
      %dma_start3A_42 = tpu.memref_squeeze %dma_start3A_41 : memref<1x50xi32, #tpu.memory_space<vmem>> -> memref<50xi32, #tpu.memory_space<vmem>>
      %dma_start3A_43 = arith.constant 0 : i32
      %dma_start3A_44 = arith.constant 0 : i32
      %dma_start3A_45 = tpu.memref_slice %arg2[%dma_start3A_43, %dma_start3A_44] : memref<10000x128xf32, #tpu.memory_space<hbm>> -> memref<10000x128xf32, #tpu.memory_space<hbm>>
      tpu.enqueue_indirect_dma source(%dma_start3A_45 : memref<10000x128xf32, #tpu.memory_space<hbm>>) target(%arg13 : memref<50x128xf32, #tpu.memory_space<vmem>>) offsets(%dma_start3A_42 : memref<50xi32, #tpu.memory_space<vmem>>) semaphore(%arg18 : memref<!tpu.dma_semaphore, #tpu.memory_space<semaphore_mem>>)
      %mul3A_46 = arith.constant 640 : i32
      %mul3A_47 = arith.muli %arg1, %mul3A_46 : i32
      %mul3A_48 = arith.constant 640 : i32
      %mul3A_49 = arith.muli %arg1, %mul3A_48 : i32
      %dma_wait3A = arith.constant 0 : i32
      %dma_wait3A_50 = tpu.memref_slice %arg15[%mul3A_49, %dma_wait3A] : memref<10240x128xf32, #tpu.memory_space<vmem_shared>> -> memref<640x128xf32, #tpu.memory_space<vmem_shared>>
      %dma_wait3A_51 = arith.constant 0 : i32
      %dma_wait3A_52 = tpu.memref_slice %arg6[%mul3A_47, %dma_wait3A_51] : memref<10240x128xf32, #tpu.memory_space<hbm>> -> memref<640x128xf32, #tpu.memory_space<hbm>>
      tpu.wait_dma2 semaphore(%arg22 : memref<!tpu.dma_semaphore, #tpu.memory_space<semaphore_mem>>) src(%dma_wait3A_52 : memref<640x128xf32, #tpu.memory_space<hbm>>) dst(%dma_wait3A_50 : memref<640x128xf32, #tpu.memory_space<vmem_shared>>)
      %barrier3A_53 = arith.constant 0 : index
      tpu.barrier barrier_id(%barrier3A_53)
      %scan3A = arith.constant 0 : i32
      %scan3A_54 = arith.constant 0 : i32
      %scan3A_55 = arith.constant 10 : i32
      %scan3A_56 = arith.addi %scan3A_54, %scan3A_55 : i32
      %scan3A_57 = arith.constant 1 : i32
      scf.for %scan3A_59 = %scan3A_54 to %scan3A_56 step %scan3A_57  : i32 {
        %rem3A = arith.constant 2 : i32
        %rem3A_60 = arith.remsi %scan3A_59, %rem3A : i32
        %mul3A_61 = arith.constant 40 : i32
        %mul3A_62 = arith.muli %rem3A_60, %mul3A_61 : i32
        %add3A = arith.constant 1 : i32
        %add3A_63 = arith.addi %scan3A_59, %add3A : i32
        %rem3A_64 = arith.constant 2 : i32
        %rem3A_65 = arith.remsi %add3A_63, %rem3A_64 : i32
        %mul3A_66 = arith.constant 40 : i32
        %mul3A_67 = arith.muli %rem3A_65, %mul3A_66 : i32
        %add3A_68 = arith.constant 1 : i32
        %add3A_69 = arith.addi %scan3A_59, %add3A_68 : i32
        %lt3A = arith.constant 10 : i32
        %lt3A_70 = arith.cmpi slt, %add3A_69, %lt3A : i32
        %convert_element_type3A_71 = arith.extui %lt3A_70 : i1 to i32
        %cond3A_72 = arith.constant 0 : i32
        %cond3A_73 = arith.cmpi ne, %convert_element_type3A_71, %cond3A_72 : i32
        scf.if %cond3A_73 {
          %add3A_80 = arith.constant 1 : i32
          %add3A_81 = arith.addi %scan3A_59, %add3A_80 : i32
          %mul3A_82 = arith.constant 40 : i32
          %mul3A_83 = arith.muli %add3A_81, %mul3A_82 : i32
          %add3A_84 = arith.addi %mul3A_0, %mul3A_83 : i32
          %dma_start3A_85 = arith.constant 0 : i32
          %dma_start3A_86 = tpu.memref_slice %arg9[%mul3A_67, %dma_start3A_85] : memref<80x50xi32, #tpu.memory_space<vmem>> -> memref<40x50xi32, #tpu.memory_space<vmem>>
          %dma_start3A_87 = arith.constant 0 : i32
          %dma_start3A_88 = tpu.memref_slice %arg4[%add3A_84, %dma_start3A_87] : memref<6400x50xi32, #tpu.memory_space<hbm>> -> memref<40x50xi32, #tpu.memory_space<hbm>>
          %dma_start3A_89 = arith.constant 0 : i32
          %dma_start3A_90 = tpu.memref_slice %arg9[%mul3A_67, %dma_start3A_89] : memref<80x50xi32, #tpu.memory_space<vmem>> -> memref<40x50xi32, #tpu.memory_space<vmem>>
          %dma_start3A_91 = arith.constant 0 : i32
          %dma_start3A_92 = tpu.memref_slice %arg4[%add3A_84, %dma_start3A_91] : memref<6400x50xi32, #tpu.memory_space<hbm>> -> memref<40x50xi32, #tpu.memory_space<hbm>>
          tpu.enqueue_dma source(%dma_start3A_92 : memref<40x50xi32, #tpu.memory_space<hbm>>) target(%dma_start3A_90 : memref<40x50xi32, #tpu.memory_space<vmem>>) target_semaphore(%arg20 : memref<!tpu.dma_semaphore, #tpu.memory_space<semaphore_mem>>)
          %add3A_93 = arith.constant 1 : i32
          %add3A_94 = arith.addi %scan3A_59, %add3A_93 : i32
          %mul3A_95 = arith.constant 40 : i32
          %mul3A_96 = arith.muli %add3A_94, %mul3A_95 : i32
          %add3A_97 = arith.addi %mul3A_0, %mul3A_96 : i32
          %dma_start3A_98 = arith.constant 0 : i32
          %dma_start3A_99 = tpu.memref_slice %arg10[%mul3A_67, %dma_start3A_98] : memref<80x50xi32, #tpu.memory_space<vmem>> -> memref<40x50xi32, #tpu.memory_space<vmem>>
          %dma_start3A_100 = arith.constant 0 : i32
          %dma_start3A_101 = tpu.memref_slice %arg5[%add3A_97, %dma_start3A_100] : memref<6400x50xi32, #tpu.memory_space<hbm>> -> memref<40x50xi32, #tpu.memory_space<hbm>>
          %dma_start3A_102 = arith.constant 0 : i32
          %dma_start3A_103 = tpu.memref_slice %arg10[%mul3A_67, %dma_start3A_102] : memref<80x50xi32, #tpu.memory_space<vmem>> -> memref<40x50xi32, #tpu.memory_space<vmem>>
          %dma_start3A_104 = arith.constant 0 : i32
          %dma_start3A_105 = tpu.memref_slice %arg5[%add3A_97, %dma_start3A_104] : memref<6400x50xi32, #tpu.memory_space<hbm>> -> memref<40x50xi32, #tpu.memory_space<hbm>>
          tpu.enqueue_dma source(%dma_start3A_105 : memref<40x50xi32, #tpu.memory_space<hbm>>) target(%dma_start3A_103 : memref<40x50xi32, #tpu.memory_space<vmem>>) target_semaphore(%arg21 : memref<!tpu.dma_semaphore, #tpu.memory_space<semaphore_mem>>)
        } else {
        }
        %scan3A_74 = arith.constant 0 : i32
        %scan3A_75 = arith.constant 0 : i32
        %scan3A_76 = arith.constant 10 : i32
        %scan3A_77 = arith.addi %scan3A_75, %scan3A_76 : i32
        %scan3A_78 = arith.constant 1 : i32
        scf.for %scan3A_80 = %scan3A_75 to %scan3A_77 step %scan3A_78  : i32 {
          %mul3A_81 = arith.constant 4 : i32
          %mul3A_82 = arith.muli %mul3A_81, %scan3A_80 : i32
          %eq3A_83 = arith.constant 9 : i32
          %eq3A_84 = arith.cmpi eq, %scan3A_80, %eq3A_83 : i32
          %add3A_85 = arith.addi %mul3A_62, %mul3A_82 : i32
          %add3A_86 = arith.constant 0 : i32
          %add3A_87 = arith.addi %add3A_85, %add3A_86 : i32
          %dma_wait3A_88 = arith.constant 0 : i32
          %dma_wait3A_89 = tpu.memref_slice %arg9[%add3A_87, %dma_wait3A_88] : memref<80x50xi32, #tpu.memory_space<vmem>> -> memref<1x50xi32, #tpu.memory_space<vmem>>
          %dma_wait3A_90 = tpu.memref_squeeze %dma_wait3A_89 : memref<1x50xi32, #tpu.memory_space<vmem>> -> memref<50xi32, #tpu.memory_space<vmem>>
          %dma_wait3A_91 = arith.constant 0 : i32
          %dma_wait3A_92 = arith.constant 0 : i32
          %dma_wait3A_93 = tpu.memref_slice %arg2[%dma_wait3A_91, %dma_wait3A_92] : memref<10000x128xf32, #tpu.memory_space<hbm>> -> memref<10000x128xf32, #tpu.memory_space<hbm>>
          tpu.wait_indirect_dma semaphore(%arg16 : memref<!tpu.dma_semaphore, #tpu.memory_space<semaphore_mem>>) src(%dma_wait3A_93 : memref<10000x128xf32, #tpu.memory_space<hbm>>) dst(%arg11 : memref<50x128xf32, #tpu.memory_space<vmem>>)
          %add3A_94 = arith.constant 0 : i32
          %add3A_95 = arith.addi %mul3A_82, %add3A_94 : i32
          %add3A_96 = arith.constant 3 : i32
          %add3A_97 = arith.addi %add3A_95, %add3A_96 : i32
          %lt3A_98 = arith.constant 40 : i32
          %lt3A_99 = arith.cmpi slt, %add3A_97, %lt3A_98 : i32
          %add3A_100 = arith.addi %mul3A_62, %add3A_97 : i32
          %add3A_101 = arith.addi %mul3A_67, %add3A_97 : i32
          %sub3A = arith.constant 40 : i32
          %sub3A_102 = arith.subi %add3A_101, %sub3A : i32
          %select_n3A = arith.select %lt3A_99, %add3A_100, %sub3A_102 : i32
          %lt3A_103 = arith.constant 40 : i32
          %lt3A_104 = arith.cmpi slt, %add3A_97, %lt3A_103 : i32
          %add3A_105 = arith.constant 1 : i32
          %add3A_106 = arith.addi %scan3A_59, %add3A_105 : i32
          %lt3A_107 = arith.constant 10 : i32
          %lt3A_108 = arith.cmpi slt, %add3A_106, %lt3A_107 : i32
          %or3A = arith.ori %lt3A_104, %lt3A_108 : i1
          %convert_element_type3A_109 = arith.extui %or3A : i1 to i32
          %cond3A_110 = arith.constant 0 : i32
          %cond3A_111 = arith.cmpi ne, %convert_element_type3A_109, %cond3A_110 : i32
          scf.if %cond3A_111 {
            %dma_start3A_209 = arith.constant 0 : i32
            %dma_start3A_210 = tpu.memref_slice %arg9[%select_n3A, %dma_start3A_209] : memref<80x50xi32, #tpu.memory_space<vmem>> -> memref<1x50xi32, #tpu.memory_space<vmem>>
            %dma_start3A_211 = tpu.memref_squeeze %dma_start3A_210 : memref<1x50xi32, #tpu.memory_space<vmem>> -> memref<50xi32, #tpu.memory_space<vmem>>
            %dma_start3A_212 = arith.constant 0 : i32
            %dma_start3A_213 = arith.constant 0 : i32
            %dma_start3A_214 = tpu.memref_slice %arg2[%dma_start3A_212, %dma_start3A_213] : memref<10000x128xf32, #tpu.memory_space<hbm>> -> memref<10000x128xf32, #tpu.memory_space<hbm>>
            tpu.enqueue_indirect_dma source(%dma_start3A_214 : memref<10000x128xf32, #tpu.memory_space<hbm>>) target(%arg14 : memref<50x128xf32, #tpu.memory_space<vmem>>) offsets(%dma_start3A_211 : memref<50xi32, #tpu.memory_space<vmem>>) semaphore(%arg19 : memref<!tpu.dma_semaphore, #tpu.memory_space<semaphore_mem>>)
          } else {
          }
          "tpu.region"() ({
            %run_scoped3A = tpu.sem_alloc : memref<!tpu.dma_semaphore, #tpu.memory_space<semaphore_mem>>
            %dma_start3A_209 = arith.constant 0 : i32
            %dma_start3A_210 = tpu.memref_slice %arg10[%add3A_87, %dma_start3A_209] : memref<80x50xi32, #tpu.memory_space<vmem>> -> memref<1x50xi32, #tpu.memory_space<vmem>>
            %dma_start3A_211 = tpu.memref_squeeze %dma_start3A_210 : memref<1x50xi32, #tpu.memory_space<vmem>> -> memref<50xi32, #tpu.memory_space<vmem>>
            %dma_start3A_212 = arith.constant 0 : i32
            %dma_start3A_213 = arith.constant 0 : i32
            %dma_start3A_214 = tpu.memref_slice %arg15[%dma_start3A_212, %dma_start3A_213] : memref<10240x128xf32, #tpu.memory_space<vmem_shared>> -> memref<10240x128xf32, #tpu.memory_space<vmem_shared>>
            tpu.enqueue_indirect_dma source(%arg11 : memref<50x128xf32, #tpu.memory_space<vmem>>) target(%dma_start3A_214 : memref<10240x128xf32, #tpu.memory_space<vmem_shared>>) offsets(%dma_start3A_211 : memref<50xi32, #tpu.memory_space<vmem>>) semaphore(%run_scoped3A : memref<!tpu.dma_semaphore, #tpu.memory_space<semaphore_mem>>) {add = true}
            %dma_wait3A_215 = arith.constant 0 : i32
            %dma_wait3A_216 = tpu.memref_slice %arg10[%add3A_87, %dma_wait3A_215] : memref<80x50xi32, #tpu.memory_space<vmem>> -> memref<1x50xi32, #tpu.memory_space<vmem>>
            %dma_wait3A_217 = tpu.memref_squeeze %dma_wait3A_216 : memref<1x50xi32, #tpu.memory_space<vmem>> -> memref<50xi32, #tpu.memory_space<vmem>>
            %dma_wait3A_218 = arith.constant 0 : i32
            %dma_wait3A_219 = arith.constant 0 : i32
            %dma_wait3A_220 = tpu.memref_slice %arg15[%dma_wait3A_218, %dma_wait3A_219] : memref<10240x128xf32, #tpu.memory_space<vmem_shared>> -> memref<10240x128xf32, #tpu.memory_space<vmem_shared>>
            tpu.wait_indirect_dma semaphore(%run_scoped3A : memref<!tpu.dma_semaphore, #tpu.memory_space<semaphore_mem>>) src(%arg11 : memref<50x128xf32, #tpu.memory_space<vmem>>) dst(%dma_wait3A_220 : memref<10240x128xf32, #tpu.memory_space<vmem_shared>>)
            tpu.yield
          }) : () -> ()
          %add3A_112 = arith.constant 1 : i32
          %add3A_113 = arith.addi %scan3A_59, %add3A_112 : i32
          %lt3A_114 = arith.constant 10 : i32
          %lt3A_115 = arith.cmpi slt, %add3A_113, %lt3A_114 : i32
          %and3A = arith.andi %eq3A_84, %lt3A_115 : i1
          %convert_element_type3A_116 = arith.extui %and3A : i1 to i32
          %cond3A_117 = arith.constant 0 : i32
          %cond3A_118 = arith.cmpi ne, %convert_element_type3A_116, %cond3A_117 : i32
          scf.if %cond3A_118 {
            %dma_wait3A_209 = arith.constant 0 : i32
            %dma_wait3A_210 = tpu.memref_slice %arg9[%mul3A_67, %dma_wait3A_209] : memref<80x50xi32, #tpu.memory_space<vmem>> -> memref<40x50xi32, #tpu.memory_space<vmem>>
            %dma_wait3A_211 = arith.constant 0 : i32
            %dma_wait3A_212 = tpu.memref_slice %arg4[%mul3A_0, %dma_wait3A_211] : memref<6400x50xi32, #tpu.memory_space<hbm>> -> memref<40x50xi32, #tpu.memory_space<hbm>>
            %dma_wait3A_213 = arith.constant 0 : i32
            %dma_wait3A_214 = tpu.memref_slice %arg9[%mul3A_67, %dma_wait3A_213] : memref<80x50xi32, #tpu.memory_space<vmem>> -> memref<40x50xi32, #tpu.memory_space<vmem>>
            %dma_wait3A_215 = arith.constant 0 : i32
            %dma_wait3A_216 = tpu.memref_slice %arg4[%mul3A_0, %dma_wait3A_215] : memref<6400x50xi32, #tpu.memory_space<hbm>> -> memref<40x50xi32, #tpu.memory_space<hbm>>
            tpu.wait_dma2 semaphore(%arg20 : memref<!tpu.dma_semaphore, #tpu.memory_space<semaphore_mem>>) src(%dma_wait3A_216 : memref<40x50xi32, #tpu.memory_space<hbm>>) dst(%dma_wait3A_214 : memref<40x50xi32, #tpu.memory_space<vmem>>)
            %dma_wait3A_217 = arith.constant 0 : i32
            %dma_wait3A_218 = tpu.memref_slice %arg10[%mul3A_67, %dma_wait3A_217] : memref<80x50xi32, #tpu.memory_space<vmem>> -> memref<40x50xi32, #tpu.memory_space<vmem>>
            %dma_wait3A_219 = arith.constant 0 : i32
            %dma_wait3A_220 = tpu.memref_slice %arg5[%mul3A_0, %dma_wait3A_219] : memref<6400x50xi32, #tpu.memory_space<hbm>> -> memref<40x50xi32, #tpu.memory_space<hbm>>
            %dma_wait3A_221 = arith.constant 0 : i32
            %dma_wait3A_222 = tpu.memref_slice %arg10[%mul3A_67, %dma_wait3A_221] : memref<80x50xi32, #tpu.memory_space<vmem>> -> memref<40x50xi32, #tpu.memory_space<vmem>>
            %dma_wait3A_223 = arith.constant 0 : i32
            %dma_wait3A_224 = tpu.memref_slice %arg5[%mul3A_0, %dma_wait3A_223] : memref<6400x50xi32, #tpu.memory_space<hbm>> -> memref<40x50xi32, #tpu.memory_space<hbm>>
            tpu.wait_dma2 semaphore(%arg21 : memref<!tpu.dma_semaphore, #tpu.memory_space<semaphore_mem>>) src(%dma_wait3A_224 : memref<40x50xi32, #tpu.memory_space<hbm>>) dst(%dma_wait3A_222 : memref<40x50xi32, #tpu.memory_space<vmem>>)
          } else {
          }
          %add3A_119 = arith.addi %mul3A_62, %mul3A_82 : i32
          %add3A_120 = arith.constant 1 : i32
          %add3A_121 = arith.addi %add3A_119, %add3A_120 : i32
          %dma_wait3A_122 = arith.constant 0 : i32
          %dma_wait3A_123 = tpu.memref_slice %arg9[%add3A_121, %dma_wait3A_122] : memref<80x50xi32, #tpu.memory_space<vmem>> -> memref<1x50xi32, #tpu.memory_space<vmem>>
          %dma_wait3A_124 = tpu.memref_squeeze %dma_wait3A_123 : memref<1x50xi32, #tpu.memory_space<vmem>> -> memref<50xi32, #tpu.memory_space<vmem>>
          %dma_wait3A_125 = arith.constant 0 : i32
          %dma_wait3A_126 = arith.constant 0 : i32
          %dma_wait3A_127 = tpu.memref_slice %arg2[%dma_wait3A_125, %dma_wait3A_126] : memref<10000x128xf32, #tpu.memory_space<hbm>> -> memref<10000x128xf32, #tpu.memory_space<hbm>>
          tpu.wait_indirect_dma semaphore(%arg17 : memref<!tpu.dma_semaphore, #tpu.memory_space<semaphore_mem>>) src(%dma_wait3A_127 : memref<10000x128xf32, #tpu.memory_space<hbm>>) dst(%arg12 : memref<50x128xf32, #tpu.memory_space<vmem>>)
          %add3A_128 = arith.constant 1 : i32
          %add3A_129 = arith.addi %mul3A_82, %add3A_128 : i32
          %add3A_130 = arith.constant 3 : i32
          %add3A_131 = arith.addi %add3A_129, %add3A_130 : i32
          %lt3A_132 = arith.constant 40 : i32
          %lt3A_133 = arith.cmpi slt, %add3A_131, %lt3A_132 : i32
          %add3A_134 = arith.addi %mul3A_62, %add3A_131 : i32
          %add3A_135 = arith.addi %mul3A_67, %add3A_131 : i32
          %sub3A_136 = arith.constant 40 : i32
          %sub3A_137 = arith.subi %add3A_135, %sub3A_136 : i32
          %select_n3A_138 = arith.select %lt3A_133, %add3A_134, %sub3A_137 : i32
          %lt3A_139 = arith.constant 40 : i32
          %lt3A_140 = arith.cmpi slt, %add3A_131, %lt3A_139 : i32
          %add3A_141 = arith.constant 1 : i32
          %add3A_142 = arith.addi %scan3A_59, %add3A_141 : i32
          %lt3A_143 = arith.constant 10 : i32
          %lt3A_144 = arith.cmpi slt, %add3A_142, %lt3A_143 : i32
          %or3A_145 = arith.ori %lt3A_140, %lt3A_144 : i1
          %convert_element_type3A_146 = arith.extui %or3A_145 : i1 to i32
          %cond3A_147 = arith.constant 0 : i32
          %cond3A_148 = arith.cmpi ne, %convert_element_type3A_146, %cond3A_147 : i32
          scf.if %cond3A_148 {
            %dma_start3A_209 = arith.constant 0 : i32
            %dma_start3A_210 = tpu.memref_slice %arg9[%select_n3A_138, %dma_start3A_209] : memref<80x50xi32, #tpu.memory_space<vmem>> -> memref<1x50xi32, #tpu.memory_space<vmem>>
            %dma_start3A_211 = tpu.memref_squeeze %dma_start3A_210 : memref<1x50xi32, #tpu.memory_space<vmem>> -> memref<50xi32, #tpu.memory_space<vmem>>
            %dma_start3A_212 = arith.constant 0 : i32
            %dma_start3A_213 = arith.constant 0 : i32
            %dma_start3A_214 = tpu.memref_slice %arg2[%dma_start3A_212, %dma_start3A_213] : memref<10000x128xf32, #tpu.memory_space<hbm>> -> memref<10000x128xf32, #tpu.memory_space<hbm>>
            tpu.enqueue_indirect_dma source(%dma_start3A_214 : memref<10000x128xf32, #tpu.memory_space<hbm>>) target(%arg11 : memref<50x128xf32, #tpu.memory_space<vmem>>) offsets(%dma_start3A_211 : memref<50xi32, #tpu.memory_space<vmem>>) semaphore(%arg16 : memref<!tpu.dma_semaphore, #tpu.memory_space<semaphore_mem>>)
          } else {
          }
          "tpu.region"() ({
            %run_scoped3A = tpu.sem_alloc : memref<!tpu.dma_semaphore, #tpu.memory_space<semaphore_mem>>
            %dma_start3A_209 = arith.constant 0 : i32
            %dma_start3A_210 = tpu.memref_slice %arg10[%add3A_121, %dma_start3A_209] : memref<80x50xi32, #tpu.memory_space<vmem>> -> memref<1x50xi32, #tpu.memory_space<vmem>>
            %dma_start3A_211 = tpu.memref_squeeze %dma_start3A_210 : memref<1x50xi32, #tpu.memory_space<vmem>> -> memref<50xi32, #tpu.memory_space<vmem>>
            %dma_start3A_212 = arith.constant 0 : i32
            %dma_start3A_213 = arith.constant 0 : i32
            %dma_start3A_214 = tpu.memref_slice %arg15[%dma_start3A_212, %dma_start3A_213] : memref<10240x128xf32, #tpu.memory_space<vmem_shared>> -> memref<10240x128xf32, #tpu.memory_space<vmem_shared>>
            tpu.enqueue_indirect_dma source(%arg12 : memref<50x128xf32, #tpu.memory_space<vmem>>) target(%dma_start3A_214 : memref<10240x128xf32, #tpu.memory_space<vmem_shared>>) offsets(%dma_start3A_211 : memref<50xi32, #tpu.memory_space<vmem>>) semaphore(%run_scoped3A : memref<!tpu.dma_semaphore, #tpu.memory_space<semaphore_mem>>) {add = true}
            %dma_wait3A_215 = arith.constant 0 : i32
            %dma_wait3A_216 = tpu.memref_slice %arg10[%add3A_121, %dma_wait3A_215] : memref<80x50xi32, #tpu.memory_space<vmem>> -> memref<1x50xi32, #tpu.memory_space<vmem>>
            %dma_wait3A_217 = tpu.memref_squeeze %dma_wait3A_216 : memref<1x50xi32, #tpu.memory_space<vmem>> -> memref<50xi32, #tpu.memory_space<vmem>>
            %dma_wait3A_218 = arith.constant 0 : i32
            %dma_wait3A_219 = arith.constant 0 : i32
            %dma_wait3A_220 = tpu.memref_slice %arg15[%dma_wait3A_218, %dma_wait3A_219] : memref<10240x128xf32, #tpu.memory_space<vmem_shared>> -> memref<10240x128xf32, #tpu.memory_space<vmem_shared>>
            tpu.wait_indirect_dma semaphore(%run_scoped3A : memref<!tpu.dma_semaphore, #tpu.memory_space<semaphore_mem>>) src(%arg12 : memref<50x128xf32, #tpu.memory_space<vmem>>) dst(%dma_wait3A_220 : memref<10240x128xf32, #tpu.memory_space<vmem_shared>>)
            tpu.yield
          }) : () -> ()
          %add3A_149 = arith.addi %mul3A_62, %mul3A_82 : i32
          %add3A_150 = arith.constant 2 : i32
          %add3A_151 = arith.addi %add3A_149, %add3A_150 : i32
          %dma_wait3A_152 = arith.constant 0 : i32
          %dma_wait3A_153 = tpu.memref_slice %arg9[%add3A_151, %dma_wait3A_152] : memref<80x50xi32, #tpu.memory_space<vmem>> -> memref<1x50xi32, #tpu.memory_space<vmem>>
          %dma_wait3A_154 = tpu.memref_squeeze %dma_wait3A_153 : memref<1x50xi32, #tpu.memory_space<vmem>> -> memref<50xi32, #tpu.memory_space<vmem>>
          %dma_wait3A_155 = arith.constant 0 : i32
          %dma_wait3A_156 = arith.constant 0 : i32
          %dma_wait3A_157 = tpu.memref_slice %arg2[%dma_wait3A_155, %dma_wait3A_156] : memref<10000x128xf32, #tpu.memory_space<hbm>> -> memref<10000x128xf32, #tpu.memory_space<hbm>>
          tpu.wait_indirect_dma semaphore(%arg18 : memref<!tpu.dma_semaphore, #tpu.memory_space<semaphore_mem>>) src(%dma_wait3A_157 : memref<10000x128xf32, #tpu.memory_space<hbm>>) dst(%arg13 : memref<50x128xf32, #tpu.memory_space<vmem>>)
          %add3A_158 = arith.constant 2 : i32
          %add3A_159 = arith.addi %mul3A_82, %add3A_158 : i32
          %add3A_160 = arith.constant 3 : i32
          %add3A_161 = arith.addi %add3A_159, %add3A_160 : i32
          %lt3A_162 = arith.constant 40 : i32
          %lt3A_163 = arith.cmpi slt, %add3A_161, %lt3A_162 : i32
          %add3A_164 = arith.addi %mul3A_62, %add3A_161 : i32
          %add3A_165 = arith.addi %mul3A_67, %add3A_161 : i32
          %sub3A_166 = arith.constant 40 : i32
          %sub3A_167 = arith.subi %add3A_165, %sub3A_166 : i32
          %select_n3A_168 = arith.select %lt3A_163, %add3A_164, %sub3A_167 : i32
          %lt3A_169 = arith.constant 40 : i32
          %lt3A_170 = arith.cmpi slt, %add3A_161, %lt3A_169 : i32
          %add3A_171 = arith.constant 1 : i32
          %add3A_172 = arith.addi %scan3A_59, %add3A_171 : i32
          %lt3A_173 = arith.constant 10 : i32
          %lt3A_174 = arith.cmpi slt, %add3A_172, %lt3A_173 : i32
          %or3A_175 = arith.ori %lt3A_170, %lt3A_174 : i1
          %convert_element_type3A_176 = arith.extui %or3A_175 : i1 to i32
          %cond3A_177 = arith.constant 0 : i32
          %cond3A_178 = arith.cmpi ne, %convert_element_type3A_176, %cond3A_177 : i32
          scf.if %cond3A_178 {
            %dma_start3A_209 = arith.constant 0 : i32
            %dma_start3A_210 = tpu.memref_slice %arg9[%select_n3A_168, %dma_start3A_209] : memref<80x50xi32, #tpu.memory_space<vmem>> -> memref<1x50xi32, #tpu.memory_space<vmem>>
            %dma_start3A_211 = tpu.memref_squeeze %dma_start3A_210 : memref<1x50xi32, #tpu.memory_space<vmem>> -> memref<50xi32, #tpu.memory_space<vmem>>
            %dma_start3A_212 = arith.constant 0 : i32
            %dma_start3A_213 = arith.constant 0 : i32
            %dma_start3A_214 = tpu.memref_slice %arg2[%dma_start3A_212, %dma_start3A_213] : memref<10000x128xf32, #tpu.memory_space<hbm>> -> memref<10000x128xf32, #tpu.memory_space<hbm>>
            tpu.enqueue_indirect_dma source(%dma_start3A_214 : memref<10000x128xf32, #tpu.memory_space<hbm>>) target(%arg12 : memref<50x128xf32, #tpu.memory_space<vmem>>) offsets(%dma_start3A_211 : memref<50xi32, #tpu.memory_space<vmem>>) semaphore(%arg17 : memref<!tpu.dma_semaphore, #tpu.memory_space<semaphore_mem>>)
          } else {
          }
          "tpu.region"() ({
            %run_scoped3A = tpu.sem_alloc : memref<!tpu.dma_semaphore, #tpu.memory_space<semaphore_mem>>
            %dma_start3A_209 = arith.constant 0 : i32
            %dma_start3A_210 = tpu.memref_slice %arg10[%add3A_151, %dma_start3A_209] : memref<80x50xi32, #tpu.memory_space<vmem>> -> memref<1x50xi32, #tpu.memory_space<vmem>>
            %dma_start3A_211 = tpu.memref_squeeze %dma_start3A_210 : memref<1x50xi32, #tpu.memory_space<vmem>> -> memref<50xi32, #tpu.memory_space<vmem>>
            %dma_start3A_212 = arith.constant 0 : i32
            %dma_start3A_213 = arith.constant 0 : i32
            %dma_start3A_214 = tpu.memref_slice %arg15[%dma_start3A_212, %dma_start3A_213] : memref<10240x128xf32, #tpu.memory_space<vmem_shared>> -> memref<10240x128xf32, #tpu.memory_space<vmem_shared>>
            tpu.enqueue_indirect_dma source(%arg13 : memref<50x128xf32, #tpu.memory_space<vmem>>) target(%dma_start3A_214 : memref<10240x128xf32, #tpu.memory_space<vmem_shared>>) offsets(%dma_start3A_211 : memref<50xi32, #tpu.memory_space<vmem>>) semaphore(%run_scoped3A : memref<!tpu.dma_semaphore, #tpu.memory_space<semaphore_mem>>) {add = true}
            %dma_wait3A_215 = arith.constant 0 : i32
            %dma_wait3A_216 = tpu.memref_slice %arg10[%add3A_151, %dma_wait3A_215] : memref<80x50xi32, #tpu.memory_space<vmem>> -> memref<1x50xi32, #tpu.memory_space<vmem>>
            %dma_wait3A_217 = tpu.memref_squeeze %dma_wait3A_216 : memref<1x50xi32, #tpu.memory_space<vmem>> -> memref<50xi32, #tpu.memory_space<vmem>>
            %dma_wait3A_218 = arith.constant 0 : i32
            %dma_wait3A_219 = arith.constant 0 : i32
            %dma_wait3A_220 = tpu.memref_slice %arg15[%dma_wait3A_218, %dma_wait3A_219] : memref<10240x128xf32, #tpu.memory_space<vmem_shared>> -> memref<10240x128xf32, #tpu.memory_space<vmem_shared>>
            tpu.wait_indirect_dma semaphore(%run_scoped3A : memref<!tpu.dma_semaphore, #tpu.memory_space<semaphore_mem>>) src(%arg13 : memref<50x128xf32, #tpu.memory_space<vmem>>) dst(%dma_wait3A_220 : memref<10240x128xf32, #tpu.memory_space<vmem_shared>>)
            tpu.yield
          }) : () -> ()
          %add3A_179 = arith.addi %mul3A_62, %mul3A_82 : i32
          %add3A_180 = arith.constant 3 : i32
          %add3A_181 = arith.addi %add3A_179, %add3A_180 : i32
          %dma_wait3A_182 = arith.constant 0 : i32
          %dma_wait3A_183 = tpu.memref_slice %arg9[%add3A_181, %dma_wait3A_182] : memref<80x50xi32, #tpu.memory_space<vmem>> -> memref<1x50xi32, #tpu.memory_space<vmem>>
          %dma_wait3A_184 = tpu.memref_squeeze %dma_wait3A_183 : memref<1x50xi32, #tpu.memory_space<vmem>> -> memref<50xi32, #tpu.memory_space<vmem>>
          %dma_wait3A_185 = arith.constant 0 : i32
          %dma_wait3A_186 = arith.constant 0 : i32
          %dma_wait3A_187 = tpu.memref_slice %arg2[%dma_wait3A_185, %dma_wait3A_186] : memref<10000x128xf32, #tpu.memory_space<hbm>> -> memref<10000x128xf32, #tpu.memory_space<hbm>>
          tpu.wait_indirect_dma semaphore(%arg19 : memref<!tpu.dma_semaphore, #tpu.memory_space<semaphore_mem>>) src(%dma_wait3A_187 : memref<10000x128xf32, #tpu.memory_space<hbm>>) dst(%arg14 : memref<50x128xf32, #tpu.memory_space<vmem>>)
          %add3A_188 = arith.constant 3 : i32
          %add3A_189 = arith.addi %mul3A_82, %add3A_188 : i32
          %add3A_190 = arith.constant 3 : i32
          %add3A_191 = arith.addi %add3A_189, %add3A_190 : i32
          %lt3A_192 = arith.constant 40 : i32
          %lt3A_193 = arith.cmpi slt, %add3A_191, %lt3A_192 : i32
          %add3A_194 = arith.addi %mul3A_62, %add3A_191 : i32
          %add3A_195 = arith.addi %mul3A_67, %add3A_191 : i32
          %sub3A_196 = arith.constant 40 : i32
          %sub3A_197 = arith.subi %add3A_195, %sub3A_196 : i32
          %select_n3A_198 = arith.select %lt3A_193, %add3A_194, %sub3A_197 : i32
          %lt3A_199 = arith.constant 40 : i32
          %lt3A_200 = arith.cmpi slt, %add3A_191, %lt3A_199 : i32
          %add3A_201 = arith.constant 1 : i32
          %add3A_202 = arith.addi %scan3A_59, %add3A_201 : i32
          %lt3A_203 = arith.constant 10 : i32
          %lt3A_204 = arith.cmpi slt, %add3A_202, %lt3A_203 : i32
          %or3A_205 = arith.ori %lt3A_200, %lt3A_204 : i1
          %convert_element_type3A_206 = arith.extui %or3A_205 : i1 to i32
          %cond3A_207 = arith.constant 0 : i32
          %cond3A_208 = arith.cmpi ne, %convert_element_type3A_206, %cond3A_207 : i32
          scf.if %cond3A_208 {
            %dma_start3A_209 = arith.constant 0 : i32
            %dma_start3A_210 = tpu.memref_slice %arg9[%select_n3A_198, %dma_start3A_209] : memref<80x50xi32, #tpu.memory_space<vmem>> -> memref<1x50xi32, #tpu.memory_space<vmem>>
            %dma_start3A_211 = tpu.memref_squeeze %dma_start3A_210 : memref<1x50xi32, #tpu.memory_space<vmem>> -> memref<50xi32, #tpu.memory_space<vmem>>
            %dma_start3A_212 = arith.constant 0 : i32
            %dma_start3A_213 = arith.constant 0 : i32
            %dma_start3A_214 = tpu.memref_slice %arg2[%dma_start3A_212, %dma_start3A_213] : memref<10000x128xf32, #tpu.memory_space<hbm>> -> memref<10000x128xf32, #tpu.memory_space<hbm>>
            tpu.enqueue_indirect_dma source(%dma_start3A_214 : memref<10000x128xf32, #tpu.memory_space<hbm>>) target(%arg13 : memref<50x128xf32, #tpu.memory_space<vmem>>) offsets(%dma_start3A_211 : memref<50xi32, #tpu.memory_space<vmem>>) semaphore(%arg18 : memref<!tpu.dma_semaphore, #tpu.memory_space<semaphore_mem>>)
          } else {
          }
          "tpu.region"() ({
            %run_scoped3A = tpu.sem_alloc : memref<!tpu.dma_semaphore, #tpu.memory_space<semaphore_mem>>
            %dma_start3A_209 = arith.constant 0 : i32
            %dma_start3A_210 = tpu.memref_slice %arg10[%add3A_181, %dma_start3A_209] : memref<80x50xi32, #tpu.memory_space<vmem>> -> memref<1x50xi32, #tpu.memory_space<vmem>>
            %dma_start3A_211 = tpu.memref_squeeze %dma_start3A_210 : memref<1x50xi32, #tpu.memory_space<vmem>> -> memref<50xi32, #tpu.memory_space<vmem>>
            %dma_start3A_212 = arith.constant 0 : i32
            %dma_start3A_213 = arith.constant 0 : i32
            %dma_start3A_214 = tpu.memref_slice %arg15[%dma_start3A_212, %dma_start3A_213] : memref<10240x128xf32, #tpu.memory_space<vmem_shared>> -> memref<10240x128xf32, #tpu.memory_space<vmem_shared>>
            tpu.enqueue_indirect_dma source(%arg14 : memref<50x128xf32, #tpu.memory_space<vmem>>) target(%dma_start3A_214 : memref<10240x128xf32, #tpu.memory_space<vmem_shared>>) offsets(%dma_start3A_211 : memref<50xi32, #tpu.memory_space<vmem>>) semaphore(%run_scoped3A : memref<!tpu.dma_semaphore, #tpu.memory_space<semaphore_mem>>) {add = true}
            %dma_wait3A_215 = arith.constant 0 : i32
            %dma_wait3A_216 = tpu.memref_slice %arg10[%add3A_181, %dma_wait3A_215] : memref<80x50xi32, #tpu.memory_space<vmem>> -> memref<1x50xi32, #tpu.memory_space<vmem>>
            %dma_wait3A_217 = tpu.memref_squeeze %dma_wait3A_216 : memref<1x50xi32, #tpu.memory_space<vmem>> -> memref<50xi32, #tpu.memory_space<vmem>>
            %dma_wait3A_218 = arith.constant 0 : i32
            %dma_wait3A_219 = arith.constant 0 : i32
            %dma_wait3A_220 = tpu.memref_slice %arg15[%dma_wait3A_218, %dma_wait3A_219] : memref<10240x128xf32, #tpu.memory_space<vmem_shared>> -> memref<10240x128xf32, #tpu.memory_space<vmem_shared>>
            tpu.wait_indirect_dma semaphore(%run_scoped3A : memref<!tpu.dma_semaphore, #tpu.memory_space<semaphore_mem>>) src(%arg14 : memref<50x128xf32, #tpu.memory_space<vmem>>) dst(%dma_wait3A_220 : memref<10240x128xf32, #tpu.memory_space<vmem_shared>>)
            tpu.yield
          }) : () -> ()
        }
        %scan3A_79 = arith.constant 10 : i32
      }
      %scan3A_58 = arith.constant 10 : i32
    } else {
    }
    %eq3A_10 = arith.constant 1 : i32
    %eq3A_11 = arith.cmpi eq, %arg0, %eq3A_10 : i32
    %convert_element_type3A_12 = arith.extui %eq3A_11 : i1 to i32
    %cond3A_13 = arith.constant 0 : i32
    %cond3A_14 = arith.cmpi ne, %convert_element_type3A_12, %cond3A_13 : i32
    scf.if %cond3A_14 {
      "tpu.region"() ({
        %run_scoped3A = tpu.sem_alloc : memref<!tpu.dma_semaphore, #tpu.memory_space<semaphore_mem>>
        %dma_start3A_59 = arith.constant 0 : i32
        %dma_start3A_60 = arith.constant 0 : i32
        %dma_start3A_61 = tpu.memref_slice %arg9[%dma_start3A_59, %dma_start3A_60] : memref<80x50xi32, #tpu.memory_space<vmem>> -> memref<40x50xi32, #tpu.memory_space<vmem>>
        %dma_start3A_62 = arith.constant 0 : i32
        %dma_start3A_63 = tpu.memref_slice %arg4[%mul3A_0, %dma_start3A_62] : memref<6400x50xi32, #tpu.memory_space<hbm>> -> memref<40x50xi32, #tpu.memory_space<hbm>>
        %dma_start3A_64 = arith.constant 0 : i32
        %dma_start3A_65 = arith.constant 0 : i32
        %dma_start3A_66 = tpu.memref_slice %arg9[%dma_start3A_64, %dma_start3A_65] : memref<80x50xi32, #tpu.memory_space<vmem>> -> memref<40x50xi32, #tpu.memory_space<vmem>>
        %dma_start3A_67 = arith.constant 0 : i32
        %dma_start3A_68 = tpu.memref_slice %arg4[%mul3A_0, %dma_start3A_67] : memref<6400x50xi32, #tpu.memory_space<hbm>> -> memref<40x50xi32, #tpu.memory_space<hbm>>
        tpu.enqueue_dma source(%dma_start3A_68 : memref<40x50xi32, #tpu.memory_space<hbm>>) target(%dma_start3A_66 : memref<40x50xi32, #tpu.memory_space<vmem>>) target_semaphore(%run_scoped3A : memref<!tpu.dma_semaphore, #tpu.memory_space<semaphore_mem>>)
        %dma_wait3A_69 = arith.constant 0 : i32
        %dma_wait3A_70 = arith.constant 0 : i32
        %dma_wait3A_71 = tpu.memref_slice %arg9[%dma_wait3A_69, %dma_wait3A_70] : memref<80x50xi32, #tpu.memory_space<vmem>> -> memref<40x50xi32, #tpu.memory_space<vmem>>
        %dma_wait3A_72 = arith.constant 0 : i32
        %dma_wait3A_73 = tpu.memref_slice %arg4[%mul3A_0, %dma_wait3A_72] : memref<6400x50xi32, #tpu.memory_space<hbm>> -> memref<40x50xi32, #tpu.memory_space<hbm>>
        %dma_wait3A_74 = arith.constant 0 : i32
        %dma_wait3A_75 = arith.constant 0 : i32
        %dma_wait3A_76 = tpu.memref_slice %arg9[%dma_wait3A_74, %dma_wait3A_75] : memref<80x50xi32, #tpu.memory_space<vmem>> -> memref<40x50xi32, #tpu.memory_space<vmem>>
        %dma_wait3A_77 = arith.constant 0 : i32
        %dma_wait3A_78 = tpu.memref_slice %arg4[%mul3A_0, %dma_wait3A_77] : memref<6400x50xi32, #tpu.memory_space<hbm>> -> memref<40x50xi32, #tpu.memory_space<hbm>>
        tpu.wait_dma2 semaphore(%run_scoped3A : memref<!tpu.dma_semaphore, #tpu.memory_space<semaphore_mem>>) src(%dma_wait3A_78 : memref<40x50xi32, #tpu.memory_space<hbm>>) dst(%dma_wait3A_76 : memref<40x50xi32, #tpu.memory_space<vmem>>)
        tpu.yield
      }) : () -> ()
      "tpu.region"() ({
        %run_scoped3A = tpu.sem_alloc : memref<!tpu.dma_semaphore, #tpu.memory_space<semaphore_mem>>
        %dma_start3A_59 = arith.constant 0 : i32
        %dma_start3A_60 = arith.constant 0 : i32
        %dma_start3A_61 = tpu.memref_slice %arg10[%dma_start3A_59, %dma_start3A_60] : memref<80x50xi32, #tpu.memory_space<vmem>> -> memref<40x50xi32, #tpu.memory_space<vmem>>
        %dma_start3A_62 = arith.constant 0 : i32
        %dma_start3A_63 = tpu.memref_slice %arg5[%mul3A_0, %dma_start3A_62] : memref<6400x50xi32, #tpu.memory_space<hbm>> -> memref<40x50xi32, #tpu.memory_space<hbm>>
        %dma_start3A_64 = arith.constant 0 : i32
        %dma_start3A_65 = arith.constant 0 : i32
        %dma_start3A_66 = tpu.memref_slice %arg10[%dma_start3A_64, %dma_start3A_65] : memref<80x50xi32, #tpu.memory_space<vmem>> -> memref<40x50xi32, #tpu.memory_space<vmem>>
        %dma_start3A_67 = arith.constant 0 : i32
        %dma_start3A_68 = tpu.memref_slice %arg5[%mul3A_0, %dma_start3A_67] : memref<6400x50xi32, #tpu.memory_space<hbm>> -> memref<40x50xi32, #tpu.memory_space<hbm>>
        tpu.enqueue_dma source(%dma_start3A_68 : memref<40x50xi32, #tpu.memory_space<hbm>>) target(%dma_start3A_66 : memref<40x50xi32, #tpu.memory_space<vmem>>) target_semaphore(%run_scoped3A : memref<!tpu.dma_semaphore, #tpu.memory_space<semaphore_mem>>)
        %dma_wait3A_69 = arith.constant 0 : i32
        %dma_wait3A_70 = arith.constant 0 : i32
        %dma_wait3A_71 = tpu.memref_slice %arg10[%dma_wait3A_69, %dma_wait3A_70] : memref<80x50xi32, #tpu.memory_space<vmem>> -> memref<40x50xi32, #tpu.memory_space<vmem>>
        %dma_wait3A_72 = arith.constant 0 : i32
        %dma_wait3A_73 = tpu.memref_slice %arg5[%mul3A_0, %dma_wait3A_72] : memref<6400x50xi32, #tpu.memory_space<hbm>> -> memref<40x50xi32, #tpu.memory_space<hbm>>
        %dma_wait3A_74 = arith.constant 0 : i32
        %dma_wait3A_75 = arith.constant 0 : i32
        %dma_wait3A_76 = tpu.memref_slice %arg10[%dma_wait3A_74, %dma_wait3A_75] : memref<80x50xi32, #tpu.memory_space<vmem>> -> memref<40x50xi32, #tpu.memory_space<vmem>>
        %dma_wait3A_77 = arith.constant 0 : i32
        %dma_wait3A_78 = tpu.memref_slice %arg5[%mul3A_0, %dma_wait3A_77] : memref<6400x50xi32, #tpu.memory_space<hbm>> -> memref<40x50xi32, #tpu.memory_space<hbm>>
        tpu.wait_dma2 semaphore(%run_scoped3A : memref<!tpu.dma_semaphore, #tpu.memory_space<semaphore_mem>>) src(%dma_wait3A_78 : memref<40x50xi32, #tpu.memory_space<hbm>>) dst(%dma_wait3A_76 : memref<40x50xi32, #tpu.memory_space<vmem>>)
        tpu.yield
      }) : () -> ()
      %dma_start3A_25 = arith.constant 0 : i32
      %dma_start3A_26 = arith.constant 0 : i32
      %dma_start3A_27 = tpu.memref_slice %arg9[%dma_start3A_25, %dma_start3A_26] : memref<80x50xi32, #tpu.memory_space<vmem>> -> memref<1x50xi32, #tpu.memory_space<vmem>>
      %dma_start3A_28 = tpu.memref_squeeze %dma_start3A_27 : memref<1x50xi32, #tpu.memory_space<vmem>> -> memref<50xi32, #tpu.memory_space<vmem>>
      %dma_start3A_29 = arith.constant 0 : i32
      %dma_start3A_30 = arith.constant 0 : i32
      %dma_start3A_31 = tpu.memref_slice %arg3[%dma_start3A_29, %dma_start3A_30] : memref<10000x128xf32, #tpu.memory_space<hbm>> -> memref<10000x128xf32, #tpu.memory_space<hbm>>
      tpu.enqueue_indirect_dma source(%dma_start3A_31 : memref<10000x128xf32, #tpu.memory_space<hbm>>) target(%arg11 : memref<50x128xf32, #tpu.memory_space<vmem>>) offsets(%dma_start3A_28 : memref<50xi32, #tpu.memory_space<vmem>>) semaphore(%arg16 : memref<!tpu.dma_semaphore, #tpu.memory_space<semaphore_mem>>)
      %dma_start3A_32 = arith.constant 1 : i32
      %dma_start3A_33 = arith.constant 0 : i32
      %dma_start3A_34 = tpu.memref_slice %arg9[%dma_start3A_32, %dma_start3A_33] : memref<80x50xi32, #tpu.memory_space<vmem>> -> memref<1x50xi32, #tpu.memory_space<vmem>>
      %dma_start3A_35 = tpu.memref_squeeze %dma_start3A_34 : memref<1x50xi32, #tpu.memory_space<vmem>> -> memref<50xi32, #tpu.memory_space<vmem>>
      %dma_start3A_36 = arith.constant 0 : i32
      %dma_start3A_37 = arith.constant 0 : i32
      %dma_start3A_38 = tpu.memref_slice %arg3[%dma_start3A_36, %dma_start3A_37] : memref<10000x128xf32, #tpu.memory_space<hbm>> -> memref<10000x128xf32, #tpu.memory_space<hbm>>
      tpu.enqueue_indirect_dma source(%dma_start3A_38 : memref<10000x128xf32, #tpu.memory_space<hbm>>) target(%arg12 : memref<50x128xf32, #tpu.memory_space<vmem>>) offsets(%dma_start3A_35 : memref<50xi32, #tpu.memory_space<vmem>>) semaphore(%arg17 : memref<!tpu.dma_semaphore, #tpu.memory_space<semaphore_mem>>)
      %dma_start3A_39 = arith.constant 2 : i32
      %dma_start3A_40 = arith.constant 0 : i32
      %dma_start3A_41 = tpu.memref_slice %arg9[%dma_start3A_39, %dma_start3A_40] : memref<80x50xi32, #tpu.memory_space<vmem>> -> memref<1x50xi32, #tpu.memory_space<vmem>>
      %dma_start3A_42 = tpu.memref_squeeze %dma_start3A_41 : memref<1x50xi32, #tpu.memory_space<vmem>> -> memref<50xi32, #tpu.memory_space<vmem>>
      %dma_start3A_43 = arith.constant 0 : i32
      %dma_start3A_44 = arith.constant 0 : i32
      %dma_start3A_45 = tpu.memref_slice %arg3[%dma_start3A_43, %dma_start3A_44] : memref<10000x128xf32, #tpu.memory_space<hbm>> -> memref<10000x128xf32, #tpu.memory_space<hbm>>
      tpu.enqueue_indirect_dma source(%dma_start3A_45 : memref<10000x128xf32, #tpu.memory_space<hbm>>) target(%arg13 : memref<50x128xf32, #tpu.memory_space<vmem>>) offsets(%dma_start3A_42 : memref<50xi32, #tpu.memory_space<vmem>>) semaphore(%arg18 : memref<!tpu.dma_semaphore, #tpu.memory_space<semaphore_mem>>)
      %mul3A_46 = arith.constant 640 : i32
      %mul3A_47 = arith.muli %arg1, %mul3A_46 : i32
      %mul3A_48 = arith.constant 640 : i32
      %mul3A_49 = arith.muli %arg1, %mul3A_48 : i32
      %dma_wait3A = arith.constant 0 : i32
      %dma_wait3A_50 = tpu.memref_slice %arg15[%mul3A_49, %dma_wait3A] : memref<10240x128xf32, #tpu.memory_space<vmem_shared>> -> memref<640x128xf32, #tpu.memory_space<vmem_shared>>
      %dma_wait3A_51 = arith.constant 0 : i32
      %dma_wait3A_52 = tpu.memref_slice %arg6[%mul3A_47, %dma_wait3A_51] : memref<10240x128xf32, #tpu.memory_space<hbm>> -> memref<640x128xf32, #tpu.memory_space<hbm>>
      tpu.wait_dma2 semaphore(%arg22 : memref<!tpu.dma_semaphore, #tpu.memory_space<semaphore_mem>>) src(%dma_wait3A_52 : memref<640x128xf32, #tpu.memory_space<hbm>>) dst(%dma_wait3A_50 : memref<640x128xf32, #tpu.memory_space<vmem_shared>>)
      %barrier3A_53 = arith.constant 0 : index
      tpu.barrier barrier_id(%barrier3A_53)
      %scan3A = arith.constant 0 : i32
      %scan3A_54 = arith.constant 0 : i32
      %scan3A_55 = arith.constant 10 : i32
      %scan3A_56 = arith.addi %scan3A_54, %scan3A_55 : i32
      %scan3A_57 = arith.constant 1 : i32
      scf.for %scan3A_59 = %scan3A_54 to %scan3A_56 step %scan3A_57  : i32 {
        %rem3A = arith.constant 2 : i32
        %rem3A_60 = arith.remsi %scan3A_59, %rem3A : i32
        %mul3A_61 = arith.constant 40 : i32
        %mul3A_62 = arith.muli %rem3A_60, %mul3A_61 : i32
        %add3A = arith.constant 1 : i32
        %add3A_63 = arith.addi %scan3A_59, %add3A : i32
        %rem3A_64 = arith.constant 2 : i32
        %rem3A_65 = arith.remsi %add3A_63, %rem3A_64 : i32
        %mul3A_66 = arith.constant 40 : i32
        %mul3A_67 = arith.muli %rem3A_65, %mul3A_66 : i32
        %add3A_68 = arith.constant 1 : i32
        %add3A_69 = arith.addi %scan3A_59, %add3A_68 : i32
        %lt3A = arith.constant 10 : i32
        %lt3A_70 = arith.cmpi slt, %add3A_69, %lt3A : i32
        %convert_element_type3A_71 = arith.extui %lt3A_70 : i1 to i32
        %cond3A_72 = arith.constant 0 : i32
        %cond3A_73 = arith.cmpi ne, %convert_element_type3A_71, %cond3A_72 : i32
        scf.if %cond3A_73 {
          %add3A_80 = arith.constant 1 : i32
          %add3A_81 = arith.addi %scan3A_59, %add3A_80 : i32
          %mul3A_82 = arith.constant 40 : i32
          %mul3A_83 = arith.muli %add3A_81, %mul3A_82 : i32
          %add3A_84 = arith.addi %mul3A_0, %mul3A_83 : i32
          %dma_start3A_85 = arith.constant 0 : i32
          %dma_start3A_86 = tpu.memref_slice %arg9[%mul3A_67, %dma_start3A_85] : memref<80x50xi32, #tpu.memory_space<vmem>> -> memref<40x50xi32, #tpu.memory_space<vmem>>
          %dma_start3A_87 = arith.constant 0 : i32
          %dma_start3A_88 = tpu.memref_slice %arg4[%add3A_84, %dma_start3A_87] : memref<6400x50xi32, #tpu.memory_space<hbm>> -> memref<40x50xi32, #tpu.memory_space<hbm>>
          %dma_start3A_89 = arith.constant 0 : i32
          %dma_start3A_90 = tpu.memref_slice %arg9[%mul3A_67, %dma_start3A_89] : memref<80x50xi32, #tpu.memory_space<vmem>> -> memref<40x50xi32, #tpu.memory_space<vmem>>
          %dma_start3A_91 = arith.constant 0 : i32
          %dma_start3A_92 = tpu.memref_slice %arg4[%add3A_84, %dma_start3A_91] : memref<6400x50xi32, #tpu.memory_space<hbm>> -> memref<40x50xi32, #tpu.memory_space<hbm>>
          tpu.enqueue_dma source(%dma_start3A_92 : memref<40x50xi32, #tpu.memory_space<hbm>>) target(%dma_start3A_90 : memref<40x50xi32, #tpu.memory_space<vmem>>) target_semaphore(%arg20 : memref<!tpu.dma_semaphore, #tpu.memory_space<semaphore_mem>>)
          %add3A_93 = arith.constant 1 : i32
          %add3A_94 = arith.addi %scan3A_59, %add3A_93 : i32
          %mul3A_95 = arith.constant 40 : i32
          %mul3A_96 = arith.muli %add3A_94, %mul3A_95 : i32
          %add3A_97 = arith.addi %mul3A_0, %mul3A_96 : i32
          %dma_start3A_98 = arith.constant 0 : i32
          %dma_start3A_99 = tpu.memref_slice %arg10[%mul3A_67, %dma_start3A_98] : memref<80x50xi32, #tpu.memory_space<vmem>> -> memref<40x50xi32, #tpu.memory_space<vmem>>
          %dma_start3A_100 = arith.constant 0 : i32
          %dma_start3A_101 = tpu.memref_slice %arg5[%add3A_97, %dma_start3A_100] : memref<6400x50xi32, #tpu.memory_space<hbm>> -> memref<40x50xi32, #tpu.memory_space<hbm>>
          %dma_start3A_102 = arith.constant 0 : i32
          %dma_start3A_103 = tpu.memref_slice %arg10[%mul3A_67, %dma_start3A_102] : memref<80x50xi32, #tpu.memory_space<vmem>> -> memref<40x50xi32, #tpu.memory_space<vmem>>
          %dma_start3A_104 = arith.constant 0 : i32
          %dma_start3A_105 = tpu.memref_slice %arg5[%add3A_97, %dma_start3A_104] : memref<6400x50xi32, #tpu.memory_space<hbm>> -> memref<40x50xi32, #tpu.memory_space<hbm>>
          tpu.enqueue_dma source(%dma_start3A_105 : memref<40x50xi32, #tpu.memory_space<hbm>>) target(%dma_start3A_103 : memref<40x50xi32, #tpu.memory_space<vmem>>) target_semaphore(%arg21 : memref<!tpu.dma_semaphore, #tpu.memory_space<semaphore_mem>>)
        } else {
        }
        %scan3A_74 = arith.constant 0 : i32
        %scan3A_75 = arith.constant 0 : i32
        %scan3A_76 = arith.constant 10 : i32
        %scan3A_77 = arith.addi %scan3A_75, %scan3A_76 : i32
        %scan3A_78 = arith.constant 1 : i32
        scf.for %scan3A_80 = %scan3A_75 to %scan3A_77 step %scan3A_78  : i32 {
          %mul3A_81 = arith.constant 4 : i32
          %mul3A_82 = arith.muli %mul3A_81, %scan3A_80 : i32
          %eq3A_83 = arith.constant 9 : i32
          %eq3A_84 = arith.cmpi eq, %scan3A_80, %eq3A_83 : i32
          %add3A_85 = arith.addi %mul3A_62, %mul3A_82 : i32
          %add3A_86 = arith.constant 0 : i32
          %add3A_87 = arith.addi %add3A_85, %add3A_86 : i32
          %dma_wait3A_88 = arith.constant 0 : i32
          %dma_wait3A_89 = tpu.memref_slice %arg9[%add3A_87, %dma_wait3A_88] : memref<80x50xi32, #tpu.memory_space<vmem>> -> memref<1x50xi32, #tpu.memory_space<vmem>>
          %dma_wait3A_90 = tpu.memref_squeeze %dma_wait3A_89 : memref<1x50xi32, #tpu.memory_space<vmem>> -> memref<50xi32, #tpu.memory_space<vmem>>
          %dma_wait3A_91 = arith.constant 0 : i32
          %dma_wait3A_92 = arith.constant 0 : i32
          %dma_wait3A_93 = tpu.memref_slice %arg3[%dma_wait3A_91, %dma_wait3A_92] : memref<10000x128xf32, #tpu.memory_space<hbm>> -> memref<10000x128xf32, #tpu.memory_space<hbm>>
          tpu.wait_indirect_dma semaphore(%arg16 : memref<!tpu.dma_semaphore, #tpu.memory_space<semaphore_mem>>) src(%dma_wait3A_93 : memref<10000x128xf32, #tpu.memory_space<hbm>>) dst(%arg11 : memref<50x128xf32, #tpu.memory_space<vmem>>)
          %add3A_94 = arith.constant 0 : i32
          %add3A_95 = arith.addi %mul3A_82, %add3A_94 : i32
          %add3A_96 = arith.constant 3 : i32
          %add3A_97 = arith.addi %add3A_95, %add3A_96 : i32
          %lt3A_98 = arith.constant 40 : i32
          %lt3A_99 = arith.cmpi slt, %add3A_97, %lt3A_98 : i32
          %add3A_100 = arith.addi %mul3A_62, %add3A_97 : i32
          %add3A_101 = arith.addi %mul3A_67, %add3A_97 : i32
          %sub3A = arith.constant 40 : i32
          %sub3A_102 = arith.subi %add3A_101, %sub3A : i32
          %select_n3A = arith.select %lt3A_99, %add3A_100, %sub3A_102 : i32
          %lt3A_103 = arith.constant 40 : i32
          %lt3A_104 = arith.cmpi slt, %add3A_97, %lt3A_103 : i32
          %add3A_105 = arith.constant 1 : i32
          %add3A_106 = arith.addi %scan3A_59, %add3A_105 : i32
          %lt3A_107 = arith.constant 10 : i32
          %lt3A_108 = arith.cmpi slt, %add3A_106, %lt3A_107 : i32
          %or3A = arith.ori %lt3A_104, %lt3A_108 : i1
          %convert_element_type3A_109 = arith.extui %or3A : i1 to i32
          %cond3A_110 = arith.constant 0 : i32
          %cond3A_111 = arith.cmpi ne, %convert_element_type3A_109, %cond3A_110 : i32
          scf.if %cond3A_111 {
            %dma_start3A_209 = arith.constant 0 : i32
            %dma_start3A_210 = tpu.memref_slice %arg9[%select_n3A, %dma_start3A_209] : memref<80x50xi32, #tpu.memory_space<vmem>> -> memref<1x50xi32, #tpu.memory_space<vmem>>
            %dma_start3A_211 = tpu.memref_squeeze %dma_start3A_210 : memref<1x50xi32, #tpu.memory_space<vmem>> -> memref<50xi32, #tpu.memory_space<vmem>>
            %dma_start3A_212 = arith.constant 0 : i32
            %dma_start3A_213 = arith.constant 0 : i32
            %dma_start3A_214 = tpu.memref_slice %arg3[%dma_start3A_212, %dma_start3A_213] : memref<10000x128xf32, #tpu.memory_space<hbm>> -> memref<10000x128xf32, #tpu.memory_space<hbm>>
            tpu.enqueue_indirect_dma source(%dma_start3A_214 : memref<10000x128xf32, #tpu.memory_space<hbm>>) target(%arg14 : memref<50x128xf32, #tpu.memory_space<vmem>>) offsets(%dma_start3A_211 : memref<50xi32, #tpu.memory_space<vmem>>) semaphore(%arg19 : memref<!tpu.dma_semaphore, #tpu.memory_space<semaphore_mem>>)
          } else {
          }
          "tpu.region"() ({
            %run_scoped3A = tpu.sem_alloc : memref<!tpu.dma_semaphore, #tpu.memory_space<semaphore_mem>>
            %dma_start3A_209 = arith.constant 0 : i32
            %dma_start3A_210 = tpu.memref_slice %arg10[%add3A_87, %dma_start3A_209] : memref<80x50xi32, #tpu.memory_space<vmem>> -> memref<1x50xi32, #tpu.memory_space<vmem>>
            %dma_start3A_211 = tpu.memref_squeeze %dma_start3A_210 : memref<1x50xi32, #tpu.memory_space<vmem>> -> memref<50xi32, #tpu.memory_space<vmem>>
            %dma_start3A_212 = arith.constant 0 : i32
            %dma_start3A_213 = arith.constant 0 : i32
            %dma_start3A_214 = tpu.memref_slice %arg15[%dma_start3A_212, %dma_start3A_213] : memref<10240x128xf32, #tpu.memory_space<vmem_shared>> -> memref<10240x128xf32, #tpu.memory_space<vmem_shared>>
            tpu.enqueue_indirect_dma source(%arg11 : memref<50x128xf32, #tpu.memory_space<vmem>>) target(%dma_start3A_214 : memref<10240x128xf32, #tpu.memory_space<vmem_shared>>) offsets(%dma_start3A_211 : memref<50xi32, #tpu.memory_space<vmem>>) semaphore(%run_scoped3A : memref<!tpu.dma_semaphore, #tpu.memory_space<semaphore_mem>>) {add = true}
            %dma_wait3A_215 = arith.constant 0 : i32
            %dma_wait3A_216 = tpu.memref_slice %arg10[%add3A_87, %dma_wait3A_215] : memref<80x50xi32, #tpu.memory_space<vmem>> -> memref<1x50xi32, #tpu.memory_space<vmem>>
            %dma_wait3A_217 = tpu.memref_squeeze %dma_wait3A_216 : memref<1x50xi32, #tpu.memory_space<vmem>> -> memref<50xi32, #tpu.memory_space<vmem>>
            %dma_wait3A_218 = arith.constant 0 : i32
            %dma_wait3A_219 = arith.constant 0 : i32
            %dma_wait3A_220 = tpu.memref_slice %arg15[%dma_wait3A_218, %dma_wait3A_219] : memref<10240x128xf32, #tpu.memory_space<vmem_shared>> -> memref<10240x128xf32, #tpu.memory_space<vmem_shared>>
            tpu.wait_indirect_dma semaphore(%run_scoped3A : memref<!tpu.dma_semaphore, #tpu.memory_space<semaphore_mem>>) src(%arg11 : memref<50x128xf32, #tpu.memory_space<vmem>>) dst(%dma_wait3A_220 : memref<10240x128xf32, #tpu.memory_space<vmem_shared>>)
            tpu.yield
          }) : () -> ()
          %add3A_112 = arith.constant 1 : i32
          %add3A_113 = arith.addi %scan3A_59, %add3A_112 : i32
          %lt3A_114 = arith.constant 10 : i32
          %lt3A_115 = arith.cmpi slt, %add3A_113, %lt3A_114 : i32
          %and3A = arith.andi %eq3A_84, %lt3A_115 : i1
          %convert_element_type3A_116 = arith.extui %and3A : i1 to i32
          %cond3A_117 = arith.constant 0 : i32
          %cond3A_118 = arith.cmpi ne, %convert_element_type3A_116, %cond3A_117 : i32
          scf.if %cond3A_118 {
            %dma_wait3A_209 = arith.constant 0 : i32
            %dma_wait3A_210 = tpu.memref_slice %arg9[%mul3A_67, %dma_wait3A_209] : memref<80x50xi32, #tpu.memory_space<vmem>> -> memref<40x50xi32, #tpu.memory_space<vmem>>
            %dma_wait3A_211 = arith.constant 0 : i32
            %dma_wait3A_212 = tpu.memref_slice %arg4[%mul3A_0, %dma_wait3A_211] : memref<6400x50xi32, #tpu.memory_space<hbm>> -> memref<40x50xi32, #tpu.memory_space<hbm>>
            %dma_wait3A_213 = arith.constant 0 : i32
            %dma_wait3A_214 = tpu.memref_slice %arg9[%mul3A_67, %dma_wait3A_213] : memref<80x50xi32, #tpu.memory_space<vmem>> -> memref<40x50xi32, #tpu.memory_space<vmem>>
            %dma_wait3A_215 = arith.constant 0 : i32
            %dma_wait3A_216 = tpu.memref_slice %arg4[%mul3A_0, %dma_wait3A_215] : memref<6400x50xi32, #tpu.memory_space<hbm>> -> memref<40x50xi32, #tpu.memory_space<hbm>>
            tpu.wait_dma2 semaphore(%arg20 : memref<!tpu.dma_semaphore, #tpu.memory_space<semaphore_mem>>) src(%dma_wait3A_216 : memref<40x50xi32, #tpu.memory_space<hbm>>) dst(%dma_wait3A_214 : memref<40x50xi32, #tpu.memory_space<vmem>>)
            %dma_wait3A_217 = arith.constant 0 : i32
            %dma_wait3A_218 = tpu.memref_slice %arg10[%mul3A_67, %dma_wait3A_217] : memref<80x50xi32, #tpu.memory_space<vmem>> -> memref<40x50xi32, #tpu.memory_space<vmem>>
            %dma_wait3A_219 = arith.constant 0 : i32
            %dma_wait3A_220 = tpu.memref_slice %arg5[%mul3A_0, %dma_wait3A_219] : memref<6400x50xi32, #tpu.memory_space<hbm>> -> memref<40x50xi32, #tpu.memory_space<hbm>>
            %dma_wait3A_221 = arith.constant 0 : i32
            %dma_wait3A_222 = tpu.memref_slice %arg10[%mul3A_67, %dma_wait3A_221] : memref<80x50xi32, #tpu.memory_space<vmem>> -> memref<40x50xi32, #tpu.memory_space<vmem>>
            %dma_wait3A_223 = arith.constant 0 : i32
            %dma_wait3A_224 = tpu.memref_slice %arg5[%mul3A_0, %dma_wait3A_223] : memref<6400x50xi32, #tpu.memory_space<hbm>> -> memref<40x50xi32, #tpu.memory_space<hbm>>
            tpu.wait_dma2 semaphore(%arg21 : memref<!tpu.dma_semaphore, #tpu.memory_space<semaphore_mem>>) src(%dma_wait3A_224 : memref<40x50xi32, #tpu.memory_space<hbm>>) dst(%dma_wait3A_222 : memref<40x50xi32, #tpu.memory_space<vmem>>)
          } else {
          }
          %add3A_119 = arith.addi %mul3A_62, %mul3A_82 : i32
          %add3A_120 = arith.constant 1 : i32
          %add3A_121 = arith.addi %add3A_119, %add3A_120 : i32
          %dma_wait3A_122 = arith.constant 0 : i32
          %dma_wait3A_123 = tpu.memref_slice %arg9[%add3A_121, %dma_wait3A_122] : memref<80x50xi32, #tpu.memory_space<vmem>> -> memref<1x50xi32, #tpu.memory_space<vmem>>
          %dma_wait3A_124 = tpu.memref_squeeze %dma_wait3A_123 : memref<1x50xi32, #tpu.memory_space<vmem>> -> memref<50xi32, #tpu.memory_space<vmem>>
          %dma_wait3A_125 = arith.constant 0 : i32
          %dma_wait3A_126 = arith.constant 0 : i32
          %dma_wait3A_127 = tpu.memref_slice %arg3[%dma_wait3A_125, %dma_wait3A_126] : memref<10000x128xf32, #tpu.memory_space<hbm>> -> memref<10000x128xf32, #tpu.memory_space<hbm>>
          tpu.wait_indirect_dma semaphore(%arg17 : memref<!tpu.dma_semaphore, #tpu.memory_space<semaphore_mem>>) src(%dma_wait3A_127 : memref<10000x128xf32, #tpu.memory_space<hbm>>) dst(%arg12 : memref<50x128xf32, #tpu.memory_space<vmem>>)
          %add3A_128 = arith.constant 1 : i32
          %add3A_129 = arith.addi %mul3A_82, %add3A_128 : i32
          %add3A_130 = arith.constant 3 : i32
          %add3A_131 = arith.addi %add3A_129, %add3A_130 : i32
          %lt3A_132 = arith.constant 40 : i32
          %lt3A_133 = arith.cmpi slt, %add3A_131, %lt3A_132 : i32
          %add3A_134 = arith.addi %mul3A_62, %add3A_131 : i32
          %add3A_135 = arith.addi %mul3A_67, %add3A_131 : i32
          %sub3A_136 = arith.constant 40 : i32
          %sub3A_137 = arith.subi %add3A_135, %sub3A_136 : i32
          %select_n3A_138 = arith.select %lt3A_133, %add3A_134, %sub3A_137 : i32
          %lt3A_139 = arith.constant 40 : i32
          %lt3A_140 = arith.cmpi slt, %add3A_131, %lt3A_139 : i32
          %add3A_141 = arith.constant 1 : i32
          %add3A_142 = arith.addi %scan3A_59, %add3A_141 : i32
          %lt3A_143 = arith.constant 10 : i32
          %lt3A_144 = arith.cmpi slt, %add3A_142, %lt3A_143 : i32
          %or3A_145 = arith.ori %lt3A_140, %lt3A_144 : i1
          %convert_element_type3A_146 = arith.extui %or3A_145 : i1 to i32
          %cond3A_147 = arith.constant 0 : i32
          %cond3A_148 = arith.cmpi ne, %convert_element_type3A_146, %cond3A_147 : i32
          scf.if %cond3A_148 {
            %dma_start3A_209 = arith.constant 0 : i32
            %dma_start3A_210 = tpu.memref_slice %arg9[%select_n3A_138, %dma_start3A_209] : memref<80x50xi32, #tpu.memory_space<vmem>> -> memref<1x50xi32, #tpu.memory_space<vmem>>
            %dma_start3A_211 = tpu.memref_squeeze %dma_start3A_210 : memref<1x50xi32, #tpu.memory_space<vmem>> -> memref<50xi32, #tpu.memory_space<vmem>>
            %dma_start3A_212 = arith.constant 0 : i32
            %dma_start3A_213 = arith.constant 0 : i32
            %dma_start3A_214 = tpu.memref_slice %arg3[%dma_start3A_212, %dma_start3A_213] : memref<10000x128xf32, #tpu.memory_space<hbm>> -> memref<10000x128xf32, #tpu.memory_space<hbm>>
            tpu.enqueue_indirect_dma source(%dma_start3A_214 : memref<10000x128xf32, #tpu.memory_space<hbm>>) target(%arg11 : memref<50x128xf32, #tpu.memory_space<vmem>>) offsets(%dma_start3A_211 : memref<50xi32, #tpu.memory_space<vmem>>) semaphore(%arg16 : memref<!tpu.dma_semaphore, #tpu.memory_space<semaphore_mem>>)
          } else {
          }
          "tpu.region"() ({
            %run_scoped3A = tpu.sem_alloc : memref<!tpu.dma_semaphore, #tpu.memory_space<semaphore_mem>>
            %dma_start3A_209 = arith.constant 0 : i32
            %dma_start3A_210 = tpu.memref_slice %arg10[%add3A_121, %dma_start3A_209] : memref<80x50xi32, #tpu.memory_space<vmem>> -> memref<1x50xi32, #tpu.memory_space<vmem>>
            %dma_start3A_211 = tpu.memref_squeeze %dma_start3A_210 : memref<1x50xi32, #tpu.memory_space<vmem>> -> memref<50xi32, #tpu.memory_space<vmem>>
            %dma_start3A_212 = arith.constant 0 : i32
            %dma_start3A_213 = arith.constant 0 : i32
            %dma_start3A_214 = tpu.memref_slice %arg15[%dma_start3A_212, %dma_start3A_213] : memref<10240x128xf32, #tpu.memory_space<vmem_shared>> -> memref<10240x128xf32, #tpu.memory_space<vmem_shared>>
            tpu.enqueue_indirect_dma source(%arg12 : memref<50x128xf32, #tpu.memory_space<vmem>>) target(%dma_start3A_214 : memref<10240x128xf32, #tpu.memory_space<vmem_shared>>) offsets(%dma_start3A_211 : memref<50xi32, #tpu.memory_space<vmem>>) semaphore(%run_scoped3A : memref<!tpu.dma_semaphore, #tpu.memory_space<semaphore_mem>>) {add = true}
            %dma_wait3A_215 = arith.constant 0 : i32
            %dma_wait3A_216 = tpu.memref_slice %arg10[%add3A_121, %dma_wait3A_215] : memref<80x50xi32, #tpu.memory_space<vmem>> -> memref<1x50xi32, #tpu.memory_space<vmem>>
            %dma_wait3A_217 = tpu.memref_squeeze %dma_wait3A_216 : memref<1x50xi32, #tpu.memory_space<vmem>> -> memref<50xi32, #tpu.memory_space<vmem>>
            %dma_wait3A_218 = arith.constant 0 : i32
            %dma_wait3A_219 = arith.constant 0 : i32
            %dma_wait3A_220 = tpu.memref_slice %arg15[%dma_wait3A_218, %dma_wait3A_219] : memref<10240x128xf32, #tpu.memory_space<vmem_shared>> -> memref<10240x128xf32, #tpu.memory_space<vmem_shared>>
            tpu.wait_indirect_dma semaphore(%run_scoped3A : memref<!tpu.dma_semaphore, #tpu.memory_space<semaphore_mem>>) src(%arg12 : memref<50x128xf32, #tpu.memory_space<vmem>>) dst(%dma_wait3A_220 : memref<10240x128xf32, #tpu.memory_space<vmem_shared>>)
            tpu.yield
          }) : () -> ()
          %add3A_149 = arith.addi %mul3A_62, %mul3A_82 : i32
          %add3A_150 = arith.constant 2 : i32
          %add3A_151 = arith.addi %add3A_149, %add3A_150 : i32
          %dma_wait3A_152 = arith.constant 0 : i32
          %dma_wait3A_153 = tpu.memref_slice %arg9[%add3A_151, %dma_wait3A_152] : memref<80x50xi32, #tpu.memory_space<vmem>> -> memref<1x50xi32, #tpu.memory_space<vmem>>
          %dma_wait3A_154 = tpu.memref_squeeze %dma_wait3A_153 : memref<1x50xi32, #tpu.memory_space<vmem>> -> memref<50xi32, #tpu.memory_space<vmem>>
          %dma_wait3A_155 = arith.constant 0 : i32
          %dma_wait3A_156 = arith.constant 0 : i32
          %dma_wait3A_157 = tpu.memref_slice %arg3[%dma_wait3A_155, %dma_wait3A_156] : memref<10000x128xf32, #tpu.memory_space<hbm>> -> memref<10000x128xf32, #tpu.memory_space<hbm>>
          tpu.wait_indirect_dma semaphore(%arg18 : memref<!tpu.dma_semaphore, #tpu.memory_space<semaphore_mem>>) src(%dma_wait3A_157 : memref<10000x128xf32, #tpu.memory_space<hbm>>) dst(%arg13 : memref<50x128xf32, #tpu.memory_space<vmem>>)
          %add3A_158 = arith.constant 2 : i32
          %add3A_159 = arith.addi %mul3A_82, %add3A_158 : i32
          %add3A_160 = arith.constant 3 : i32
          %add3A_161 = arith.addi %add3A_159, %add3A_160 : i32
          %lt3A_162 = arith.constant 40 : i32
          %lt3A_163 = arith.cmpi slt, %add3A_161, %lt3A_162 : i32
          %add3A_164 = arith.addi %mul3A_62, %add3A_161 : i32
          %add3A_165 = arith.addi %mul3A_67, %add3A_161 : i32
          %sub3A_166 = arith.constant 40 : i32
          %sub3A_167 = arith.subi %add3A_165, %sub3A_166 : i32
          %select_n3A_168 = arith.select %lt3A_163, %add3A_164, %sub3A_167 : i32
          %lt3A_169 = arith.constant 40 : i32
          %lt3A_170 = arith.cmpi slt, %add3A_161, %lt3A_169 : i32
          %add3A_171 = arith.constant 1 : i32
          %add3A_172 = arith.addi %scan3A_59, %add3A_171 : i32
          %lt3A_173 = arith.constant 10 : i32
          %lt3A_174 = arith.cmpi slt, %add3A_172, %lt3A_173 : i32
          %or3A_175 = arith.ori %lt3A_170, %lt3A_174 : i1
          %convert_element_type3A_176 = arith.extui %or3A_175 : i1 to i32
          %cond3A_177 = arith.constant 0 : i32
          %cond3A_178 = arith.cmpi ne, %convert_element_type3A_176, %cond3A_177 : i32
          scf.if %cond3A_178 {
            %dma_start3A_209 = arith.constant 0 : i32
            %dma_start3A_210 = tpu.memref_slice %arg9[%select_n3A_168, %dma_start3A_209] : memref<80x50xi32, #tpu.memory_space<vmem>> -> memref<1x50xi32, #tpu.memory_space<vmem>>
            %dma_start3A_211 = tpu.memref_squeeze %dma_start3A_210 : memref<1x50xi32, #tpu.memory_space<vmem>> -> memref<50xi32, #tpu.memory_space<vmem>>
            %dma_start3A_212 = arith.constant 0 : i32
            %dma_start3A_213 = arith.constant 0 : i32
            %dma_start3A_214 = tpu.memref_slice %arg3[%dma_start3A_212, %dma_start3A_213] : memref<10000x128xf32, #tpu.memory_space<hbm>> -> memref<10000x128xf32, #tpu.memory_space<hbm>>
            tpu.enqueue_indirect_dma source(%dma_start3A_214 : memref<10000x128xf32, #tpu.memory_space<hbm>>) target(%arg12 : memref<50x128xf32, #tpu.memory_space<vmem>>) offsets(%dma_start3A_211 : memref<50xi32, #tpu.memory_space<vmem>>) semaphore(%arg17 : memref<!tpu.dma_semaphore, #tpu.memory_space<semaphore_mem>>)
          } else {
          }
          "tpu.region"() ({
            %run_scoped3A = tpu.sem_alloc : memref<!tpu.dma_semaphore, #tpu.memory_space<semaphore_mem>>
            %dma_start3A_209 = arith.constant 0 : i32
            %dma_start3A_210 = tpu.memref_slice %arg10[%add3A_151, %dma_start3A_209] : memref<80x50xi32, #tpu.memory_space<vmem>> -> memref<1x50xi32, #tpu.memory_space<vmem>>
            %dma_start3A_211 = tpu.memref_squeeze %dma_start3A_210 : memref<1x50xi32, #tpu.memory_space<vmem>> -> memref<50xi32, #tpu.memory_space<vmem>>
            %dma_start3A_212 = arith.constant 0 : i32
            %dma_start3A_213 = arith.constant 0 : i32
            %dma_start3A_214 = tpu.memref_slice %arg15[%dma_start3A_212, %dma_start3A_213] : memref<10240x128xf32, #tpu.memory_space<vmem_shared>> -> memref<10240x128xf32, #tpu.memory_space<vmem_shared>>
            tpu.enqueue_indirect_dma source(%arg13 : memref<50x128xf32, #tpu.memory_space<vmem>>) target(%dma_start3A_214 : memref<10240x128xf32, #tpu.memory_space<vmem_shared>>) offsets(%dma_start3A_211 : memref<50xi32, #tpu.memory_space<vmem>>) semaphore(%run_scoped3A : memref<!tpu.dma_semaphore, #tpu.memory_space<semaphore_mem>>) {add = true}
            %dma_wait3A_215 = arith.constant 0 : i32
            %dma_wait3A_216 = tpu.memref_slice %arg10[%add3A_151, %dma_wait3A_215] : memref<80x50xi32, #tpu.memory_space<vmem>> -> memref<1x50xi32, #tpu.memory_space<vmem>>
            %dma_wait3A_217 = tpu.memref_squeeze %dma_wait3A_216 : memref<1x50xi32, #tpu.memory_space<vmem>> -> memref<50xi32, #tpu.memory_space<vmem>>
            %dma_wait3A_218 = arith.constant 0 : i32
            %dma_wait3A_219 = arith.constant 0 : i32
            %dma_wait3A_220 = tpu.memref_slice %arg15[%dma_wait3A_218, %dma_wait3A_219] : memref<10240x128xf32, #tpu.memory_space<vmem_shared>> -> memref<10240x128xf32, #tpu.memory_space<vmem_shared>>
            tpu.wait_indirect_dma semaphore(%run_scoped3A : memref<!tpu.dma_semaphore, #tpu.memory_space<semaphore_mem>>) src(%arg13 : memref<50x128xf32, #tpu.memory_space<vmem>>) dst(%dma_wait3A_220 : memref<10240x128xf32, #tpu.memory_space<vmem_shared>>)
            tpu.yield
          }) : () -> ()
          %add3A_179 = arith.addi %mul3A_62, %mul3A_82 : i32
          %add3A_180 = arith.constant 3 : i32
          %add3A_181 = arith.addi %add3A_179, %add3A_180 : i32
          %dma_wait3A_182 = arith.constant 0 : i32
          %dma_wait3A_183 = tpu.memref_slice %arg9[%add3A_181, %dma_wait3A_182] : memref<80x50xi32, #tpu.memory_space<vmem>> -> memref<1x50xi32, #tpu.memory_space<vmem>>
          %dma_wait3A_184 = tpu.memref_squeeze %dma_wait3A_183 : memref<1x50xi32, #tpu.memory_space<vmem>> -> memref<50xi32, #tpu.memory_space<vmem>>
          %dma_wait3A_185 = arith.constant 0 : i32
          %dma_wait3A_186 = arith.constant 0 : i32
          %dma_wait3A_187 = tpu.memref_slice %arg3[%dma_wait3A_185, %dma_wait3A_186] : memref<10000x128xf32, #tpu.memory_space<hbm>> -> memref<10000x128xf32, #tpu.memory_space<hbm>>
          tpu.wait_indirect_dma semaphore(%arg19 : memref<!tpu.dma_semaphore, #tpu.memory_space<semaphore_mem>>) src(%dma_wait3A_187 : memref<10000x128xf32, #tpu.memory_space<hbm>>) dst(%arg14 : memref<50x128xf32, #tpu.memory_space<vmem>>)
          %add3A_188 = arith.constant 3 : i32
          %add3A_189 = arith.addi %mul3A_82, %add3A_188 : i32
          %add3A_190 = arith.constant 3 : i32
          %add3A_191 = arith.addi %add3A_189, %add3A_190 : i32
          %lt3A_192 = arith.constant 40 : i32
          %lt3A_193 = arith.cmpi slt, %add3A_191, %lt3A_192 : i32
          %add3A_194 = arith.addi %mul3A_62, %add3A_191 : i32
          %add3A_195 = arith.addi %mul3A_67, %add3A_191 : i32
          %sub3A_196 = arith.constant 40 : i32
          %sub3A_197 = arith.subi %add3A_195, %sub3A_196 : i32
          %select_n3A_198 = arith.select %lt3A_193, %add3A_194, %sub3A_197 : i32
          %lt3A_199 = arith.constant 40 : i32
          %lt3A_200 = arith.cmpi slt, %add3A_191, %lt3A_199 : i32
          %add3A_201 = arith.constant 1 : i32
          %add3A_202 = arith.addi %scan3A_59, %add3A_201 : i32
          %lt3A_203 = arith.constant 10 : i32
          %lt3A_204 = arith.cmpi slt, %add3A_202, %lt3A_203 : i32
          %or3A_205 = arith.ori %lt3A_200, %lt3A_204 : i1
          %convert_element_type3A_206 = arith.extui %or3A_205 : i1 to i32
          %cond3A_207 = arith.constant 0 : i32
          %cond3A_208 = arith.cmpi ne, %convert_element_type3A_206, %cond3A_207 : i32
          scf.if %cond3A_208 {
            %dma_start3A_209 = arith.constant 0 : i32
            %dma_start3A_210 = tpu.memref_slice %arg9[%select_n3A_198, %dma_start3A_209] : memref<80x50xi32, #tpu.memory_space<vmem>> -> memref<1x50xi32, #tpu.memory_space<vmem>>
            %dma_start3A_211 = tpu.memref_squeeze %dma_start3A_210 : memref<1x50xi32, #tpu.memory_space<vmem>> -> memref<50xi32, #tpu.memory_space<vmem>>
            %dma_start3A_212 = arith.constant 0 : i32
            %dma_start3A_213 = arith.constant 0 : i32
            %dma_start3A_214 = tpu.memref_slice %arg3[%dma_start3A_212, %dma_start3A_213] : memref<10000x128xf32, #tpu.memory_space<hbm>> -> memref<10000x128xf32, #tpu.memory_space<hbm>>
            tpu.enqueue_indirect_dma source(%dma_start3A_214 : memref<10000x128xf32, #tpu.memory_space<hbm>>) target(%arg13 : memref<50x128xf32, #tpu.memory_space<vmem>>) offsets(%dma_start3A_211 : memref<50xi32, #tpu.memory_space<vmem>>) semaphore(%arg18 : memref<!tpu.dma_semaphore, #tpu.memory_space<semaphore_mem>>)
          } else {
          }
          "tpu.region"() ({
            %run_scoped3A = tpu.sem_alloc : memref<!tpu.dma_semaphore, #tpu.memory_space<semaphore_mem>>
            %dma_start3A_209 = arith.constant 0 : i32
            %dma_start3A_210 = tpu.memref_slice %arg10[%add3A_181, %dma_start3A_209] : memref<80x50xi32, #tpu.memory_space<vmem>> -> memref<1x50xi32, #tpu.memory_space<vmem>>
            %dma_start3A_211 = tpu.memref_squeeze %dma_start3A_210 : memref<1x50xi32, #tpu.memory_space<vmem>> -> memref<50xi32, #tpu.memory_space<vmem>>
            %dma_start3A_212 = arith.constant 0 : i32
            %dma_start3A_213 = arith.constant 0 : i32
            %dma_start3A_214 = tpu.memref_slice %arg15[%dma_start3A_212, %dma_start3A_213] : memref<10240x128xf32, #tpu.memory_space<vmem_shared>> -> memref<10240x128xf32, #tpu.memory_space<vmem_shared>>
            tpu.enqueue_indirect_dma source(%arg14 : memref<50x128xf32, #tpu.memory_space<vmem>>) target(%dma_start3A_214 : memref<10240x128xf32, #tpu.memory_space<vmem_shared>>) offsets(%dma_start3A_211 : memref<50xi32, #tpu.memory_space<vmem>>) semaphore(%run_scoped3A : memref<!tpu.dma_semaphore, #tpu.memory_space<semaphore_mem>>) {add = true}
            %dma_wait3A_215 = arith.constant 0 : i32
            %dma_wait3A_216 = tpu.memref_slice %arg10[%add3A_181, %dma_wait3A_215] : memref<80x50xi32, #tpu.memory_space<vmem>> -> memref<1x50xi32, #tpu.memory_space<vmem>>
            %dma_wait3A_217 = tpu.memref_squeeze %dma_wait3A_216 : memref<1x50xi32, #tpu.memory_space<vmem>> -> memref<50xi32, #tpu.memory_space<vmem>>
            %dma_wait3A_218 = arith.constant 0 : i32
            %dma_wait3A_219 = arith.constant 0 : i32
            %dma_wait3A_220 = tpu.memref_slice %arg15[%dma_wait3A_218, %dma_wait3A_219] : memref<10240x128xf32, #tpu.memory_space<vmem_shared>> -> memref<10240x128xf32, #tpu.memory_space<vmem_shared>>
            tpu.wait_indirect_dma semaphore(%run_scoped3A : memref<!tpu.dma_semaphore, #tpu.memory_space<semaphore_mem>>) src(%arg14 : memref<50x128xf32, #tpu.memory_space<vmem>>) dst(%dma_wait3A_220 : memref<10240x128xf32, #tpu.memory_space<vmem_shared>>)
            tpu.yield
          }) : () -> ()
        }
        %scan3A_79 = arith.constant 10 : i32
      }
      %scan3A_58 = arith.constant 10 : i32
    } else {
    }
    %barrier3A = arith.constant 0 : index
    tpu.barrier barrier_id(%barrier3A)
    %eq3A_15 = arith.constant 0 : i32
    %eq3A_16 = arith.cmpi eq, %arg0, %eq3A_15 : i32
    %convert_element_type3A_17 = arith.extui %eq3A_16 : i1 to i32
    %cond3A_18 = arith.constant 0 : i32
    %cond3A_19 = arith.cmpi ne, %convert_element_type3A_17, %cond3A_18 : i32
    scf.if %cond3A_19 {
      %mul3A_25 = arith.constant 640 : i32
      %mul3A_26 = arith.muli %arg1, %mul3A_25 : i32
      %mul3A_27 = arith.constant 640 : i32
      %mul3A_28 = arith.muli %arg1, %mul3A_27 : i32
      "tpu.region"() ({
        %run_scoped3A = tpu.sem_alloc : memref<!tpu.dma_semaphore, #tpu.memory_space<semaphore_mem>>
        %dma_start3A_29 = arith.constant 0 : i32
        %dma_start3A_30 = tpu.memref_slice %arg7[%mul3A_28, %dma_start3A_29] : memref<10240x128xf32, #tpu.memory_space<hbm>> -> memref<640x128xf32, #tpu.memory_space<hbm>>
        %dma_start3A_31 = arith.constant 0 : i32
        %dma_start3A_32 = tpu.memref_slice %arg15[%mul3A_26, %dma_start3A_31] : memref<10240x128xf32, #tpu.memory_space<vmem_shared>> -> memref<640x128xf32, #tpu.memory_space<vmem_shared>>
        tpu.enqueue_dma source(%dma_start3A_32 : memref<640x128xf32, #tpu.memory_space<vmem_shared>>) target(%dma_start3A_30 : memref<640x128xf32, #tpu.memory_space<hbm>>) target_semaphore(%run_scoped3A : memref<!tpu.dma_semaphore, #tpu.memory_space<semaphore_mem>>)
        %dma_wait3A = arith.constant 0 : i32
        %dma_wait3A_33 = tpu.memref_slice %arg7[%mul3A_28, %dma_wait3A] : memref<10240x128xf32, #tpu.memory_space<hbm>> -> memref<640x128xf32, #tpu.memory_space<hbm>>
        %dma_wait3A_34 = arith.constant 0 : i32
        %dma_wait3A_35 = tpu.memref_slice %arg15[%mul3A_26, %dma_wait3A_34] : memref<10240x128xf32, #tpu.memory_space<vmem_shared>> -> memref<640x128xf32, #tpu.memory_space<vmem_shared>>
        tpu.wait_dma2 semaphore(%run_scoped3A : memref<!tpu.dma_semaphore, #tpu.memory_space<semaphore_mem>>) src(%dma_wait3A_35 : memref<640x128xf32, #tpu.memory_space<vmem_shared>>) dst(%dma_wait3A_33 : memref<640x128xf32, #tpu.memory_space<hbm>>)
        tpu.yield
      }) : () -> ()
    } else {
    }
    %eq3A_20 = arith.constant 1 : i32
    %eq3A_21 = arith.cmpi eq, %arg0, %eq3A_20 : i32
    %convert_element_type3A_22 = arith.extui %eq3A_21 : i1 to i32
    %cond3A_23 = arith.constant 0 : i32
    %cond3A_24 = arith.cmpi ne, %convert_element_type3A_22, %cond3A_23 : i32
    scf.if %cond3A_24 {
      %mul3A_25 = arith.constant 640 : i32
      %mul3A_26 = arith.muli %arg1, %mul3A_25 : i32
      %mul3A_27 = arith.constant 640 : i32
      %mul3A_28 = arith.muli %arg1, %mul3A_27 : i32
      "tpu.region"() ({
        %run_scoped3A = tpu.sem_alloc : memref<!tpu.dma_semaphore, #tpu.memory_space<semaphore_mem>>
        %dma_start3A_29 = arith.constant 0 : i32
        %dma_start3A_30 = tpu.memref_slice %arg8[%mul3A_28, %dma_start3A_29] : memref<10240x128xf32, #tpu.memory_space<hbm>> -> memref<640x128xf32, #tpu.memory_space<hbm>>
        %dma_start3A_31 = arith.constant 0 : i32
        %dma_start3A_32 = tpu.memref_slice %arg15[%mul3A_26, %dma_start3A_31] : memref<10240x128xf32, #tpu.memory_space<vmem_shared>> -> memref<640x128xf32, #tpu.memory_space<vmem_shared>>
        tpu.enqueue_dma source(%dma_start3A_32 : memref<640x128xf32, #tpu.memory_space<vmem_shared>>) target(%dma_start3A_30 : memref<640x128xf32, #tpu.memory_space<hbm>>) target_semaphore(%run_scoped3A : memref<!tpu.dma_semaphore, #tpu.memory_space<semaphore_mem>>)
        %dma_wait3A = arith.constant 0 : i32
        %dma_wait3A_33 = tpu.memref_slice %arg8[%mul3A_28, %dma_wait3A] : memref<10240x128xf32, #tpu.memory_space<hbm>> -> memref<640x128xf32, #tpu.memory_space<hbm>>
        %dma_wait3A_34 = arith.constant 0 : i32
        %dma_wait3A_35 = tpu.memref_slice %arg15[%mul3A_26, %dma_wait3A_34] : memref<10240x128xf32, #tpu.memory_space<vmem_shared>> -> memref<640x128xf32, #tpu.memory_space<vmem_shared>>
        tpu.wait_dma2 semaphore(%run_scoped3A : memref<!tpu.dma_semaphore, #tpu.memory_space<semaphore_mem>>) src(%dma_wait3A_35 : memref<640x128xf32, #tpu.memory_space<vmem_shared>>) dst(%dma_wait3A_33 : memref<640x128xf32, #tpu.memory_space<hbm>>)
        tpu.yield
      }) : () -> ()
    } else {
    }
    return
  }
}

module attributes {stable_mosaic.version = 14 : i64} {
  func.func @_tc_pre_body(%arg0: i32, %arg1: memref<2000x128xf32, #tpu.memory_space<vmem>>, %arg2: memref<128x128xf32, #tpu.memory_space<vmem>>, %arg3: memref<1x128xf32, #tpu.memory_space<vmem>>, %arg4: memref<1x1xf32, #tpu.memory_space<vmem>>, %arg5: memref<2000x128xf32, #tpu.memory_space<vmem>>, %arg6: memref<2000x128xf32, #tpu.memory_space<vmem>>, %arg7: memref<2000x128xf32, #tpu.memory_space<vmem>>) attributes {dimension_semantics = [#tpu.dimension_semantics<arbitrary>], iteration_bounds = array<i64: 5>, scalar_prefetch = 0 : i64, scratch_operands = 0 : i64, tpu.core_type = #tpu.core_type<tc>, window_params = [{transform_indices = @transform_0, window_bounds = array<i64: 2000, 128>}, {pipeline_mode = #tpu.pipeline_mode<synchronous>, transform_indices = @transform_1, window_bounds = array<i64: 128, 128>}, {pipeline_mode = #tpu.pipeline_mode<synchronous>, transform_indices = @transform_2, window_bounds = array<i64: 1, 128>}, {pipeline_mode = #tpu.pipeline_mode<synchronous>, transform_indices = @transform_3, window_bounds = array<i64: 1, 1>}, {transform_indices = @transform_4, window_bounds = array<i64: 2000, 128>}, {transform_indices = @transform_5, window_bounds = array<i64: 2000, 128>}, {transform_indices = @transform_6, window_bounds = array<i64: 2000, 128>}]} {
    %get3A = arith.constant 0 : index
    %get3A_0 = arith.constant 0 : index
    %get3A_1 = vector.load %arg1[%get3A, %get3A_0] : memref<2000x128xf32, #tpu.memory_space<vmem>>, vector<2000x128xf32>
    %get3A_2 = arith.constant 0 : index
    %get3A_3 = arith.constant 0 : index
    %get3A_4 = vector.load %arg2[%get3A_2, %get3A_3] : memref<128x128xf32, #tpu.memory_space<vmem>>, vector<128x128xf32>
    %dot_general3A = arith.constant dense<0.000000e+00> : vector<2000x128xf32>
    %dot_general3A_5 = tpu.matmul %get3A_1, %get3A_4, %dot_general3A {dimension_numbers = #tpu.dot_dimension_numbers<[1], [0], [0], [1], [0, 0, 1, 1], [], []>, transpose_lhs_hint = false} : vector<2000x128xf32>, vector<128x128xf32>, vector<2000x128xf32> -> vector<2000x128xf32>
    %get3A_6 = arith.constant 0 : index
    %get3A_7 = arith.constant 0 : index
    %get3A_8 = vector.load %arg3[%get3A_6, %get3A_7] : memref<1x128xf32, #tpu.memory_space<vmem>>, vector<1x128xf32>
    %add3A = vector.broadcast %get3A_8 : vector<1x128xf32> to vector<2000x128xf32>
    %add3A_9 = arith.addf %dot_general3A_5, %add3A : vector<2000x128xf32>
    %swap3A = arith.constant 0 : index
    %swap3A_10 = arith.constant 0 : index
    %swap3A_11 = vector.load %arg5[%swap3A, %swap3A_10] : memref<2000x128xf32, #tpu.memory_space<vmem>>, vector<2000x128xf32>
    tpu.vector_store %arg5[%swap3A, %swap3A_10], %add3A_9 {strides = array<i32>} : memref<2000x128xf32, #tpu.memory_space<vmem>>, vector<2000x128xf32>,
    %max3A = arith.constant 0.000000e+00 : f32
    %max3A_12 = vector.broadcast %max3A : f32 to vector<2000x128xf32>
    %max3A_13 = arith.maximumf %add3A_9, %max3A_12 : vector<2000x128xf32>
    %add3A_14 = arith.constant 1.000000e-07 : f32
    %add3A_15 = vector.broadcast %add3A_14 : f32 to vector<2000x128xf32>
    %add3A_16 = arith.addf %max3A_13, %add3A_15 : vector<2000x128xf32>
    %get3A_17 = arith.constant 0 : index
    %get3A_18 = arith.constant 0 : index
    %get3A_19 = vector.load %arg4[%get3A_17, %get3A_18] : memref<1x1xf32, #tpu.memory_space<vmem>>, vector<1x1xf32>
    %get3A_20 = vector.extract %get3A_19[0, 0] : f32 from vector<1x1xf32>
    %mul3A = vector.broadcast %get3A_20 : f32 to vector<2000x128xf32>
    %mul3A_21 = arith.mulf %add3A_16, %mul3A : vector<2000x128xf32>
    %exp3A = math.exp %mul3A_21 : vector<2000x128xf32>
    %swap3A_22 = arith.constant 0 : index
    %swap3A_23 = arith.constant 0 : index
    %swap3A_24 = vector.load %arg6[%swap3A_22, %swap3A_23] : memref<2000x128xf32, #tpu.memory_space<vmem>>, vector<2000x128xf32>
    tpu.vector_store %arg6[%swap3A_22, %swap3A_23], %exp3A {strides = array<i32>} : memref<2000x128xf32, #tpu.memory_space<vmem>>, vector<2000x128xf32>,
    %mul3A_25 = arith.mulf %add3A_16, %exp3A : vector<2000x128xf32>
    %swap3A_26 = arith.constant 0 : index
    %swap3A_27 = arith.constant 0 : index
    %swap3A_28 = vector.load %arg7[%swap3A_26, %swap3A_27] : memref<2000x128xf32, #tpu.memory_space<vmem>>, vector<2000x128xf32>
    tpu.vector_store %arg7[%swap3A_26, %swap3A_27], %mul3A_25 {strides = array<i32>} : memref<2000x128xf32, #tpu.memory_space<vmem>>, vector<2000x128xf32>,
    return
  }
  func.func @transform_0(%arg0: i32) -> (i32, i32) {
    %c0_i32 = arith.constant 0 : i32
    %c0_i32_0 = arith.constant 0 : i32
    return %arg0, %c0_i32 : i32, i32
  }
  func.func @transform_1(%arg0: i32) -> (i32, i32) {
    %c0_i32 = arith.constant 0 : i32
    %c0_i32_0 = arith.constant 0 : i32
    %c0_i32_1 = arith.constant 0 : i32
    return %c0_i32, %c0_i32_0 : i32, i32
  }
  func.func @transform_2(%arg0: i32) -> (i32, i32) {
    %c0_i32 = arith.constant 0 : i32
    %c0_i32_0 = arith.constant 0 : i32
    %c0_i32_1 = arith.constant 0 : i32
    return %c0_i32, %c0_i32_0 : i32, i32
  }
  func.func @transform_3(%arg0: i32) -> (i32, i32) {
    %c0_i32 = arith.constant 0 : i32
    %c0_i32_0 = arith.constant 0 : i32
    %c0_i32_1 = arith.constant 0 : i32
    return %c0_i32, %c0_i32_0 : i32, i32
  }
  func.func @transform_4(%arg0: i32) -> (i32, i32) {
    %c0_i32 = arith.constant 0 : i32
    %c0_i32_0 = arith.constant 0 : i32
    return %arg0, %c0_i32 : i32, i32
  }
  func.func @transform_5(%arg0: i32) -> (i32, i32) {
    %c0_i32 = arith.constant 0 : i32
    %c0_i32_0 = arith.constant 0 : i32
    return %arg0, %c0_i32 : i32, i32
  }
  func.func @transform_6(%arg0: i32) -> (i32, i32) {
    %c0_i32 = arith.constant 0 : i32
    %c0_i32_0 = arith.constant 0 : i32
    return %arg0, %c0_i32 : i32, i32
  }
}

module attributes {stable_mosaic.version = 14 : i64} {
  func.func @_tc_mid_body(%arg0: i32, %arg1: memref<2000x128xf32, #tpu.memory_space<vmem>>, %arg2: memref<2000x128xf32, #tpu.memory_space<vmem>>, %arg3: memref<2000x128xf32, #tpu.memory_space<vmem>>, %arg4: memref<128x256xf32, #tpu.memory_space<vmem>>, %arg5: memref<1x256xf32, #tpu.memory_space<vmem>>, %arg6: memref<1x256xf32, #tpu.memory_space<vmem>>, %arg7: memref<1x256xf32, #tpu.memory_space<vmem>>, %arg8: memref<256x128xf32, #tpu.memory_space<vmem>>, %arg9: memref<1x128xf32, #tpu.memory_space<vmem>>, %arg10: memref<1x128xf32, #tpu.memory_space<vmem>>, %arg11: memref<1x128xf32, #tpu.memory_space<vmem>>, %arg12: memref<1x1xf32, #tpu.memory_space<vmem>>, %arg13: memref<2000x128xf32, #tpu.memory_space<vmem>>, %arg14: memref<2000x128xf32, #tpu.memory_space<vmem>>, %arg15: memref<2000x128xf32, #tpu.memory_space<vmem>>) attributes {dimension_semantics = [#tpu.dimension_semantics<arbitrary>], iteration_bounds = array<i64: 5>, scalar_prefetch = 0 : i64, scratch_operands = 0 : i64, tpu.core_type = #tpu.core_type<tc>, window_params = [{transform_indices = @transform_0, window_bounds = array<i64: 2000, 128>}, {transform_indices = @transform_1, window_bounds = array<i64: 2000, 128>}, {transform_indices = @transform_2, window_bounds = array<i64: 2000, 128>}, {pipeline_mode = #tpu.pipeline_mode<synchronous>, transform_indices = @transform_3, window_bounds = array<i64: 128, 256>}, {pipeline_mode = #tpu.pipeline_mode<synchronous>, transform_indices = @transform_4, window_bounds = array<i64: 1, 256>}, {pipeline_mode = #tpu.pipeline_mode<synchronous>, transform_indices = @transform_5, window_bounds = array<i64: 1, 256>}, {pipeline_mode = #tpu.pipeline_mode<synchronous>, transform_indices = @transform_6, window_bounds = array<i64: 1, 256>}, {pipeline_mode = #tpu.pipeline_mode<synchronous>, transform_indices = @transform_7, window_bounds = array<i64: 256, 128>}, {pipeline_mode = #tpu.pipeline_mode<synchronous>, transform_indices = @transform_8, window_bounds = array<i64: 1, 128>}, {pipeline_mode = #tpu.pipeline_mode<synchronous>, transform_indices = @transform_9, window_bounds = array<i64: 1, 128>}, {pipeline_mode = #tpu.pipeline_mode<synchronous>, transform_indices = @transform_10, window_bounds = array<i64: 1, 128>}, {pipeline_mode = #tpu.pipeline_mode<synchronous>, transform_indices = @transform_11, window_bounds = array<i64: 1, 1>}, {transform_indices = @transform_12, window_bounds = array<i64: 2000, 128>}, {transform_indices = @transform_13, window_bounds = array<i64: 2000, 128>}, {transform_indices = @transform_14, window_bounds = array<i64: 2000, 128>}]} {
    %get3A = arith.constant 0 : index
    %get3A_0 = arith.constant 0 : index
    %get3A_1 = vector.load %arg2[%get3A, %get3A_0] : memref<2000x128xf32, #tpu.memory_space<vmem>>, vector<2000x128xf32>
    %get3A_2 = arith.constant 0 : index
    %get3A_3 = arith.constant 0 : index
    %get3A_4 = vector.load %arg1[%get3A_2, %get3A_3] : memref<2000x128xf32, #tpu.memory_space<vmem>>, vector<2000x128xf32>
    %add3A = arith.constant 1.000000e-16 : f32
    %add3A_5 = vector.broadcast %add3A : f32 to vector<2000x128xf32>
    %add3A_6 = arith.addf %get3A_4, %add3A_5 : vector<2000x128xf32>
    %div3A = arith.divf %get3A_1, %add3A_6 : vector<2000x128xf32>
    %get3A_7 = arith.constant 0 : index
    %get3A_8 = arith.constant 0 : index
    %get3A_9 = vector.load %arg3[%get3A_7, %get3A_8] : memref<2000x128xf32, #tpu.memory_space<vmem>>, vector<2000x128xf32>
    %add3A_10 = arith.addf %div3A, %get3A_9 : vector<2000x128xf32>
    %get3A_11 = arith.constant 0 : index
    %get3A_12 = arith.constant 0 : index
    %get3A_13 = vector.load %arg4[%get3A_11, %get3A_12] : memref<128x256xf32, #tpu.memory_space<vmem>>, vector<128x256xf32>
    %dot_general3A = arith.constant dense<0.000000e+00> : vector<2000x256xf32>
    %dot_general3A_14 = tpu.matmul %add3A_10, %get3A_13, %dot_general3A {dimension_numbers = #tpu.dot_dimension_numbers<[1], [0], [0], [1], [0, 0, 1, 1], [], []>, transpose_lhs_hint = false} : vector<2000x128xf32>, vector<128x256xf32>, vector<2000x256xf32> -> vector<2000x256xf32>
    %get3A_15 = arith.constant 0 : index
    %get3A_16 = arith.constant 0 : index
    %get3A_17 = vector.load %arg5[%get3A_15, %get3A_16] : memref<1x256xf32, #tpu.memory_space<vmem>>, vector<1x256xf32>
    %add3A_18 = vector.broadcast %get3A_17 : vector<1x256xf32> to vector<2000x256xf32>
    %add3A_19 = arith.addf %dot_general3A_14, %add3A_18 : vector<2000x256xf32>
    %get3A_20 = arith.constant 0 : index
    %get3A_21 = arith.constant 0 : index
    %get3A_22 = vector.load %arg6[%get3A_20, %get3A_21] : memref<1x256xf32, #tpu.memory_space<vmem>>, vector<1x256xf32>
    %get3A_23 = arith.constant 0 : index
    %get3A_24 = arith.constant 0 : index
    %get3A_25 = vector.load %arg7[%get3A_23, %get3A_24] : memref<1x256xf32, #tpu.memory_space<vmem>>, vector<1x256xf32>
    %reduce_sum3A = arith.constant dense<0.000000e+00> : vector<2000xf32>
    %reduce_sum3A_26 = vector.multi_reduction <add>, %add3A_19, %reduce_sum3A [1] : vector<2000x256xf32> to vector<2000xf32>
    %broadcast_in_dim3A = vector.shape_cast %reduce_sum3A_26 : vector<2000xf32> to vector<2000x1xf32>
    %div3A_27 = arith.constant 2.560000e+02 : f32
    %div3A_28 = vector.broadcast %div3A_27 : f32 to vector<2000x1xf32>
    %div3A_29 = arith.divf %broadcast_in_dim3A, %div3A_28 : vector<2000x1xf32>
    %sub3A = vector.broadcast %div3A_29 : vector<2000x1xf32> to vector<2000x256xf32>
    %sub3A_30 = arith.subf %add3A_19, %sub3A : vector<2000x256xf32>
    %sub3A_31 = vector.broadcast %div3A_29 : vector<2000x1xf32> to vector<2000x256xf32>
    %sub3A_32 = arith.subf %add3A_19, %sub3A_31 : vector<2000x256xf32>
    %mul3A = arith.mulf %sub3A_30, %sub3A_32 : vector<2000x256xf32>
    %reduce_sum3A_33 = arith.constant dense<0.000000e+00> : vector<2000xf32>
    %reduce_sum3A_34 = vector.multi_reduction <add>, %mul3A, %reduce_sum3A_33 [1] : vector<2000x256xf32> to vector<2000xf32>
    %broadcast_in_dim3A_35 = vector.shape_cast %reduce_sum3A_34 : vector<2000xf32> to vector<2000x1xf32>
    %div3A_36 = arith.constant 2.560000e+02 : f32
    %div3A_37 = vector.broadcast %div3A_36 : f32 to vector<2000x1xf32>
    %div3A_38 = arith.divf %broadcast_in_dim3A_35, %div3A_37 : vector<2000x1xf32>
    %sub3A_39 = vector.broadcast %div3A_29 : vector<2000x1xf32> to vector<2000x256xf32>
    %sub3A_40 = arith.subf %add3A_19, %sub3A_39 : vector<2000x256xf32>
    %add3A_41 = arith.constant 9.99999974E-6 : f32
    %add3A_42 = vector.broadcast %add3A_41 : f32 to vector<2000x1xf32>
    %add3A_43 = arith.addf %div3A_38, %add3A_42 : vector<2000x1xf32>
    %rsqrt3A = math.rsqrt %add3A_43 : vector<2000x1xf32>
    %mul3A_44 = vector.broadcast %rsqrt3A : vector<2000x1xf32> to vector<2000x256xf32>
    %mul3A_45 = arith.mulf %sub3A_40, %mul3A_44 : vector<2000x256xf32>
    %mul3A_46 = vector.broadcast %get3A_22 : vector<1x256xf32> to vector<2000x256xf32>
    %mul3A_47 = arith.mulf %mul3A_45, %mul3A_46 : vector<2000x256xf32>
    %add3A_48 = vector.broadcast %get3A_25 : vector<1x256xf32> to vector<2000x256xf32>
    %add3A_49 = arith.addf %mul3A_47, %add3A_48 : vector<2000x256xf32>
    %max3A = arith.constant 0.000000e+00 : f32
    %max3A_50 = vector.broadcast %max3A : f32 to vector<2000x256xf32>
    %max3A_51 = arith.maximumf %add3A_49, %max3A_50 : vector<2000x256xf32>
    %get3A_52 = arith.constant 0 : index
    %get3A_53 = arith.constant 0 : index
    %get3A_54 = vector.load %arg8[%get3A_52, %get3A_53] : memref<256x128xf32, #tpu.memory_space<vmem>>, vector<256x128xf32>
    %dot_general3A_55 = arith.constant dense<0.000000e+00> : vector<2000x128xf32>
    %dot_general3A_56 = tpu.matmul %max3A_51, %get3A_54, %dot_general3A_55 {dimension_numbers = #tpu.dot_dimension_numbers<[1], [0], [0], [1], [0, 0, 1, 1], [], []>, transpose_lhs_hint = false} : vector<2000x256xf32>, vector<256x128xf32>, vector<2000x128xf32> -> vector<2000x128xf32>
    %get3A_57 = arith.constant 0 : index
    %get3A_58 = arith.constant 0 : index
    %get3A_59 = vector.load %arg9[%get3A_57, %get3A_58] : memref<1x128xf32, #tpu.memory_space<vmem>>, vector<1x128xf32>
    %add3A_60 = vector.broadcast %get3A_59 : vector<1x128xf32> to vector<2000x128xf32>
    %add3A_61 = arith.addf %dot_general3A_56, %add3A_60 : vector<2000x128xf32>
    %swap3A = arith.constant 0 : index
    %swap3A_62 = arith.constant 0 : index
    %swap3A_63 = vector.load %arg13[%swap3A, %swap3A_62] : memref<2000x128xf32, #tpu.memory_space<vmem>>, vector<2000x128xf32>
    tpu.vector_store %arg13[%swap3A, %swap3A_62], %add3A_61 {strides = array<i32>} : memref<2000x128xf32, #tpu.memory_space<vmem>>, vector<2000x128xf32>,
    %get3A_64 = arith.constant 0 : index
    %get3A_65 = arith.constant 0 : index
    %get3A_66 = vector.load %arg10[%get3A_64, %get3A_65] : memref<1x128xf32, #tpu.memory_space<vmem>>, vector<1x128xf32>
    %get3A_67 = arith.constant 0 : index
    %get3A_68 = arith.constant 0 : index
    %get3A_69 = vector.load %arg11[%get3A_67, %get3A_68] : memref<1x128xf32, #tpu.memory_space<vmem>>, vector<1x128xf32>
    %reduce_sum3A_70 = arith.constant dense<0.000000e+00> : vector<2000xf32>
    %reduce_sum3A_71 = vector.multi_reduction <add>, %add3A_61, %reduce_sum3A_70 [1] : vector<2000x128xf32> to vector<2000xf32>
    %broadcast_in_dim3A_72 = vector.shape_cast %reduce_sum3A_71 : vector<2000xf32> to vector<2000x1xf32>
    %div3A_73 = arith.constant 1.280000e+02 : f32
    %div3A_74 = vector.broadcast %div3A_73 : f32 to vector<2000x1xf32>
    %div3A_75 = arith.divf %broadcast_in_dim3A_72, %div3A_74 : vector<2000x1xf32>
    %sub3A_76 = vector.broadcast %div3A_75 : vector<2000x1xf32> to vector<2000x128xf32>
    %sub3A_77 = arith.subf %add3A_61, %sub3A_76 : vector<2000x128xf32>
    %sub3A_78 = vector.broadcast %div3A_75 : vector<2000x1xf32> to vector<2000x128xf32>
    %sub3A_79 = arith.subf %add3A_61, %sub3A_78 : vector<2000x128xf32>
    %mul3A_80 = arith.mulf %sub3A_77, %sub3A_79 : vector<2000x128xf32>
    %reduce_sum3A_81 = arith.constant dense<0.000000e+00> : vector<2000xf32>
    %reduce_sum3A_82 = vector.multi_reduction <add>, %mul3A_80, %reduce_sum3A_81 [1] : vector<2000x128xf32> to vector<2000xf32>
    %broadcast_in_dim3A_83 = vector.shape_cast %reduce_sum3A_82 : vector<2000xf32> to vector<2000x1xf32>
    %div3A_84 = arith.constant 1.280000e+02 : f32
    %div3A_85 = vector.broadcast %div3A_84 : f32 to vector<2000x1xf32>
    %div3A_86 = arith.divf %broadcast_in_dim3A_83, %div3A_85 : vector<2000x1xf32>
    %sub3A_87 = vector.broadcast %div3A_75 : vector<2000x1xf32> to vector<2000x128xf32>
    %sub3A_88 = arith.subf %add3A_61, %sub3A_87 : vector<2000x128xf32>
    %add3A_89 = arith.constant 9.99999974E-6 : f32
    %add3A_90 = vector.broadcast %add3A_89 : f32 to vector<2000x1xf32>
    %add3A_91 = arith.addf %div3A_86, %add3A_90 : vector<2000x1xf32>
    %rsqrt3A_92 = math.rsqrt %add3A_91 : vector<2000x1xf32>
    %mul3A_93 = vector.broadcast %rsqrt3A_92 : vector<2000x1xf32> to vector<2000x128xf32>
    %mul3A_94 = arith.mulf %sub3A_88, %mul3A_93 : vector<2000x128xf32>
    %mul3A_95 = vector.broadcast %get3A_66 : vector<1x128xf32> to vector<2000x128xf32>
    %mul3A_96 = arith.mulf %mul3A_94, %mul3A_95 : vector<2000x128xf32>
    %add3A_97 = vector.broadcast %get3A_69 : vector<1x128xf32> to vector<2000x128xf32>
    %add3A_98 = arith.addf %mul3A_96, %add3A_97 : vector<2000x128xf32>
    %max3A_99 = arith.constant 0.000000e+00 : f32
    %max3A_100 = vector.broadcast %max3A_99 : f32 to vector<2000x128xf32>
    %max3A_101 = arith.maximumf %add3A_98, %max3A_100 : vector<2000x128xf32>
    %add3A_102 = arith.constant 1.000000e-07 : f32
    %add3A_103 = vector.broadcast %add3A_102 : f32 to vector<2000x128xf32>
    %add3A_104 = arith.addf %max3A_101, %add3A_103 : vector<2000x128xf32>
    %get3A_105 = arith.constant 0 : index
    %get3A_106 = arith.constant 0 : index
    %get3A_107 = vector.load %arg12[%get3A_105, %get3A_106] : memref<1x1xf32, #tpu.memory_space<vmem>>, vector<1x1xf32>
    %get3A_108 = vector.extract %get3A_107[0, 0] : f32 from vector<1x1xf32>
    %mul3A_109 = vector.broadcast %get3A_108 : f32 to vector<2000x128xf32>
    %mul3A_110 = arith.mulf %add3A_104, %mul3A_109 : vector<2000x128xf32>
    %exp3A = math.exp %mul3A_110 : vector<2000x128xf32>
    %swap3A_111 = arith.constant 0 : index
    %swap3A_112 = arith.constant 0 : index
    %swap3A_113 = vector.load %arg14[%swap3A_111, %swap3A_112] : memref<2000x128xf32, #tpu.memory_space<vmem>>, vector<2000x128xf32>
    tpu.vector_store %arg14[%swap3A_111, %swap3A_112], %exp3A {strides = array<i32>} : memref<2000x128xf32, #tpu.memory_space<vmem>>, vector<2000x128xf32>,
    %mul3A_114 = arith.mulf %add3A_104, %exp3A : vector<2000x128xf32>
    %swap3A_115 = arith.constant 0 : index
    %swap3A_116 = arith.constant 0 : index
    %swap3A_117 = vector.load %arg15[%swap3A_115, %swap3A_116] : memref<2000x128xf32, #tpu.memory_space<vmem>>, vector<2000x128xf32>
    tpu.vector_store %arg15[%swap3A_115, %swap3A_116], %mul3A_114 {strides = array<i32>} : memref<2000x128xf32, #tpu.memory_space<vmem>>, vector<2000x128xf32>,
    return
  }
  func.func @transform_0(%arg0: i32) -> (i32, i32) {
    %c0_i32 = arith.constant 0 : i32
    %c0_i32_0 = arith.constant 0 : i32
    return %arg0, %c0_i32 : i32, i32
  }
  func.func @transform_1(%arg0: i32) -> (i32, i32) {
    %c0_i32 = arith.constant 0 : i32
    %c0_i32_0 = arith.constant 0 : i32
    return %arg0, %c0_i32 : i32, i32
  }
  func.func @transform_2(%arg0: i32) -> (i32, i32) {
    %c0_i32 = arith.constant 0 : i32
    %c0_i32_0 = arith.constant 0 : i32
    return %arg0, %c0_i32 : i32, i32
  }
  func.func @transform_3(%arg0: i32) -> (i32, i32) {
    %c0_i32 = arith.constant 0 : i32
    %c0_i32_0 = arith.constant 0 : i32
    %c0_i32_1 = arith.constant 0 : i32
    return %c0_i32, %c0_i32_0 : i32, i32
  }
  func.func @transform_4(%arg0: i32) -> (i32, i32) {
    %c0_i32 = arith.constant 0 : i32
    %c0_i32_0 = arith.constant 0 : i32
    %c0_i32_1 = arith.constant 0 : i32
    return %c0_i32, %c0_i32_0 : i32, i32
  }
  func.func @transform_5(%arg0: i32) -> (i32, i32) {
    %c0_i32 = arith.constant 0 : i32
    %c0_i32_0 = arith.constant 0 : i32
    %c0_i32_1 = arith.constant 0 : i32
    return %c0_i32, %c0_i32_0 : i32, i32
  }
  func.func @transform_6(%arg0: i32) -> (i32, i32) {
    %c0_i32 = arith.constant 0 : i32
    %c0_i32_0 = arith.constant 0 : i32
    %c0_i32_1 = arith.constant 0 : i32
    return %c0_i32, %c0_i32_0 : i32, i32
  }
  func.func @transform_7(%arg0: i32) -> (i32, i32) {
    %c0_i32 = arith.constant 0 : i32
    %c0_i32_0 = arith.constant 0 : i32
    %c0_i32_1 = arith.constant 0 : i32
    return %c0_i32, %c0_i32_0 : i32, i32
  }
  func.func @transform_8(%arg0: i32) -> (i32, i32) {
    %c0_i32 = arith.constant 0 : i32
    %c0_i32_0 = arith.constant 0 : i32
    %c0_i32_1 = arith.constant 0 : i32
    return %c0_i32, %c0_i32_0 : i32, i32
  }
  func.func @transform_9(%arg0: i32) -> (i32, i32) {
    %c0_i32 = arith.constant 0 : i32
    %c0_i32_0 = arith.constant 0 : i32
    %c0_i32_1 = arith.constant 0 : i32
    return %c0_i32, %c0_i32_0 : i32, i32
  }
  func.func @transform_10(%arg0: i32) -> (i32, i32) {
    %c0_i32 = arith.constant 0 : i32
    %c0_i32_0 = arith.constant 0 : i32
    %c0_i32_1 = arith.constant 0 : i32
    return %c0_i32, %c0_i32_0 : i32, i32
  }
  func.func @transform_11(%arg0: i32) -> (i32, i32) {
    %c0_i32 = arith.constant 0 : i32
    %c0_i32_0 = arith.constant 0 : i32
    %c0_i32_1 = arith.constant 0 : i32
    return %c0_i32, %c0_i32_0 : i32, i32
  }
  func.func @transform_12(%arg0: i32) -> (i32, i32) {
    %c0_i32 = arith.constant 0 : i32
    %c0_i32_0 = arith.constant 0 : i32
    return %arg0, %c0_i32 : i32, i32
  }
  func.func @transform_13(%arg0: i32) -> (i32, i32) {
    %c0_i32 = arith.constant 0 : i32
    %c0_i32_0 = arith.constant 0 : i32
    return %arg0, %c0_i32 : i32, i32
  }
  func.func @transform_14(%arg0: i32) -> (i32, i32) {
    %c0_i32 = arith.constant 0 : i32
    %c0_i32_0 = arith.constant 0 : i32
    return %arg0, %c0_i32 : i32, i32
  }
}

module attributes {stable_mosaic.version = 14 : i64} {
  func.func @_tc_post_body(%arg0: i32, %arg1: memref<2000x128xf32, #tpu.memory_space<vmem>>, %arg2: memref<2000x128xf32, #tpu.memory_space<vmem>>, %arg3: memref<2000x128xf32, #tpu.memory_space<vmem>>, %arg4: memref<1x128xf32, #tpu.memory_space<vmem>>, %arg5: memref<1x128xf32, #tpu.memory_space<vmem>>, %arg6: memref<128x256xf32, #tpu.memory_space<vmem>>, %arg7: memref<1x256xf32, #tpu.memory_space<vmem>>, %arg8: memref<1x256xf32, #tpu.memory_space<vmem>>, %arg9: memref<1x256xf32, #tpu.memory_space<vmem>>, %arg10: memref<256x128xf32, #tpu.memory_space<vmem>>, %arg11: memref<1x128xf32, #tpu.memory_space<vmem>>, %arg12: memref<1x128xf32, #tpu.memory_space<vmem>>, %arg13: memref<1x128xf32, #tpu.memory_space<vmem>>, %arg14: memref<128x128xf32, #tpu.memory_space<vmem>>, %arg15: memref<1x128xf32, #tpu.memory_space<vmem>>, %arg16: memref<2000x128xf32, #tpu.memory_space<vmem>>, %arg17: memref<2000x128xf32, #tpu.memory_space<vmem>>) attributes {dimension_semantics = [#tpu.dimension_semantics<arbitrary>], iteration_bounds = array<i64: 5>, scalar_prefetch = 0 : i64, scratch_operands = 0 : i64, tpu.core_type = #tpu.core_type<tc>, window_params = [{transform_indices = @transform_0, window_bounds = array<i64: 2000, 128>}, {transform_indices = @transform_1, window_bounds = array<i64: 2000, 128>}, {transform_indices = @transform_2, window_bounds = array<i64: 2000, 128>}, {pipeline_mode = #tpu.pipeline_mode<synchronous>, transform_indices = @transform_3, window_bounds = array<i64: 1, 128>}, {pipeline_mode = #tpu.pipeline_mode<synchronous>, transform_indices = @transform_4, window_bounds = array<i64: 1, 128>}, {pipeline_mode = #tpu.pipeline_mode<synchronous>, transform_indices = @transform_5, window_bounds = array<i64: 128, 256>}, {pipeline_mode = #tpu.pipeline_mode<synchronous>, transform_indices = @transform_6, window_bounds = array<i64: 1, 256>}, {pipeline_mode = #tpu.pipeline_mode<synchronous>, transform_indices = @transform_7, window_bounds = array<i64: 1, 256>}, {pipeline_mode = #tpu.pipeline_mode<synchronous>, transform_indices = @transform_8, window_bounds = array<i64: 1, 256>}, {pipeline_mode = #tpu.pipeline_mode<synchronous>, transform_indices = @transform_9, window_bounds = array<i64: 256, 128>}, {pipeline_mode = #tpu.pipeline_mode<synchronous>, transform_indices = @transform_10, window_bounds = array<i64: 1, 128>}, {pipeline_mode = #tpu.pipeline_mode<synchronous>, transform_indices = @transform_11, window_bounds = array<i64: 1, 128>}, {pipeline_mode = #tpu.pipeline_mode<synchronous>, transform_indices = @transform_12, window_bounds = array<i64: 1, 128>}, {pipeline_mode = #tpu.pipeline_mode<synchronous>, transform_indices = @transform_13, window_bounds = array<i64: 128, 128>}, {pipeline_mode = #tpu.pipeline_mode<synchronous>, transform_indices = @transform_14, window_bounds = array<i64: 1, 128>}, {transform_indices = @transform_15, window_bounds = array<i64: 2000, 128>}, {transform_indices = @transform_16, window_bounds = array<i64: 2000, 128>}]} {
    %get3A = arith.constant 0 : index
    %get3A_0 = arith.constant 0 : index
    %get3A_1 = vector.load %arg3[%get3A, %get3A_0] : memref<2000x128xf32, #tpu.memory_space<vmem>>, vector<2000x128xf32>
    %get3A_2 = arith.constant 0 : index
    %get3A_3 = arith.constant 0 : index
    %get3A_4 = vector.load %arg4[%get3A_2, %get3A_3] : memref<1x128xf32, #tpu.memory_space<vmem>>, vector<1x128xf32>
    %get3A_5 = arith.constant 0 : index
    %get3A_6 = arith.constant 0 : index
    %get3A_7 = vector.load %arg5[%get3A_5, %get3A_6] : memref<1x128xf32, #tpu.memory_space<vmem>>, vector<1x128xf32>
    %reduce_sum3A = arith.constant dense<0.000000e+00> : vector<2000xf32>
    %reduce_sum3A_8 = vector.multi_reduction <add>, %get3A_1, %reduce_sum3A [1] : vector<2000x128xf32> to vector<2000xf32>
    %broadcast_in_dim3A = vector.shape_cast %reduce_sum3A_8 : vector<2000xf32> to vector<2000x1xf32>
    %div3A = arith.constant 1.280000e+02 : f32
    %div3A_9 = vector.broadcast %div3A : f32 to vector<2000x1xf32>
    %div3A_10 = arith.divf %broadcast_in_dim3A, %div3A_9 : vector<2000x1xf32>
    %sub3A = vector.broadcast %div3A_10 : vector<2000x1xf32> to vector<2000x128xf32>
    %sub3A_11 = arith.subf %get3A_1, %sub3A : vector<2000x128xf32>
    %sub3A_12 = vector.broadcast %div3A_10 : vector<2000x1xf32> to vector<2000x128xf32>
    %sub3A_13 = arith.subf %get3A_1, %sub3A_12 : vector<2000x128xf32>
    %mul3A = arith.mulf %sub3A_11, %sub3A_13 : vector<2000x128xf32>
    %reduce_sum3A_14 = arith.constant dense<0.000000e+00> : vector<2000xf32>
    %reduce_sum3A_15 = vector.multi_reduction <add>, %mul3A, %reduce_sum3A_14 [1] : vector<2000x128xf32> to vector<2000xf32>
    %broadcast_in_dim3A_16 = vector.shape_cast %reduce_sum3A_15 : vector<2000xf32> to vector<2000x1xf32>
    %div3A_17 = arith.constant 1.280000e+02 : f32
    %div3A_18 = vector.broadcast %div3A_17 : f32 to vector<2000x1xf32>
    %div3A_19 = arith.divf %broadcast_in_dim3A_16, %div3A_18 : vector<2000x1xf32>
    %sub3A_20 = vector.broadcast %div3A_10 : vector<2000x1xf32> to vector<2000x128xf32>
    %sub3A_21 = arith.subf %get3A_1, %sub3A_20 : vector<2000x128xf32>
    %add3A = arith.constant 9.99999974E-6 : f32
    %add3A_22 = vector.broadcast %add3A : f32 to vector<2000x1xf32>
    %add3A_23 = arith.addf %div3A_19, %add3A_22 : vector<2000x1xf32>
    %rsqrt3A = math.rsqrt %add3A_23 : vector<2000x1xf32>
    %mul3A_24 = vector.broadcast %rsqrt3A : vector<2000x1xf32> to vector<2000x128xf32>
    %mul3A_25 = arith.mulf %sub3A_21, %mul3A_24 : vector<2000x128xf32>
    %mul3A_26 = vector.broadcast %get3A_4 : vector<1x128xf32> to vector<2000x128xf32>
    %mul3A_27 = arith.mulf %mul3A_25, %mul3A_26 : vector<2000x128xf32>
    %add3A_28 = vector.broadcast %get3A_7 : vector<1x128xf32> to vector<2000x128xf32>
    %add3A_29 = arith.addf %mul3A_27, %add3A_28 : vector<2000x128xf32>
    %max3A = arith.constant 0.000000e+00 : f32
    %max3A_30 = vector.broadcast %max3A : f32 to vector<2000x128xf32>
    %max3A_31 = arith.maximumf %add3A_29, %max3A_30 : vector<2000x128xf32>
    %get3A_32 = arith.constant 0 : index
    %get3A_33 = arith.constant 0 : index
    %get3A_34 = vector.load %arg2[%get3A_32, %get3A_33] : memref<2000x128xf32, #tpu.memory_space<vmem>>, vector<2000x128xf32>
    %get3A_35 = arith.constant 0 : index
    %get3A_36 = arith.constant 0 : index
    %get3A_37 = vector.load %arg1[%get3A_35, %get3A_36] : memref<2000x128xf32, #tpu.memory_space<vmem>>, vector<2000x128xf32>
    %add3A_38 = arith.constant 1.000000e-16 : f32
    %add3A_39 = vector.broadcast %add3A_38 : f32 to vector<2000x128xf32>
    %add3A_40 = arith.addf %get3A_37, %add3A_39 : vector<2000x128xf32>
    %div3A_41 = arith.divf %get3A_34, %add3A_40 : vector<2000x128xf32>
    %add3A_42 = arith.addf %div3A_41, %max3A_31 : vector<2000x128xf32>
    %get3A_43 = arith.constant 0 : index
    %get3A_44 = arith.constant 0 : index
    %get3A_45 = vector.load %arg6[%get3A_43, %get3A_44] : memref<128x256xf32, #tpu.memory_space<vmem>>, vector<128x256xf32>
    %dot_general3A = arith.constant dense<0.000000e+00> : vector<2000x256xf32>
    %dot_general3A_46 = tpu.matmul %add3A_42, %get3A_45, %dot_general3A {dimension_numbers = #tpu.dot_dimension_numbers<[1], [0], [0], [1], [0, 0, 1, 1], [], []>, transpose_lhs_hint = false} : vector<2000x128xf32>, vector<128x256xf32>, vector<2000x256xf32> -> vector<2000x256xf32>
    %get3A_47 = arith.constant 0 : index
    %get3A_48 = arith.constant 0 : index
    %get3A_49 = vector.load %arg7[%get3A_47, %get3A_48] : memref<1x256xf32, #tpu.memory_space<vmem>>, vector<1x256xf32>
    %add3A_50 = vector.broadcast %get3A_49 : vector<1x256xf32> to vector<2000x256xf32>
    %add3A_51 = arith.addf %dot_general3A_46, %add3A_50 : vector<2000x256xf32>
    %get3A_52 = arith.constant 0 : index
    %get3A_53 = arith.constant 0 : index
    %get3A_54 = vector.load %arg8[%get3A_52, %get3A_53] : memref<1x256xf32, #tpu.memory_space<vmem>>, vector<1x256xf32>
    %get3A_55 = arith.constant 0 : index
    %get3A_56 = arith.constant 0 : index
    %get3A_57 = vector.load %arg9[%get3A_55, %get3A_56] : memref<1x256xf32, #tpu.memory_space<vmem>>, vector<1x256xf32>
    %reduce_sum3A_58 = arith.constant dense<0.000000e+00> : vector<2000xf32>
    %reduce_sum3A_59 = vector.multi_reduction <add>, %add3A_51, %reduce_sum3A_58 [1] : vector<2000x256xf32> to vector<2000xf32>
    %broadcast_in_dim3A_60 = vector.shape_cast %reduce_sum3A_59 : vector<2000xf32> to vector<2000x1xf32>
    %div3A_61 = arith.constant 2.560000e+02 : f32
    %div3A_62 = vector.broadcast %div3A_61 : f32 to vector<2000x1xf32>
    %div3A_63 = arith.divf %broadcast_in_dim3A_60, %div3A_62 : vector<2000x1xf32>
    %sub3A_64 = vector.broadcast %div3A_63 : vector<2000x1xf32> to vector<2000x256xf32>
    %sub3A_65 = arith.subf %add3A_51, %sub3A_64 : vector<2000x256xf32>
    %sub3A_66 = vector.broadcast %div3A_63 : vector<2000x1xf32> to vector<2000x256xf32>
    %sub3A_67 = arith.subf %add3A_51, %sub3A_66 : vector<2000x256xf32>
    %mul3A_68 = arith.mulf %sub3A_65, %sub3A_67 : vector<2000x256xf32>
    %reduce_sum3A_69 = arith.constant dense<0.000000e+00> : vector<2000xf32>
    %reduce_sum3A_70 = vector.multi_reduction <add>, %mul3A_68, %reduce_sum3A_69 [1] : vector<2000x256xf32> to vector<2000xf32>
    %broadcast_in_dim3A_71 = vector.shape_cast %reduce_sum3A_70 : vector<2000xf32> to vector<2000x1xf32>
    %div3A_72 = arith.constant 2.560000e+02 : f32
    %div3A_73 = vector.broadcast %div3A_72 : f32 to vector<2000x1xf32>
    %div3A_74 = arith.divf %broadcast_in_dim3A_71, %div3A_73 : vector<2000x1xf32>
    %sub3A_75 = vector.broadcast %div3A_63 : vector<2000x1xf32> to vector<2000x256xf32>
    %sub3A_76 = arith.subf %add3A_51, %sub3A_75 : vector<2000x256xf32>
    %add3A_77 = arith.constant 9.99999974E-6 : f32
    %add3A_78 = vector.broadcast %add3A_77 : f32 to vector<2000x1xf32>
    %add3A_79 = arith.addf %div3A_74, %add3A_78 : vector<2000x1xf32>
    %rsqrt3A_80 = math.rsqrt %add3A_79 : vector<2000x1xf32>
    %mul3A_81 = vector.broadcast %rsqrt3A_80 : vector<2000x1xf32> to vector<2000x256xf32>
    %mul3A_82 = arith.mulf %sub3A_76, %mul3A_81 : vector<2000x256xf32>
    %mul3A_83 = vector.broadcast %get3A_54 : vector<1x256xf32> to vector<2000x256xf32>
    %mul3A_84 = arith.mulf %mul3A_82, %mul3A_83 : vector<2000x256xf32>
    %add3A_85 = vector.broadcast %get3A_57 : vector<1x256xf32> to vector<2000x256xf32>
    %add3A_86 = arith.addf %mul3A_84, %add3A_85 : vector<2000x256xf32>
    %max3A_87 = arith.constant 0.000000e+00 : f32
    %max3A_88 = vector.broadcast %max3A_87 : f32 to vector<2000x256xf32>
    %max3A_89 = arith.maximumf %add3A_86, %max3A_88 : vector<2000x256xf32>
    %get3A_90 = arith.constant 0 : index
    %get3A_91 = arith.constant 0 : index
    %get3A_92 = vector.load %arg10[%get3A_90, %get3A_91] : memref<256x128xf32, #tpu.memory_space<vmem>>, vector<256x128xf32>
    %dot_general3A_93 = arith.constant dense<0.000000e+00> : vector<2000x128xf32>
    %dot_general3A_94 = tpu.matmul %max3A_89, %get3A_92, %dot_general3A_93 {dimension_numbers = #tpu.dot_dimension_numbers<[1], [0], [0], [1], [0, 0, 1, 1], [], []>, transpose_lhs_hint = false} : vector<2000x256xf32>, vector<256x128xf32>, vector<2000x128xf32> -> vector<2000x128xf32>
    %get3A_95 = arith.constant 0 : index
    %get3A_96 = arith.constant 0 : index
    %get3A_97 = vector.load %arg3[%get3A_95, %get3A_96] : memref<2000x128xf32, #tpu.memory_space<vmem>>, vector<2000x128xf32>
    %add3A_98 = arith.addf %get3A_97, %dot_general3A_94 : vector<2000x128xf32>
    %get3A_99 = arith.constant 0 : index
    %get3A_100 = arith.constant 0 : index
    %get3A_101 = vector.load %arg11[%get3A_99, %get3A_100] : memref<1x128xf32, #tpu.memory_space<vmem>>, vector<1x128xf32>
    %add3A_102 = vector.broadcast %get3A_101 : vector<1x128xf32> to vector<2000x128xf32>
    %add3A_103 = arith.addf %add3A_98, %add3A_102 : vector<2000x128xf32>
    %get3A_104 = arith.constant 0 : index
    %get3A_105 = arith.constant 0 : index
    %get3A_106 = vector.load %arg12[%get3A_104, %get3A_105] : memref<1x128xf32, #tpu.memory_space<vmem>>, vector<1x128xf32>
    %get3A_107 = arith.constant 0 : index
    %get3A_108 = arith.constant 0 : index
    %get3A_109 = vector.load %arg13[%get3A_107, %get3A_108] : memref<1x128xf32, #tpu.memory_space<vmem>>, vector<1x128xf32>
    %reduce_sum3A_110 = arith.constant dense<0.000000e+00> : vector<2000xf32>
    %reduce_sum3A_111 = vector.multi_reduction <add>, %add3A_103, %reduce_sum3A_110 [1] : vector<2000x128xf32> to vector<2000xf32>
    %broadcast_in_dim3A_112 = vector.shape_cast %reduce_sum3A_111 : vector<2000xf32> to vector<2000x1xf32>
    %div3A_113 = arith.constant 1.280000e+02 : f32
    %div3A_114 = vector.broadcast %div3A_113 : f32 to vector<2000x1xf32>
    %div3A_115 = arith.divf %broadcast_in_dim3A_112, %div3A_114 : vector<2000x1xf32>
    %sub3A_116 = vector.broadcast %div3A_115 : vector<2000x1xf32> to vector<2000x128xf32>
    %sub3A_117 = arith.subf %add3A_103, %sub3A_116 : vector<2000x128xf32>
    %sub3A_118 = vector.broadcast %div3A_115 : vector<2000x1xf32> to vector<2000x128xf32>
    %sub3A_119 = arith.subf %add3A_103, %sub3A_118 : vector<2000x128xf32>
    %mul3A_120 = arith.mulf %sub3A_117, %sub3A_119 : vector<2000x128xf32>
    %reduce_sum3A_121 = arith.constant dense<0.000000e+00> : vector<2000xf32>
    %reduce_sum3A_122 = vector.multi_reduction <add>, %mul3A_120, %reduce_sum3A_121 [1] : vector<2000x128xf32> to vector<2000xf32>
    %broadcast_in_dim3A_123 = vector.shape_cast %reduce_sum3A_122 : vector<2000xf32> to vector<2000x1xf32>
    %div3A_124 = arith.constant 1.280000e+02 : f32
    %div3A_125 = vector.broadcast %div3A_124 : f32 to vector<2000x1xf32>
    %div3A_126 = arith.divf %broadcast_in_dim3A_123, %div3A_125 : vector<2000x1xf32>
    %sub3A_127 = vector.broadcast %div3A_115 : vector<2000x1xf32> to vector<2000x128xf32>
    %sub3A_128 = arith.subf %add3A_103, %sub3A_127 : vector<2000x128xf32>
    %add3A_129 = arith.constant 9.99999974E-6 : f32
    %add3A_130 = vector.broadcast %add3A_129 : f32 to vector<2000x1xf32>
    %add3A_131 = arith.addf %div3A_126, %add3A_130 : vector<2000x1xf32>
    %rsqrt3A_132 = math.rsqrt %add3A_131 : vector<2000x1xf32>
    %mul3A_133 = vector.broadcast %rsqrt3A_132 : vector<2000x1xf32> to vector<2000x128xf32>
    %mul3A_134 = arith.mulf %sub3A_128, %mul3A_133 : vector<2000x128xf32>
    %mul3A_135 = vector.broadcast %get3A_106 : vector<1x128xf32> to vector<2000x128xf32>
    %mul3A_136 = arith.mulf %mul3A_134, %mul3A_135 : vector<2000x128xf32>
    %add3A_137 = vector.broadcast %get3A_109 : vector<1x128xf32> to vector<2000x128xf32>
    %add3A_138 = arith.addf %mul3A_136, %add3A_137 : vector<2000x128xf32>
    %max3A_139 = arith.constant 0.000000e+00 : f32
    %max3A_140 = vector.broadcast %max3A_139 : f32 to vector<2000x128xf32>
    %max3A_141 = arith.maximumf %add3A_138, %max3A_140 : vector<2000x128xf32>
    %swap3A = arith.constant 0 : index
    %swap3A_142 = arith.constant 0 : index
    %swap3A_143 = vector.load %arg16[%swap3A, %swap3A_142] : memref<2000x128xf32, #tpu.memory_space<vmem>>, vector<2000x128xf32>
    tpu.vector_store %arg16[%swap3A, %swap3A_142], %max3A_141 {strides = array<i32>} : memref<2000x128xf32, #tpu.memory_space<vmem>>, vector<2000x128xf32>,
    %get3A_144 = arith.constant 0 : index
    %get3A_145 = arith.constant 0 : index
    %get3A_146 = vector.load %arg14[%get3A_144, %get3A_145] : memref<128x128xf32, #tpu.memory_space<vmem>>, vector<128x128xf32>
    %dot_general3A_147 = arith.constant dense<0.000000e+00> : vector<2000x128xf32>
    %dot_general3A_148 = tpu.matmul %max3A_141, %get3A_146, %dot_general3A_147 {dimension_numbers = #tpu.dot_dimension_numbers<[1], [0], [0], [1], [0, 0, 1, 1], [], []>, transpose_lhs_hint = false} : vector<2000x128xf32>, vector<128x128xf32>, vector<2000x128xf32> -> vector<2000x128xf32>
    %get3A_149 = arith.constant 0 : index
    %get3A_150 = arith.constant 0 : index
    %get3A_151 = vector.load %arg15[%get3A_149, %get3A_150] : memref<1x128xf32, #tpu.memory_space<vmem>>, vector<1x128xf32>
    %add3A_152 = vector.broadcast %get3A_151 : vector<1x128xf32> to vector<2000x128xf32>
    %add3A_153 = arith.addf %dot_general3A_148, %add3A_152 : vector<2000x128xf32>
    %swap3A_154 = arith.constant 0 : index
    %swap3A_155 = arith.constant 0 : index
    %swap3A_156 = vector.load %arg17[%swap3A_154, %swap3A_155] : memref<2000x128xf32, #tpu.memory_space<vmem>>, vector<2000x128xf32>
    tpu.vector_store %arg17[%swap3A_154, %swap3A_155], %add3A_153 {strides = array<i32>} : memref<2000x128xf32, #tpu.memory_space<vmem>>, vector<2000x128xf32>,
    return
  }
  func.func @transform_0(%arg0: i32) -> (i32, i32) {
    %c0_i32 = arith.constant 0 : i32
    %c0_i32_0 = arith.constant 0 : i32
    return %arg0, %c0_i32 : i32, i32
  }
  func.func @transform_1(%arg0: i32) -> (i32, i32) {
    %c0_i32 = arith.constant 0 : i32
    %c0_i32_0 = arith.constant 0 : i32
    return %arg0, %c0_i32 : i32, i32
  }
  func.func @transform_2(%arg0: i32) -> (i32, i32) {
    %c0_i32 = arith.constant 0 : i32
    %c0_i32_0 = arith.constant 0 : i32
    return %arg0, %c0_i32 : i32, i32
  }
  func.func @transform_3(%arg0: i32) -> (i32, i32) {
    %c0_i32 = arith.constant 0 : i32
    %c0_i32_0 = arith.constant 0 : i32
    %c0_i32_1 = arith.constant 0 : i32
    return %c0_i32, %c0_i32_0 : i32, i32
  }
  func.func @transform_4(%arg0: i32) -> (i32, i32) {
    %c0_i32 = arith.constant 0 : i32
    %c0_i32_0 = arith.constant 0 : i32
    %c0_i32_1 = arith.constant 0 : i32
    return %c0_i32, %c0_i32_0 : i32, i32
  }
  func.func @transform_5(%arg0: i32) -> (i32, i32) {
    %c0_i32 = arith.constant 0 : i32
    %c0_i32_0 = arith.constant 0 : i32
    %c0_i32_1 = arith.constant 0 : i32
    return %c0_i32, %c0_i32_0 : i32, i32
  }
  func.func @transform_6(%arg0: i32) -> (i32, i32) {
    %c0_i32 = arith.constant 0 : i32
    %c0_i32_0 = arith.constant 0 : i32
    %c0_i32_1 = arith.constant 0 : i32
    return %c0_i32, %c0_i32_0 : i32, i32
  }
  func.func @transform_7(%arg0: i32) -> (i32, i32) {
    %c0_i32 = arith.constant 0 : i32
    %c0_i32_0 = arith.constant 0 : i32
    %c0_i32_1 = arith.constant 0 : i32
    return %c0_i32, %c0_i32_0 : i32, i32
  }
  func.func @transform_8(%arg0: i32) -> (i32, i32) {
    %c0_i32 = arith.constant 0 : i32
    %c0_i32_0 = arith.constant 0 : i32
    %c0_i32_1 = arith.constant 0 : i32
    return %c0_i32, %c0_i32_0 : i32, i32
  }
  func.func @transform_9(%arg0: i32) -> (i32, i32) {
    %c0_i32 = arith.constant 0 : i32
    %c0_i32_0 = arith.constant 0 : i32
    %c0_i32_1 = arith.constant 0 : i32
    return %c0_i32, %c0_i32_0 : i32, i32
  }
  func.func @transform_10(%arg0: i32) -> (i32, i32) {
    %c0_i32 = arith.constant 0 : i32
    %c0_i32_0 = arith.constant 0 : i32
    %c0_i32_1 = arith.constant 0 : i32
    return %c0_i32, %c0_i32_0 : i32, i32
  }
  func.func @transform_11(%arg0: i32) -> (i32, i32) {
    %c0_i32 = arith.constant 0 : i32
    %c0_i32_0 = arith.constant 0 : i32
    %c0_i32_1 = arith.constant 0 : i32
    return %c0_i32, %c0_i32_0 : i32, i32
  }
  func.func @transform_12(%arg0: i32) -> (i32, i32) {
    %c0_i32 = arith.constant 0 : i32
    %c0_i32_0 = arith.constant 0 : i32
    %c0_i32_1 = arith.constant 0 : i32
    return %c0_i32, %c0_i32_0 : i32, i32
  }
  func.func @transform_13(%arg0: i32) -> (i32, i32) {
    %c0_i32 = arith.constant 0 : i32
    %c0_i32_0 = arith.constant 0 : i32
    %c0_i32_1 = arith.constant 0 : i32
    return %c0_i32, %c0_i32_0 : i32, i32
  }
  func.func @transform_14(%arg0: i32) -> (i32, i32) {
    %c0_i32 = arith.constant 0 : i32
    %c0_i32_0 = arith.constant 0 : i32
    %c0_i32_1 = arith.constant 0 : i32
    return %c0_i32, %c0_i32_0 : i32, i32
  }
  func.func @transform_15(%arg0: i32) -> (i32, i32) {
    %c0_i32 = arith.constant 0 : i32
    %c0_i32_0 = arith.constant 0 : i32
    return %arg0, %c0_i32 : i32, i32
  }
  func.func @transform_16(%arg0: i32) -> (i32, i32) {
    %c0_i32 = arith.constant 0 : i32
    %c0_i32_0 = arith.constant 0 : i32
    return %arg0, %c0_i32 : i32, i32
  }
}

</mosaic_0001>

<sc_bundles>
// kernel: kernel.10.cloned.1.call-start
scs
__scs_entry_jumppad:
0x0: {  	(pc) =	sbr.rel $0x88, $3  }
0x1: {  	(tag) =	ssettag $0x0;
	lr =	simm.s32 $0x1  }
0x2: {  	[smem:$0x3F89] =	sst lr;
	_ =	strace $0xD0000000  }
0x3: {  	_ = 	snop  }
0x4: {  	_ = 	snop  }
0x5: {  	_ = 	snop  }
0x6: {  	_ = 	snop  }
0x7: {  	_ = 	snop  }
__scs_overlays_trampoline_lowered:
0x8: {  	[smem:$0x3F98] =	sst s0  }
0x9: {  	[smem:$0x3F99] =	sst s1  }
0xa: {  	[smem:$0x3F9A] =	sst s2  }
0xb: {  	[smem:$0x3F9B] =	sst s3  }
0xc: {  	[smem:$0x3F9C] =	sst s4  }
0xd: {  	[smem:$0x3F9D] =	sst s5  }
0xe: {  	[smem:$0x3F9E] =	sst s6  }
0xf: {  	[smem:$0x3F9F] =	sst s7  }
0x10: {  	[smem:$0x3FA0] =	sst s8  }
0x11: {  	[smem:$0x3FA1] =	sst s9;
	s0 =	simm.s32 @!p0 $0x0  }
0x12: {  	s1 =	sld [smem:$0x3F87];
	s0 =	simm.s32 @p0 $0x1  }
0x13: {  	[smem:$0x3FA2] =	sst s0;
	s0 =	simm.s32 @!p1 $0x0  }
0x14: {  	s2 =	sld [smem:$0x3F86];
	s0 =	simm.s32 @p1 $0x1  }
0x15: {  	[smem:$0x3FA3] =	sst s0;
	s0 =	simm.s32 @!p2 $0x0  }
0x16: {  	s3 =	sld [smem:$0x3FDB];
	s0 =	simm.s32 @p2 $0x1  }
0x17: {  	s4 =	simm.s32 $0x1BF5;
	[smem:$0x3FA5] =	sst s0  }
0x18: {  	s0 =	sld [smem:$0x3F88];
	_ =	swait.ge [sflag:s4], $0x0  }
0x19: {  	s7 =	sld [smem:$0x3F89]  }
0x1a: {  	s8 =	sadd.s32 $0xFFFFE003, lr  }
0x1b: {  	s9 =	sadd.s32 $0xFFFFFEF7, lr;
	s5 =	simm.s32 $0xFFFFFFFF;
	p2 =	slt.u32 s8, $0xFFFFF086  }
0x1c: {  	p1 =	slt.u32 s9, $0xF7A;
	s5 =	simm.s32 @!p2 $0x0  }
0x1d: {  	s5 =	simm.s32 @p1 $0x1;
	p0 =	seq.s32 s7, s2  }
0x1e: {  	s7 =	smul.u32 @!p0 $0xF7A, s2;
	p2 =	seq.s32 @!p0 s5, $0x0  }
0x1f: {  	s9 =	smul.u32 $0xF7A, s1;
	s8 =	simm.s32 @!p0 $0x1BF5;
	p2 =	por !p2, p0  }
0x20: {  	[sflag:s8] =	ssyncset.s32 @!p0 $0xFFFFF086;
	s6 =	sadd.s32 @!p0 s3, s7;
	s7 =	simm.s32 @!p0 $0x108  }
0x21: {  	s3 =	sadd.s32 s3, s9;
	s6 =	sadd.s32 @!p0 $0x88, s6;
	s7 =	simm.s32 @p2 $0x1082  }
0x22: {  	[simem:s7], [sflag:s8] =	dma.local @!p0 [hbm:s6], $0xF7A  }
0x23: {  	s9 =	sor.u32 $0xD0000000, s2;
	s6 =	simm.s32 $0x108;
	_ =	swait.ge @!p0 [sflag:s8], $0x0  }
0x24: {  	s3 =	sadd.s32 $0x88, s3;
	s6 =	simm.s32 @!p1 $0x1082;
	[sflag:s4] =	ssyncset.s32 $0xFFFFF086  }
0x25: {  	[simem:s6], [sflag:s4] =	dma.local [hbm:s3], $0xF7A  }
0x26: {  	[smem:$0x3F89] =	sst s1;
	(tag) =	ssettag s2;
	_ =	strace s9  }
0x27: {  	s1 =	sld [smem:$0x3F99]  }
0x28: {  	s2 =	sld [smem:$0x3F9A]  }
0x29: {  	s4 =	sld [smem:$0x3F9C]  }
0x2a: {  	p0 =	seq.s32 s5, $0x0;
	s5 =	sld [smem:$0x3F9D]  }
0x2b: {  	s6 =	sld [smem:$0x3F9E]  }
0x2c: {  	s7 =	sld [smem:$0x3F9F]  }
0x2d: {  	s3 =	simm.s32 $0x108;
	s8 =	sld [smem:$0x3FA0]  }
0x2e: {  	s3 =	simm.s32 @!p0 $0x1082;
	s9 =	sld [smem:$0x3FA1]  }
0x2f: {  	lr =	sadd.s32 s0, s3;
	s0 =	sld [smem:$0x3F98]  }
0x30: {  	s3 =	sld [smem:$0x3F9B]  }
0x31: {  	[smem:$0x3FA4] =	sst s10  }
0x32: {  	s10 =	sld [smem:$0x3FA2];
	_ =	sdelay $0x3  }
0x33: {  	p0 =	seq.s32 s10, $0x1;
	s10 =	sld [smem:$0x3FA4];
	_ =	sdelay $0x3  }
0x34: {  	[smem:$0x3FA4] =	sst s10  }
0x35: {  	s10 =	sld [smem:$0x3FA3];
	_ =	sdelay $0x3  }
0x36: {  	p1 =	seq.s32 s10, $0x1;
	s10 =	sld [smem:$0x3FA4];
	_ =	sdelay $0x3  }
0x37: {  	[smem:$0x3FA4] =	sst s10  }
0x38: {  	s10 =	sld [smem:$0x3FA5]  }
0x39: {  	_ = 	snop;
	(pc) =	sbr.ind lr, $3  }
0x3a: {  	_ = 	snop  }
0x3b: {  	_ = 	snop  }
0x3c: {  	p2 =	seq.s32 s10, $0x1;
	s10 =	sld [smem:$0x3FA4]  }
0x3d: {  	_ =	shalt  }
0x3e: {  	_ =	shalt  }
0x3f: {  	_ =	shalt  }
0x40: {  	_ =	shalt  }
0x41: {  	_ =	shalt  }
0x42: {  	_ =	shalt  }
0x43: {  	_ =	shalt  }
0x44: {  	_ =	shalt  }
0x45: {  	_ =	shalt  }
0x46: {  	_ =	shalt  }
0x47: {  	_ =	shalt  }
0x48: {  	_ =	shalt  }
0x49: {  	_ =	shalt  }
0x4a: {  	_ =	shalt  }
0x4b: {  	_ =	shalt  }
0x4c: {  	_ =	shalt  }
0x4d: {  	_ =	shalt  }
0x4e: {  	_ =	shalt  }
0x4f: {  	_ =	shalt  }
0x50: {  	_ =	shalt  }
0x51: {  	_ =	shalt  }
0x52: {  	_ =	shalt  }
0x53: {  	_ =	shalt  }
0x54: {  	_ =	shalt  }
0x55: {  	_ =	shalt  }
0x56: {  	_ =	shalt  }
0x57: {  	_ =	shalt  }
0x58: {  	_ =	shalt  }
0x59: {  	_ =	shalt  }
0x5a: {  	_ =	shalt  }
0x5b: {  	_ =	shalt  }
0x5c: {  	_ =	shalt  }
0x5d: {  	_ =	shalt  }
0x5e: {  	_ =	shalt  }
0x5f: {  	_ =	shalt  }
0x60: {  	_ =	shalt  }
0x61: {  	_ =	shalt  }
0x62: {  	_ =	shalt  }
0x63: {  	_ =	shalt  }
0x64: {  	_ =	shalt  }
0x65: {  	_ =	shalt  }
0x66: {  	_ =	shalt  }
0x67: {  	_ =	shalt  }
0x68: {  	_ =	shalt  }
0x69: {  	_ =	shalt  }
0x6a: {  	_ =	shalt  }
0x6b: {  	_ =	shalt  }
0x6c: {  	_ =	shalt  }
0x6d: {  	_ =	shalt  }
0x6e: {  	_ =	shalt  }
0x6f: {  	_ =	shalt  }
0x70: {  	_ =	shalt  }
0x71: {  	_ =	shalt  }
0x72: {  	_ =	shalt  }
0x73: {  	_ =	shalt  }
0x74: {  	_ =	shalt  }
0x75: {  	_ =	shalt  }
0x76: {  	_ =	shalt  }
0x77: {  	_ =	shalt  }
0x78: {  	_ =	shalt  }
0x79: {  	_ =	shalt  }
0x7a: {  	_ =	shalt  }
0x7b: {  	_ =	shalt  }
0x7c: {  	_ =	shalt  }
0x7d: {  	_ =	shalt  }
0x7e: {  	_ =	shalt  }
0x7f: {  	_ =	shalt  }
0x80: {  	_ =	shalt  }
0x81: {  	_ =	shalt  }
0x82: {  	_ =	shalt  }
0x83: {  	_ =	shalt  }
0x84: {  	_ =	shalt  }
0x85: {  	_ =	shalt  }
0x86: {  	_ =	shalt  }
0x87: {  	_ =	shalt  }
.Lfunc_end0:
.L_simem_size_0:
called_computation.1_lowered:
.L_overlay_start_0:
0x88: {  	s2 =	sld [smem:$0x3FD9]  }
0x89: {  	s3 =	sld [smem:$0x3FFE];
	_ =	sdelay $0x1  }
0x8a: {  	s1 =	srdreg.scid  }
0x8b: {  	s0 =	sand.u32 $0x1, s1  }
0x8c: {  	s14 =	sshll.u32 s0, $0xA;
	s2 =	sadd.s32 s3, s2  }
0x8d: {  	s2 =	sadd.s32 s2, s14  }
0x8e: {  	[smem:$0x3FB0] =	sst s2  }
0x8f: {  	_ = 	snop  }
0x90: {  	s2 =	sld [smem:$0x3FD0];
	_ =	sdelay $0x2  }
0x91: {  	s15 =	simm.s32 $0xA;
	s4 =	simm.s32 $0x10  }
0x92: {  	[smem:s4], [sflag:s15] =	dma.local [hbm:s2], $0x1  }
0x93: {  	_ =	swait.eq [sflag:s15], $0x1  }
0x94: {  	[sflag:s15] =	ssyncset.done $0x0  }
0x95: {  	s16 =	sld [smem:$0x10];
	[sflag:s15] =	ssyncadd.s32 $0xFFFFFFFF  }
0x96: {  	s17 =	sld [smem:$0x11];
	(tm) =	ssettm $0x1  }
0x97: {  	s18 =	sld [smem:$0x3FFB];
	_ =	sdelay $0x3  }
0x98: {  	_ =	strace s18  }
0x99: {  	s4 =	sld [smem:$0x3FFC];
	_ =	sdelay $0x3  }
0x9a: {  	_ =	strace s4  }
0x9b: {  	s4 =	sld [smem:$0x3FFD];
	_ =	sdelay $0x3  }
0x9c: {  	_ =	strace s4  }
0x9d: {  	_ =	strace $0x8FFFFFFF  }
0x9e: {  	s19 =	sld [smem:$0x3FDB];
	_ =	sdelay $0x1  }
0x9f: {  	s5 =	simm.s32 $_scs_section_size  }
0xa0: {  	s6 =	simm.s32 $_size__tile_overlayer_lowered;
	s7 =	simm.s32 $_tile_overlayer_lowered  }
0xa1: {  	s22 =	simm.s32 $0x1BFF;
	s21 =	sshll.u32 s7, $0x1;
	s4 =	sadd.s32 s5, s19  }
0xa2: {  	s8 =	simm.s32 $0x0;
	s20 =	sshll.u32 s6, $0x1;
	s6 =	sadd.s32 s21, s4  }
0xa3: {  	[timem:s8], [sflag:s22] =	dma.local [hbm:s6], s20  }
0xa4: {  	_ =	swait.ge [sflag:s22], s20  }
0xa5: {  	s5 =	ssub.s32 $0x0, s20;
	[sflag:s22] =	ssyncset.done $0x0  }
0xa6: {  	[sflag:s22] =	ssyncadd.s32 s5;
	_ =	sdelay $0x1  }
0xa7: {  	s23 =	simm.s32 $0x1B8B  }
0xa8: {  	_ =	swait.ge [sflag:s23], $0x1  }
0xa9: {  	[sflag:s23] =	ssyncset.done $0x0  }
0xaa: {  	s25 =	simm.s32 $0x1B8E;
	s24 =	sld [smem:$0x3FFE];
	[sflag:s23] =	ssyncadd.s32 $0xFFFFFFFF  }
0xab: {  	s26 =	simm.s32 $execute0_lowered;
	[smem:$0x3FD2] =	sst s25  }
0xac: {  	s6 =	sshll.u32 s26, $0x1;
	_ =	strace $0x80000049;
	[dreg:$0x1] =	wrdreg $0xFFFFFFFF  }
0xad: {  	s28 =	simm.s32 $_size_execute0_lowered;
	s4 =	sadd.s32 s4, s6;
	[dreg:$0x0] =	wrdreg $0x0  }
0xae: {  	s6 =	sshll.u32 s28, $0x1;
	[dreg:$0x2] =	wrdreg s4  }
0xaf: {  	[dreg:$0x3] =	wrdreg s6  }
0xb0: {  	[dreg:$0x4] =	wrdreg $0xC0  }
0xb1: {  	_ =	task [dreg:s8], $0x5FFFF  }
0xb2: {  	[dreg:$0x1] =	wrdreg $0xFFFFFFFF  }
0xb3: {  	[dreg:$0x0] =	wrdreg $0x60  }
0xb4: {  	[dreg:$0x2] =	wrdreg s17  }
0xb5: {  	[dreg:$0x3] =	wrdreg s16  }
0xb6: {  	[dreg:$0x4] =	wrdreg s24  }
0xb7: {  	[dreg:$0x5] =	wrdreg $0xC0000  }
0xb8: {  	[dreg:$0x6] =	wrdreg $0x9  }
0xb9: {  	_ =	task.clear_ibuf [dreg:s8], $0x7FFFF;
	_ =	strace $0x90000049  }
0xba: {  	s29 =	simm.s32 $0x9;
	_ =	strace $0x8000004B  }
0xbb: {  	_ =	swait.ge [sflag:s29], $0x1  }
0xbc: {  	[sflag:s29] =	ssyncadd.s32 $0xFFFFFFFF  }
0xbd: {  	_ =	strace $0x9000004B  }
0xbe: {  	_ =	sfence  }
0xbf: {  	s30 =	sld [smem:$0x0];
	_ =	sdelay $0x2  }
0xc0: {  	s31 =	sshll.u32 s1, $0xD;
	s1 =	sshrl.u32 s1, $0x2  }
0xc1: {  	s3 =	sand.u32 $0x4000, s31;
	s1 =	sadd.s32 s1, s30  }
0xc2: {  	s0 =	sor.u32 s3, s0;
	s1 =	sshll.u32 s1, $0x11  }
0xc3: {  	s0 =	sor.u32 s1, s0  }
0xc4: {  	s0 =	sadd.s32 $0x8F2B, s0  }
0xc5: {  	[sflag:s0] =	ssyncadd.remote.s32 $0x1  }
0xc6: {  	_ =	sfence.sel $0xFFFF  }
0xc7: {  	[dreg:$0x0] =	wrdreg $0xFFFFFFFF;
	(pc) =	sbr.abs _section_cstart, $3  }
0xc8: {  	[dreg:$0x1] =	wrdreg $0xFFFFFFFF  }
0xc9: {  	_ =	task.clear_ibuf [dreg:s8], $0x2FFFF;
	_ =	strace $0x9FFFFFFF  }
0xca: {  	(tm) =	ssettm $0x7FFFFFFF  }
0xcb: {  	_ =	shalt  }
tec
execute0_lowered:
.L_overlay_start_1:
0x0: {  	(tag) =	ssettag $0x1  }
0x1: {  	s1 =	rddreg [dreg:$0x0]  }
0x2: {  	s2 =	rddreg [dreg:$0x1]  }
0x3: {  	s0 =	rddreg [dreg:$0x2]  }
0x4: {  	s4 =	rddreg [dreg:$0x3];
	s3 =	simm.s32 $0x0  }
0x5: {  	s6 =	stileid.u32;
	s21 =	srdreg.scid;
	s19 =	simm.s32 $0x8  }
0x6: {  	s28 =	simm.s32 $0x7;
	s29 =	simm.s32 $0x1;
	s30 =	simm.s32 $0xA400  }
0x7: {  	s31 =	simm.s32 $0x2;
	s20 =	simm.s32 $0x0;
	s5 =	smul.u32 $0x2800, s6  }
0x8: {  	[smem:$0x7FF] =	sst s3;
	s7 =	sadd.s32 $0x1D800, s0;
	s10 =	smul.u32 $0x50000, s6  }
0x9: {  	s8 =	sadd.s32 $0x4800, s0;
	s3 =	sand.u32 $0x1, s21;
	s11 =	smul.u32 $0x190, s6  }
0xa: {  	s9 =	sadd.s32 $0x5E800, s0;
	s25 =	smul.u32 $0x1900, s6;
	s13 =	sshll.u32 s6, $0x6  }
0xb: {  	s21 =	simm.s32 $0x32;
	_ =	strace $0x8000004A;
	[dreg:$0x6] =	wrdreg s9  }
0xc: {  	s22 =	ssub.s32 $0x2, s3;
	s26 =	sor.u32 $0x1C07, s13;
	p0 =	sne.s32 s3, $0x0  }
0xd: {  	s3 =	simm.s32 $0x4;
	[dreg:$0x5] =	wrdreg s5;
	s5 =	sadd.s32 s5, s0  }
0xe: {  	s0 =	sadd.s32 $0x86800, s0;
	s23 =	sshrl.u32 s22, $0x1;
	s24 =	sshrl.u32 s10, $0x2  }
.Ltmp0:
0xf: {  	[dreg:$0x9] =	wrdreg s26;
	s15 =	sadd.s32 s7, s25;
	(pc) =	sbr.rel .LBB2_1-.Ltmp0, $4  }
0x10: {  	s16 =	sadd.s32 s8, s25;
	s26 =	simm.s32 $0x8800;
	[dreg:$0x7] =	wrdreg s0  }
0x11: {  	s0 =	ssub.s32 s22, s23;
	s9 =	sadd.s32 s24, s4;
	s5 =	sadd.s32 $0x36800, s5  }
0x12: {  	s22 =	simm.s32 $0x5000;
	s24 =	simm.s32 $0x6C00;
	[dreg:$0x8] =	wrdreg s5  }
0x13: {  	s17 =	smax.u32 s0, $0x1;
	s18 =	sshrl.u32 s9, $0x3;
	s0 =	simm.s32 $0x3  }
.LBB2_9:
0x14: {  	s20 =	sadd.s32 $0x1, s20  }
0x15: {  	s6 =	rddreg [dreg:$0x5];
	[bflag:$0x0] =	sbarrier.arrive $0xFFFF;
	p1 =	sne.s32 s20, s17  }
.Ltmp1:
0x16: {  	s25 =	sor.u32 $0x1C08, s13;
	s5 =	sadd.s32 s5, s6;
	(pc) =	sbr.rel @!p1 .LBB2_10-.Ltmp1, $4  }
0x17: {  	[hbm:s5], [sflag:s25] =	dma.local [spmem:s18], $0x2800  }
0x18: {  	_ =	swait.ge [sflag:s19], $0x2800  }
0x19: {  	[sflag:s19] =	ssyncset.done $0x0  }
0x1a: {  	[sflag:s19] =	ssyncadd.s32 $0xFFFFD800  }
.LBB2_1:
0x1b: {  	s5 =	rddreg [dreg:$0x8]  }
0x1c: {  	s6 =	rddreg [dreg:$0x9];
	s23 =	simm.s32 $0x0  }
0x1d: {  	[spmem:s18], [sflag:s6] =	dma.local [hbm:s5], $0x2800  }
0x1e: {  	[tilespmem:s23], [sflag:$0x8] =	stream.linear.gather [hbm4b:s15+s23], $0x1400, $0x38;
	v63 =	vld [tilespmem:$0x0]  }
0x1f: {  	_ =	swait.ge [sflag:s19], $0x1400  }
0x20: {  	[sflag:s19] =	ssyncset.done $0x0  }
.Ltmp2:
0x21: {  	s25 =	simm.s32 $0x2800;
	[sflag:s19] =	ssyncadd.s32 $0xFFFFEC00;
	(pc) =	sbr.rel @p0 .LBB2_11-.Ltmp2, $4  }
0x22: {  	[tilespmem:s25], [sflag:$0x8] =	stream.linear.gather [hbm4b:s16+s23], $0x1400, $0x38;
	v63 =	vld [tilespmem:$0x0]  }
0x23: {  	_ =	swait.ge [sflag:s19], $0x1400  }
0x24: {  	[sflag:s19] =	ssyncset.done $0x0  }
0x25: {  	s9 =	simm.s32 $0x0;
	[sflag:s19] =	ssyncadd.s32 $0xFFFFEC00  }
0x26: {  	[tilespmem:s22], [sflag:$0x1] =	stream.indirect.gather [hbm4b:s1+s21], $0x80, s9, s21, $0xb8;
	v63 =	vld [tilespmem:$0x0]  }
0x27: {  	s5 =	simm.s32 $0x80  }
0x28: {  	[tilespmem:s24], [sflag:$0x2] =	stream.indirect.gather [hbm4b:s1+s21], $0x80, s5, s21, $0xb8;
	v63 =	vld [tilespmem:$0x0]  }
0x29: {  	s25 =	simm.s32 $0x100  }
0x2a: {  	[tilespmem:s26], [sflag:$0x3] =	stream.indirect.gather [hbm4b:s1+s21], $0x80, s25, s21, $0xb8;
	v63 =	vld [tilespmem:$0x0]  }
0x2b: {  	_ =	swait.ge [sflag:s28], $0x2800  }
0x2c: {  	[sflag:s28] =	ssyncset.done $0x0  }
0x2d: {  	[sflag:s28] =	ssyncadd.s32 $0xFFFFD800  }
0x2e: {  	[bflag:$0x0] =	sbarrier.arrive $0xFFFF  }
.LBB2_3:
0x2f: {  	s5 =	smov.u32 s9  }
0x30: {  	s9 =	sadd.s32 $0x1, s9;
	p1 =	seq.s32 s5, $0x9  }
0x31: {  	s6 =	smul.u32 @!p1 $0x28, s9;
	_ =	sdelay $0x1  }
0x32: {  	s5 =	sand.u32 $0x1, s5;
	s25 =	sand.u32 $0x1, s9;
	s6 =	sadd.s32 @!p1 s11, s6  }
0x33: {  	p2 =	seq.s32 s5, $0x1;
	s5 =	smul.u32 @!p1 $0x1400, s25;
	s6 =	sshll.u32 @!p1 s6, $0x4  }
0x34: {  	s10 =	simm.s32 $0x28;
	s12 =	simm.s32 @!p1 $0x0;
	s23 =	sadd.s32 @!p1 s7, s6  }
0x35: {  	[tilespmem:s5], [sflag:$0x5] =	stream.linear.gather @!p1 [hbm4b:s23+s12], $0x1400, $0x38;
	v63 =	vld [tilespmem:$0x0]  }
0x36: {  	s10 =	simm.s32 @!p2 $0x0;
	s6 =	sadd.s32 @!p1 s8, s6;
	s5 =	sadd.s32 @!p1 $0x2800, s5  }
0x37: {  	[tilespmem:s5], [sflag:$0x6] =	stream.linear.gather @!p1 [hbm4b:s6+s12], $0x1400, $0x38;
	v63 =	vld [tilespmem:$0x0]  }
0x38: {  	s23 =	sshll.u32 s10, $0x7;
	_ =	swait.ge [sflag:s29], $0x1900  }
0x39: {  	s5 =	sadd.s32 $0x0, s23;
	[sflag:s29] =	ssyncset.done $0x0  }
0x3a: {  	s10 =	sadd.s32 $0x2800, s23;
	s12 =	sadd.s32 $0x180, s5;
	[sflag:s29] =	ssyncadd.s32 $0xFFFFE700  }
0x3b: {  	[tilespmem:s30], [sflag:$0x4] =	stream.indirect.gather [hbm4b:s1+s21], $0x80, s12, s21, $0xb8;
	v63 =	vld [tilespmem:$0x0]  }
0x3c: {  	s6 =	sadd.s32 $0x0, s10  }
0x3d: {  	[spmem:s4] =	stream.indirect.scatter.add.f32 [tilespmem:s22], [sflag:$0x8], $0x80, s6, s21, $0xb8;
	v63 =	vld [tilespmem:$0x0]  }
0x3e: {  	_ =	swait.ge [sflag:s19], $0x1900  }
0x3f: {  	[sflag:s19] =	ssyncset.done $0x0  }
0x40: {  	[sflag:s19] =	ssyncadd.s32 $0xFFFFE700  }
0x41: {  	_ =	swait.ge [sflag:s31], $0x1900  }
0x42: {  	[sflag:s31] =	ssyncset.done $0x0  }
0x43: {  	s14 =	sadd.s32 $0x200, s5;
	[sflag:s31] =	ssyncadd.s32 $0xFFFFE700  }
0x44: {  	[tilespmem:s22], [sflag:$0x1] =	stream.indirect.gather [hbm4b:s1+s21], $0x80, s14, s21, $0xb8;
	v63 =	vld [tilespmem:$0x0]  }
0x45: {  	s14 =	sadd.s32 $0x80, s6  }
0x46: {  	[spmem:s4] =	stream.indirect.scatter.add.f32 [tilespmem:s24], [sflag:$0x8], $0x80, s14, s21, $0xb8;
	v63 =	vld [tilespmem:$0x0]  }
0x47: {  	_ =	swait.ge [sflag:s19], $0x1900  }
0x48: {  	[sflag:s19] =	ssyncset.done $0x0  }
0x49: {  	[sflag:s19] =	ssyncadd.s32 $0xFFFFE700  }
0x4a: {  	_ =	swait.ge [sflag:s0], $0x1900  }
0x4b: {  	[sflag:s0] =	ssyncset.done $0x0  }
0x4c: {  	s14 =	sadd.s32 $0x280, s5;
	[sflag:s0] =	ssyncadd.s32 $0xFFFFE700  }
0x4d: {  	[tilespmem:s24], [sflag:$0x2] =	stream.indirect.gather [hbm4b:s1+s21], $0x80, s14, s21, $0xb8;
	v63 =	vld [tilespmem:$0x0]  }
0x4e: {  	s14 =	sadd.s32 $0x100, s6  }
0x4f: {  	[spmem:s4] =	stream.indirect.scatter.add.f32 [tilespmem:s26], [sflag:$0x8], $0x80, s14, s21, $0xb8;
	v63 =	vld [tilespmem:$0x0]  }
0x50: {  	_ =	swait.ge [sflag:s19], $0x1900  }
0x51: {  	[sflag:s19] =	ssyncset.done $0x0  }
0x52: {  	[sflag:s19] =	ssyncadd.s32 $0xFFFFE700  }
0x53: {  	_ =	swait.ge [sflag:s3], $0x1900  }
0x54: {  	[sflag:s3] =	ssyncset.done $0x0  }
0x55: {  	s5 =	sadd.s32 $0x300, s5;
	[sflag:s3] =	ssyncadd.s32 $0xFFFFE700  }
0x56: {  	[tilespmem:s26], [sflag:$0x3] =	stream.indirect.gather [hbm4b:s1+s21], $0x80, s5, s21, $0xb8;
	v63 =	vld [tilespmem:$0x0]  }
0x57: {  	s14 =	sadd.s32 $0x180, s6  }
0x58: {  	[spmem:s4] =	stream.indirect.scatter.add.f32 [tilespmem:s30], [sflag:$0x8], $0x80, s14, s21, $0xb8;
	v63 =	vld [tilespmem:$0x0]  }
0x59: {  	_ =	swait.ge [sflag:s19], $0x1900  }
0x5a: {  	s5 =	simm.s32 $0x800;
	[sflag:s19] =	ssyncset.done $0x0  }
.LBB2_4:
0x5b: {  	p2 =	seq.s32 s5, $0x4000  }
0x5c: {  	[sflag:s19] =	ssyncadd.s32 $0xFFFFE700;
	s6 =	smov.u32 s5;
	s5 =	sadd.s32 $0x800, s5  }
0x5d: {  	_ =	swait.ge [sflag:s29], $0x1900  }
0x5e: {  	s6 =	sshra.s32 s6, $0x2;
	[sflag:s29] =	ssyncset.done $0x0  }
0x5f: {  	s12 =	sadd.s32 s6, s23;
	[sflag:s29] =	ssyncadd.s32 $0xFFFFE700  }
0x60: {  	s14 =	sadd.s32 $0x180, s12  }
0x61: {  	[tilespmem:s30], [sflag:$0x4] =	stream.indirect.gather [hbm4b:s1+s21], $0x80, s14, s21, $0xb8;
	v63 =	vld [tilespmem:$0x0]  }
0x62: {  	s6 =	sadd.s32 s6, s10  }
0x63: {  	[spmem:s4] =	stream.indirect.scatter.add.f32 [tilespmem:s22], [sflag:$0x8], $0x80, s6, s21, $0xb8;
	v63 =	vld [tilespmem:$0x0]  }
0x64: {  	_ =	swait.ge [sflag:s19], $0x1900  }
0x65: {  	[sflag:s19] =	ssyncset.done $0x0  }
0x66: {  	[sflag:s19] =	ssyncadd.s32 $0xFFFFE700  }
0x67: {  	_ =	swait.ge [sflag:s31], $0x1900  }
0x68: {  	[sflag:s31] =	ssyncset.done $0x0  }
0x69: {  	s14 =	sadd.s32 $0x200, s12;
	[sflag:s31] =	ssyncadd.s32 $0xFFFFE700  }
0x6a: {  	[tilespmem:s22], [sflag:$0x1] =	stream.indirect.gather [hbm4b:s1+s21], $0x80, s14, s21, $0xb8;
	v63 =	vld [tilespmem:$0x0]  }
0x6b: {  	s14 =	sadd.s32 $0x80, s6  }
0x6c: {  	[spmem:s4] =	stream.indirect.scatter.add.f32 [tilespmem:s24], [sflag:$0x8], $0x80, s14, s21, $0xb8;
	v63 =	vld [tilespmem:$0x0]  }
0x6d: {  	_ =	swait.ge [sflag:s19], $0x1900  }
0x6e: {  	[sflag:s19] =	ssyncset.done $0x0  }
0x6f: {  	[sflag:s19] =	ssyncadd.s32 $0xFFFFE700  }
0x70: {  	_ =	swait.ge [sflag:s0], $0x1900  }
0x71: {  	[sflag:s0] =	ssyncset.done $0x0  }
0x72: {  	s14 =	sadd.s32 $0x280, s12;
	[sflag:s0] =	ssyncadd.s32 $0xFFFFE700  }
0x73: {  	[tilespmem:s24], [sflag:$0x2] =	stream.indirect.gather [hbm4b:s1+s21], $0x80, s14, s21, $0xb8;
	v63 =	vld [tilespmem:$0x0]  }
0x74: {  	s14 =	sadd.s32 $0x100, s6  }
0x75: {  	[spmem:s4] =	stream.indirect.scatter.add.f32 [tilespmem:s26], [sflag:$0x8], $0x80, s14, s21, $0xb8;
	v63 =	vld [tilespmem:$0x0]  }
0x76: {  	_ =	swait.ge [sflag:s19], $0x1900  }
0x77: {  	[sflag:s19] =	ssyncset.done $0x0  }
0x78: {  	[sflag:s19] =	ssyncadd.s32 $0xFFFFE700  }
0x79: {  	_ =	swait.ge [sflag:s3], $0x1900  }
0x7a: {  	[sflag:s3] =	ssyncset.done $0x0  }
0x7b: {  	s12 =	sadd.s32 $0x300, s12;
	[sflag:s3] =	ssyncadd.s32 $0xFFFFE700  }
0x7c: {  	[tilespmem:s26], [sflag:$0x3] =	stream.indirect.gather [hbm4b:s1+s21], $0x80, s12, s21, $0xb8;
	v63 =	vld [tilespmem:$0x0]  }
.Ltmp3:
0x7d: {  	_ = 	snop;
	(pc) =	sbr.rel @!p2 .LBB2_4-.Ltmp3, $4  }
0x7e: {  	s6 =	sadd.s32 $0x180, s6  }
0x7f: {  	[spmem:s4] =	stream.indirect.scatter.add.f32 [tilespmem:s30], [sflag:$0x8], $0x80, s6, s21, $0xb8;
	v63 =	vld [tilespmem:$0x0]  }
0x80: {  	_ =	swait.ge [sflag:s19], $0x1900  }
0x81: {  	[sflag:s19] =	ssyncset.done $0x0  }
0x82: {  	[sflag:s19] =	ssyncadd.s32 $0xFFFFE700  }
0x83: {  	_ =	swait.ge [sflag:s29], $0x1900  }
0x84: {  	[sflag:s29] =	ssyncset.done $0x0  }
0x85: {  	s5 =	sadd.s32 $0x1380, s23;
	[sflag:s29] =	ssyncadd.s32 $0xFFFFE700  }
0x86: {  	[tilespmem:s30], [sflag:$0x4] =	stream.indirect.gather [hbm4b:s1+s21], $0x80, s5, s21, $0xb8;
	v63 =	vld [tilespmem:$0x0]  }
0x87: {  	s12 =	sadd.s32 $0x3A00, s23  }
0x88: {  	[spmem:s4] =	stream.indirect.scatter.add.f32 [tilespmem:s22], [sflag:$0x8], $0x80, s12, s21, $0xb8;
	v63 =	vld [tilespmem:$0x0]  }
0x89: {  	_ =	swait.ge [sflag:s19], $0x1900  }
0x8a: {  	[sflag:s19] =	ssyncset.done $0x0  }
0x8b: {  	s5 =	simm.s32 @p1 $0x2;
	[sflag:s19] =	ssyncadd.s32 $0xFFFFE700  }
0x8c: {  	_ =	swait.ge @p1 [sflag:s5], $0x1900  }
0x8d: {  	s10 =	simm.s32 @p1 $0x32;
	[sflag:s5] =	ssyncset.done @p1 $0x0  }
0x8e: {  	s6 =	simm.s32 @p1 $0x6C00;
	[sflag:s5] =	ssyncadd.s32 @p1 $0xFFFFE700;
	s5 =	sadd.s32 @p1 $0x3A80, s23  }
0x8f: {  	[spmem:s4] =	stream.indirect.scatter.add.f32 @p1 [tilespmem:s6], [sflag:$0x8], $0x80, s5, s10, $0xb8;
	v63 =	vld [tilespmem:$0x0]  }
0x90: {  	s5 =	simm.s32 @p1 $0x8  }
0x91: {  	_ =	swait.ge @p1 [sflag:s5], $0x1900  }
0x92: {  	[sflag:s5] =	ssyncset.done @p1 $0x0  }
0x93: {  	[sflag:s5] =	ssyncadd.s32 @p1 $0xFFFFE700;
	s5 =	simm.s32 @p1 $0x3  }
0x94: {  	_ =	swait.ge @p1 [sflag:s5], $0x1900  }
0x95: {  	[sflag:s5] =	ssyncset.done @p1 $0x0  }
0x96: {  	[sflag:s5] =	ssyncadd.s32 @p1 $0xFFFFE700;
	s5 =	simm.s32 @!p1 $0x5  }
0x97: {  	_ =	swait.ge @!p1 [sflag:s5], $0x1400  }
0x98: {  	[sflag:s5] =	ssyncset.done @!p1 $0x0  }
0x99: {  	[sflag:s5] =	ssyncadd.s32 @!p1 $0xFFFFEC00;
	s5 =	simm.s32 @!p1 $0x6  }
0x9a: {  	_ =	swait.ge @!p1 [sflag:s5], $0x1400  }
0x9b: {  	[sflag:s5] =	ssyncset.done @!p1 $0x0  }
0x9c: {  	[sflag:s5] =	ssyncadd.s32 @!p1 $0xFFFFEC00;
	s5 =	simm.s32 @!p1 $0x2  }
0x9d: {  	s6 =	smul.u32 @!p1 $0x5000, s25;
	_ =	swait.ge @!p1 [sflag:s5], $0x1900  }
0x9e: {  	s10 =	simm.s32 @!p1 $0x5000;
	[sflag:s5] =	ssyncset.done @!p1 $0x0  }
0x9f: {  	[sflag:s5] =	ssyncadd.s32 @!p1 $0xFFFFE700;
	s5 =	sshrl.u32 @!p1 s6, $0x2;
	s6 =	simm.s32 @!p1 $0x32  }
0xa0: {  	[tilespmem:s10], [sflag:$0x1] =	stream.indirect.gather @!p1 [hbm4b:s1+s6], $0x80, s5, s6, $0xb8;
	v63 =	vld [tilespmem:$0x0]  }
0xa1: {  	s25 =	simm.s32 @!p1 $0x6C00;
	s10 =	sadd.s32 @!p1 $0x3A80, s23  }
0xa2: {  	[spmem:s4] =	stream.indirect.scatter.add.f32 @!p1 [tilespmem:s25], [sflag:$0x8], $0x80, s10, s6, $0xb8;
	v63 =	vld [tilespmem:$0x0]  }
0xa3: {  	s10 =	simm.s32 @!p1 $0x8  }
0xa4: {  	_ =	swait.ge @!p1 [sflag:s10], $0x1900  }
0xa5: {  	[sflag:s10] =	ssyncset.done @!p1 $0x0  }
0xa6: {  	[sflag:s10] =	ssyncadd.s32 @!p1 $0xFFFFE700;
	s10 =	simm.s32 @!p1 $0x3  }
0xa7: {  	_ =	swait.ge @!p1 [sflag:s10], $0x1900  }
0xa8: {  	[sflag:s10] =	ssyncset.done @!p1 $0x0  }
0xa9: {  	[sflag:s10] =	ssyncadd.s32 @!p1 $0xFFFFE700;
	s10 =	sor.u32 @!p1 $0x80, s5  }
0xaa: {  	[tilespmem:s25], [sflag:$0x2] =	stream.indirect.gather @!p1 [hbm4b:s1+s6], $0x80, s10, s6, $0xb8;
	v63 =	vld [tilespmem:$0x0]  }
0xab: {  	s14 =	sadd.s32 $0x3B00, s23  }
0xac: {  	[spmem:s4] =	stream.indirect.scatter.add.f32 [tilespmem:s26], [sflag:$0x8], $0x80, s14, s21, $0xb8;
	v63 =	vld [tilespmem:$0x0]  }
0xad: {  	_ =	swait.ge [sflag:s19], $0x1900  }
0xae: {  	[sflag:s19] =	ssyncset.done $0x0  }
0xaf: {  	[sflag:s19] =	ssyncadd.s32 $0xFFFFE700  }
0xb0: {  	_ =	swait.ge [sflag:s3], $0x1900  }
0xb1: {  	[sflag:s3] =	ssyncset.done $0x0  }
0xb2: {  	s5 =	sor.u32 @!p1 $0x100, s5;
	s10 =	simm.s32 @!p1 $0x8800;
	[sflag:s3] =	ssyncadd.s32 $0xFFFFE700  }
0xb3: {  	[tilespmem:s10], [sflag:$0x3] =	stream.indirect.gather @!p1 [hbm4b:s1+s6], $0x80, s5, s6, $0xb8;
	v63 =	vld [tilespmem:$0x0]  }
0xb4: {  	p1 =	seq.s32 s9, $0xA  }
.Ltmp4:
0xb5: {  	s25 =	sadd.s32 $0x3B80, s23;
	(pc) =	sbr.rel @!p1 .LBB2_3-.Ltmp4, $4  }
0xb6: {  	[spmem:s4] =	stream.indirect.scatter.add.f32 [tilespmem:s30], [sflag:$0x8], $0x80, s25, s21, $0xb8;
	v63 =	vld [tilespmem:$0x0]  }
0xb7: {  	_ =	swait.ge [sflag:s19], $0x1900  }
0xb8: {  	[sflag:s19] =	ssyncset.done $0x0  }
0xb9: {  	[sflag:s19] =	ssyncadd.s32 $0xFFFFE700  }
.Ltmp5:
0xba: {  	(pc) =	sbr.rel .LBB2_9-.Ltmp5, $2  }
0xbb: {  	_ =	sdelay $0x2  }
0xbc: {  	s5 =	rddreg [dreg:$0x6]  }
.LBB2_11:
0xbd: {  	[tilespmem:s22], [sflag:$0x1] =	stream.indirect.gather [hbm4b:s2+s21], $0x80, s9, s21, $0xb8;
	v63 =	vld [tilespmem:$0x0]  }
0xbe: {  	s5 =	simm.s32 $0x80  }
0xbf: {  	[tilespmem:s24], [sflag:$0x2] =	stream.indirect.gather [hbm4b:s2+s21], $0x80, s5, s21, $0xb8;
	v63 =	vld [tilespmem:$0x0]  }
0xc0: {  	s25 =	simm.s32 $0x100  }
0xc1: {  	[tilespmem:s26], [sflag:$0x3] =	stream.indirect.gather [hbm4b:s2+s21], $0x80, s25, s21, $0xb8;
	v63 =	vld [tilespmem:$0x0]  }
0xc2: {  	_ =	swait.ge [sflag:s28], $0x2800  }
0xc3: {  	[sflag:s28] =	ssyncset.done $0x0  }
0xc4: {  	[sflag:s28] =	ssyncadd.s32 $0xFFFFD800  }
0xc5: {  	[bflag:$0x0] =	sbarrier.arrive $0xFFFF  }
.LBB2_12:
0xc6: {  	s5 =	smov.u32 s9  }
0xc7: {  	s9 =	sadd.s32 $0x1, s9;
	p1 =	seq.s32 s5, $0x9  }
0xc8: {  	s6 =	smul.u32 @!p1 $0x28, s9;
	_ =	sdelay $0x1  }
0xc9: {  	s5 =	sand.u32 $0x1, s5;
	s25 =	sand.u32 $0x1, s9;
	s6 =	sadd.s32 @!p1 s11, s6  }
0xca: {  	p2 =	seq.s32 s5, $0x1;
	s5 =	smul.u32 @!p1 $0x1400, s25;
	s6 =	sshll.u32 @!p1 s6, $0x4  }
0xcb: {  	s10 =	simm.s32 $0x28;
	s14 =	simm.s32 @!p1 $0x0;
	s12 =	sadd.s32 @!p1 s7, s6  }
0xcc: {  	[tilespmem:s5], [sflag:$0x5] =	stream.linear.gather @!p1 [hbm4b:s12+s14], $0x1400, $0x38;
	v63 =	vld [tilespmem:$0x0]  }
0xcd: {  	s10 =	simm.s32 @!p2 $0x0;
	s6 =	sadd.s32 @!p1 s8, s6;
	s5 =	sadd.s32 @!p1 $0x2800, s5  }
0xce: {  	[tilespmem:s5], [sflag:$0x6] =	stream.linear.gather @!p1 [hbm4b:s6+s14], $0x1400, $0x38;
	v63 =	vld [tilespmem:$0x0]  }
0xcf: {  	s23 =	sshll.u32 s10, $0x7;
	_ =	swait.ge [sflag:s29], $0x1900  }
0xd0: {  	s5 =	sadd.s32 $0x0, s23;
	[sflag:s29] =	ssyncset.done $0x0  }
0xd1: {  	s10 =	sadd.s32 $0x2800, s23;
	s12 =	sadd.s32 $0x180, s5;
	[sflag:s29] =	ssyncadd.s32 $0xFFFFE700  }
0xd2: {  	[tilespmem:s30], [sflag:$0x4] =	stream.indirect.gather [hbm4b:s2+s21], $0x80, s12, s21, $0xb8;
	v63 =	vld [tilespmem:$0x0]  }
0xd3: {  	s6 =	sadd.s32 $0x0, s10  }
0xd4: {  	[spmem:s4] =	stream.indirect.scatter.add.f32 [tilespmem:s22], [sflag:$0x8], $0x80, s6, s21, $0xb8;
	v63 =	vld [tilespmem:$0x0]  }
0xd5: {  	_ =	swait.ge [sflag:s19], $0x1900  }
0xd6: {  	[sflag:s19] =	ssyncset.done $0x0  }
0xd7: {  	[sflag:s19] =	ssyncadd.s32 $0xFFFFE700  }
0xd8: {  	_ =	swait.ge [sflag:s31], $0x1900  }
0xd9: {  	[sflag:s31] =	ssyncset.done $0x0  }
0xda: {  	s14 =	sadd.s32 $0x200, s5;
	[sflag:s31] =	ssyncadd.s32 $0xFFFFE700  }
0xdb: {  	[tilespmem:s22], [sflag:$0x1] =	stream.indirect.gather [hbm4b:s2+s21], $0x80, s14, s21, $0xb8;
	v63 =	vld [tilespmem:$0x0]  }
0xdc: {  	s14 =	sadd.s32 $0x80, s6  }
0xdd: {  	[spmem:s4] =	stream.indirect.scatter.add.f32 [tilespmem:s24], [sflag:$0x8], $0x80, s14, s21, $0xb8;
	v63 =	vld [tilespmem:$0x0]  }
0xde: {  	_ =	swait.ge [sflag:s19], $0x1900  }
0xdf: {  	[sflag:s19] =	ssyncset.done $0x0  }
0xe0: {  	[sflag:s19] =	ssyncadd.s32 $0xFFFFE700  }
0xe1: {  	_ =	swait.ge [sflag:s0], $0x1900  }
0xe2: {  	[sflag:s0] =	ssyncset.done $0x0  }
0xe3: {  	s14 =	sadd.s32 $0x280, s5;
	[sflag:s0] =	ssyncadd.s32 $0xFFFFE700  }
0xe4: {  	[tilespmem:s24], [sflag:$0x2] =	stream.indirect.gather [hbm4b:s2+s21], $0x80, s14, s21, $0xb8;
	v63 =	vld [tilespmem:$0x0]  }
0xe5: {  	s14 =	sadd.s32 $0x100, s6  }
0xe6: {  	[spmem:s4] =	stream.indirect.scatter.add.f32 [tilespmem:s26], [sflag:$0x8], $0x80, s14, s21, $0xb8;
	v63 =	vld [tilespmem:$0x0]  }
0xe7: {  	_ =	swait.ge [sflag:s19], $0x1900  }
0xe8: {  	[sflag:s19] =	ssyncset.done $0x0  }
0xe9: {  	[sflag:s19] =	ssyncadd.s32 $0xFFFFE700  }
0xea: {  	_ =	swait.ge [sflag:s3], $0x1900  }
0xeb: {  	[sflag:s3] =	ssyncset.done $0x0  }
0xec: {  	s5 =	sadd.s32 $0x300, s5;
	[sflag:s3] =	ssyncadd.s32 $0xFFFFE700  }
0xed: {  	[tilespmem:s26], [sflag:$0x3] =	stream.indirect.gather [hbm4b:s2+s21], $0x80, s5, s21, $0xb8;
	v63 =	vld [tilespmem:$0x0]  }
0xee: {  	s14 =	sadd.s32 $0x180, s6  }
0xef: {  	[spmem:s4] =	stream.indirect.scatter.add.f32 [tilespmem:s30], [sflag:$0x8], $0x80, s14, s21, $0xb8;
	v63 =	vld [tilespmem:$0x0]  }
0xf0: {  	_ =	swait.ge [sflag:s19], $0x1900  }
0xf1: {  	s5 =	simm.s32 $0x800;
	[sflag:s19] =	ssyncset.done $0x0  }
.LBB2_13:
0xf2: {  	p2 =	seq.s32 s5, $0x4000  }
0xf3: {  	[sflag:s19] =	ssyncadd.s32 $0xFFFFE700;
	s6 =	smov.u32 s5;
	s5 =	sadd.s32 $0x800, s5  }
0xf4: {  	_ =	swait.ge [sflag:s29], $0x1900  }
0xf5: {  	s6 =	sshra.s32 s6, $0x2;
	[sflag:s29] =	ssyncset.done $0x0  }
0xf6: {  	s12 =	sadd.s32 s6, s23;
	[sflag:s29] =	ssyncadd.s32 $0xFFFFE700  }
0xf7: {  	s14 =	sadd.s32 $0x180, s12  }
0xf8: {  	[tilespmem:s30], [sflag:$0x4] =	stream.indirect.gather [hbm4b:s2+s21], $0x80, s14, s21, $0xb8;
	v63 =	vld [tilespmem:$0x0]  }
0xf9: {  	s6 =	sadd.s32 s6, s10  }
0xfa: {  	[spmem:s4] =	stream.indirect.scatter.add.f32 [tilespmem:s22], [sflag:$0x8], $0x80, s6, s21, $0xb8;
	v63 =	vld [tilespmem:$0x0]  }
0xfb: {  	_ =	swait.ge [sflag:s19], $0x1900  }
0xfc: {  	[sflag:s19] =	ssyncset.done $0x0  }
0xfd: {  	[sflag:s19] =	ssyncadd.s32 $0xFFFFE700  }
0xfe: {  	_ =	swait.ge [sflag:s31], $0x1900  }
0xff: {  	[sflag:s31] =	ssyncset.done $0x0  }
0x100: {  	s14 =	sadd.s32 $0x200, s12;
	[sflag:s31] =	ssyncadd.s32 $0xFFFFE700  }
0x101: {  	[tilespmem:s22], [sflag:$0x1] =	stream.indirect.gather [hbm4b:s2+s21], $0x80, s14, s21, $0xb8;
	v63 =	vld [tilespmem:$0x0]  }
0x102: {  	s14 =	sadd.s32 $0x80, s6  }
0x103: {  	[spmem:s4] =	stream.indirect.scatter.add.f32 [tilespmem:s24], [sflag:$0x8], $0x80, s14, s21, $0xb8;
	v63 =	vld [tilespmem:$0x0]  }
0x104: {  	_ =	swait.ge [sflag:s19], $0x1900  }
0x105: {  	[sflag:s19] =	ssyncset.done $0x0  }
0x106: {  	[sflag:s19] =	ssyncadd.s32 $0xFFFFE700  }
0x107: {  	_ =	swait.ge [sflag:s0], $0x1900  }
0x108: {  	[sflag:s0] =	ssyncset.done $0x0  }
0x109: {  	s14 =	sadd.s32 $0x280, s12;
	[sflag:s0] =	ssyncadd.s32 $0xFFFFE700  }
0x10a: {  	[tilespmem:s24], [sflag:$0x2] =	stream.indirect.gather [hbm4b:s2+s21], $0x80, s14, s21, $0xb8;
	v63 =	vld [tilespmem:$0x0]  }
0x10b: {  	s14 =	sadd.s32 $0x100, s6  }
0x10c: {  	[spmem:s4] =	stream.indirect.scatter.add.f32 [tilespmem:s26], [sflag:$0x8], $0x80, s14, s21, $0xb8;
	v63 =	vld [tilespmem:$0x0]  }
0x10d: {  	_ =	swait.ge [sflag:s19], $0x1900  }
0x10e: {  	[sflag:s19] =	ssyncset.done $0x0  }
0x10f: {  	[sflag:s19] =	ssyncadd.s32 $0xFFFFE700  }
0x110: {  	_ =	swait.ge [sflag:s3], $0x1900  }
0x111: {  	[sflag:s3] =	ssyncset.done $0x0  }
0x112: {  	s12 =	sadd.s32 $0x300, s12;
	[sflag:s3] =	ssyncadd.s32 $0xFFFFE700  }
0x113: {  	[tilespmem:s26], [sflag:$0x3] =	stream.indirect.gather [hbm4b:s2+s21], $0x80, s12, s21, $0xb8;
	v63 =	vld [tilespmem:$0x0]  }
.Ltmp6:
0x114: {  	_ = 	snop;
	(pc) =	sbr.rel @!p2 .LBB2_13-.Ltmp6, $4  }
0x115: {  	s6 =	sadd.s32 $0x180, s6  }
0x116: {  	[spmem:s4] =	stream.indirect.scatter.add.f32 [tilespmem:s30], [sflag:$0x8], $0x80, s6, s21, $0xb8;
	v63 =	vld [tilespmem:$0x0]  }
0x117: {  	_ =	swait.ge [sflag:s19], $0x1900  }
0x118: {  	[sflag:s19] =	ssyncset.done $0x0  }
0x119: {  	[sflag:s19] =	ssyncadd.s32 $0xFFFFE700  }
0x11a: {  	_ =	swait.ge [sflag:s29], $0x1900  }
0x11b: {  	[sflag:s29] =	ssyncset.done $0x0  }
0x11c: {  	s5 =	sadd.s32 $0x1380, s23;
	[sflag:s29] =	ssyncadd.s32 $0xFFFFE700  }
0x11d: {  	[tilespmem:s30], [sflag:$0x4] =	stream.indirect.gather [hbm4b:s2+s21], $0x80, s5, s21, $0xb8;
	v63 =	vld [tilespmem:$0x0]  }
0x11e: {  	s12 =	sadd.s32 $0x3A00, s23  }
0x11f: {  	[spmem:s4] =	stream.indirect.scatter.add.f32 [tilespmem:s22], [sflag:$0x8], $0x80, s12, s21, $0xb8;
	v63 =	vld [tilespmem:$0x0]  }
0x120: {  	_ =	swait.ge [sflag:s19], $0x1900  }
0x121: {  	[sflag:s19] =	ssyncset.done $0x0  }
0x122: {  	s5 =	simm.s32 @p1 $0x2;
	[sflag:s19] =	ssyncadd.s32 $0xFFFFE700  }
0x123: {  	_ =	swait.ge @p1 [sflag:s5], $0x1900  }
0x124: {  	s6 =	simm.s32 @p1 $0x32;
	[sflag:s5] =	ssyncset.done @p1 $0x0  }
0x125: {  	s10 =	simm.s32 @p1 $0x6C00;
	[sflag:s5] =	ssyncadd.s32 @p1 $0xFFFFE700;
	s5 =	sadd.s32 @p1 $0x3A80, s23  }
0x126: {  	[spmem:s4] =	stream.indirect.scatter.add.f32 @p1 [tilespmem:s10], [sflag:$0x8], $0x80, s5, s6, $0xb8;
	v63 =	vld [tilespmem:$0x0]  }
0x127: {  	s5 =	simm.s32 @p1 $0x8  }
0x128: {  	_ =	swait.ge @p1 [sflag:s5], $0x1900  }
0x129: {  	[sflag:s5] =	ssyncset.done @p1 $0x0  }
0x12a: {  	[sflag:s5] =	ssyncadd.s32 @p1 $0xFFFFE700;
	s5 =	simm.s32 @p1 $0x3  }
0x12b: {  	_ =	swait.ge @p1 [sflag:s5], $0x1900  }
0x12c: {  	[sflag:s5] =	ssyncset.done @p1 $0x0  }
0x12d: {  	[sflag:s5] =	ssyncadd.s32 @p1 $0xFFFFE700;
	s5 =	simm.s32 @!p1 $0x5  }
0x12e: {  	_ =	swait.ge @!p1 [sflag:s5], $0x1400  }
0x12f: {  	[sflag:s5] =	ssyncset.done @!p1 $0x0  }
0x130: {  	[sflag:s5] =	ssyncadd.s32 @!p1 $0xFFFFEC00;
	s5 =	simm.s32 @!p1 $0x6  }
0x131: {  	_ =	swait.ge @!p1 [sflag:s5], $0x1400  }
0x132: {  	[sflag:s5] =	ssyncset.done @!p1 $0x0  }
0x133: {  	[sflag:s5] =	ssyncadd.s32 @!p1 $0xFFFFEC00;
	s5 =	simm.s32 @!p1 $0x2  }
0x134: {  	s6 =	smul.u32 @!p1 $0x5000, s25;
	_ =	swait.ge @!p1 [sflag:s5], $0x1900  }
0x135: {  	s10 =	simm.s32 @!p1 $0x5000;
	[sflag:s5] =	ssyncset.done @!p1 $0x0  }
0x136: {  	[sflag:s5] =	ssyncadd.s32 @!p1 $0xFFFFE700;
	s5 =	sshrl.u32 @!p1 s6, $0x2;
	s6 =	simm.s32 @!p1 $0x32  }
0x137: {  	[tilespmem:s10], [sflag:$0x1] =	stream.indirect.gather @!p1 [hbm4b:s2+s6], $0x80, s5, s6, $0xb8;
	v63 =	vld [tilespmem:$0x0]  }
0x138: {  	s12 =	simm.s32 @!p1 $0x6C00;
	s10 =	sadd.s32 @!p1 $0x3A80, s23  }
0x139: {  	[spmem:s4] =	stream.indirect.scatter.add.f32 @!p1 [tilespmem:s12], [sflag:$0x8], $0x80, s10, s6, $0xb8;
	v63 =	vld [tilespmem:$0x0]  }
0x13a: {  	s10 =	simm.s32 @!p1 $0x8  }
0x13b: {  	_ =	swait.ge @!p1 [sflag:s10], $0x1900  }
0x13c: {  	[sflag:s10] =	ssyncset.done @!p1 $0x0  }
0x13d: {  	[sflag:s10] =	ssyncadd.s32 @!p1 $0xFFFFE700;
	s10 =	simm.s32 @!p1 $0x3  }
0x13e: {  	_ =	swait.ge @!p1 [sflag:s10], $0x1900  }
0x13f: {  	[sflag:s10] =	ssyncset.done @!p1 $0x0  }
0x140: {  	[sflag:s10] =	ssyncadd.s32 @!p1 $0xFFFFE700;
	s10 =	sor.u32 @!p1 $0x80, s5  }
0x141: {  	[tilespmem:s12], [sflag:$0x2] =	stream.indirect.gather @!p1 [hbm4b:s2+s6], $0x80, s10, s6, $0xb8;
	v63 =	vld [tilespmem:$0x0]  }
0x142: {  	s14 =	sadd.s32 $0x3B00, s23  }
0x143: {  	[spmem:s4] =	stream.indirect.scatter.add.f32 [tilespmem:s26], [sflag:$0x8], $0x80, s14, s21, $0xb8;
	v63 =	vld [tilespmem:$0x0]  }
0x144: {  	_ =	swait.ge [sflag:s19], $0x1900  }
0x145: {  	[sflag:s19] =	ssyncset.done $0x0  }
0x146: {  	[sflag:s19] =	ssyncadd.s32 $0xFFFFE700  }
0x147: {  	_ =	swait.ge [sflag:s3], $0x1900  }
0x148: {  	[sflag:s3] =	ssyncset.done $0x0  }
0x149: {  	s5 =	sor.u32 @!p1 $0x100, s5;
	s10 =	simm.s32 @!p1 $0x8800;
	[sflag:s3] =	ssyncadd.s32 $0xFFFFE700  }
0x14a: {  	[tilespmem:s10], [sflag:$0x3] =	stream.indirect.gather @!p1 [hbm4b:s2+s6], $0x80, s5, s6, $0xb8;
	v63 =	vld [tilespmem:$0x0]  }
0x14b: {  	p1 =	seq.s32 s9, $0xA  }
.Ltmp7:
0x14c: {  	s25 =	sadd.s32 $0x3B80, s23;
	(pc) =	sbr.rel @!p1 .LBB2_12-.Ltmp7, $4  }
0x14d: {  	[spmem:s4] =	stream.indirect.scatter.add.f32 [tilespmem:s30], [sflag:$0x8], $0x80, s25, s21, $0xb8;
	v63 =	vld [tilespmem:$0x0]  }
0x14e: {  	_ =	swait.ge [sflag:s19], $0x1900  }
0x14f: {  	[sflag:s19] =	ssyncset.done $0x0  }
0x150: {  	[sflag:s19] =	ssyncadd.s32 $0xFFFFE700  }
.Ltmp8:
0x151: {  	(pc) =	sbr.rel .LBB2_9-.Ltmp8, $2  }
0x152: {  	_ =	sdelay $0x2  }
0x153: {  	s5 =	rddreg [dreg:$0x7]  }
.LBB2_10:
0x154: {  	_ =	sfence.sel $0x180000  }
0x155: {  	[bflag:$0x0] =	sbarrier.arrive $0xFFFF  }
0x156: {  	_ =	strace $0x9000004A  }
0x157: {  	s0 =	stileid.u32;
	[bflag:$0x2] =	sbarrier.arrive $0xFFFF  }
0x158: {  	p0 =	sne.s32 s0, $0x0;
	s0 =	rddreg [dreg:$0x4]  }
0x159: {  	s0 =	sadd.s32 @!p0 $0x100000, s0  }
0x15a: {  	[sflag:s0] =	ssyncadd.tile.s32 @!p0 $0x1;
	_ =	shalt  }
.Lfunc_end2:
_tile_overlayer_lowered:
.L_overlay_start_2:
0x15b: {  	(tag) =	ssettag $0x2  }
0x15c: {  	s0 =	rddreg [dreg:$0x0];
	s2 =	stileid.u32  }
0x15d: {  	s1 =	rddreg [dreg:$0x1];
	p0 =	sne.s32 s2, $0x0  }
0x15e: {  	s3 =	rddreg [dreg:$0x2];
	[bflag:$0x3] =	sbarrier.arrive $0xFFFF;
	s2 =	simm.s32 @!p0 $0x1C08  }
0x15f: {  	[timem:s3], [sflag:s2] =	dma.local @!p0 [hbm:s0], s1  }
0x160: {  	s0 =	simm.s32 @!p0 $0x8  }
0x161: {  	_ =	swait.ge @!p0 [sflag:s0], s1  }
0x162: {  	s1 =	ssub.s32 @!p0 $0x0, s1;
	[sflag:s0] =	ssyncset.done @!p0 $0x0  }
0x163: {  	[sflag:s0] =	ssyncadd.s32 @!p0 s1  }
0x164: {  	[bflag:$0x3] =	sbarrier.arrive $0xFFFF  }
0x165: {  	_ =	shalt  }

// kernel: kernel.7.cloned.1.call-start
scs
__scs_entry_jumppad:
0x0: {  	(pc) =	sbr.rel $0x88, $3  }
0x1: {  	(tag) =	ssettag $0x0;
	lr =	simm.s32 $0x1  }
0x2: {  	[smem:$0x3F89] =	sst lr;
	_ =	strace $0xD0000000  }
0x3: {  	_ = 	snop  }
0x4: {  	_ = 	snop  }
0x5: {  	_ = 	snop  }
0x6: {  	_ = 	snop  }
0x7: {  	_ = 	snop  }
__scs_overlays_trampoline_lowered:
0x8: {  	[smem:$0x3F98] =	sst s0  }
0x9: {  	[smem:$0x3F99] =	sst s1  }
0xa: {  	[smem:$0x3F9A] =	sst s2  }
0xb: {  	[smem:$0x3F9B] =	sst s3  }
0xc: {  	[smem:$0x3F9C] =	sst s4  }
0xd: {  	[smem:$0x3F9D] =	sst s5  }
0xe: {  	[smem:$0x3F9E] =	sst s6  }
0xf: {  	[smem:$0x3F9F] =	sst s7  }
0x10: {  	[smem:$0x3FA0] =	sst s8  }
0x11: {  	[smem:$0x3FA1] =	sst s9;
	s0 =	simm.s32 @!p0 $0x0  }
0x12: {  	s1 =	sld [smem:$0x3F87];
	s0 =	simm.s32 @p0 $0x1  }
0x13: {  	[smem:$0x3FA2] =	sst s0;
	s0 =	simm.s32 @!p1 $0x0  }
0x14: {  	s2 =	sld [smem:$0x3F86];
	s0 =	simm.s32 @p1 $0x1  }
0x15: {  	[smem:$0x3FA3] =	sst s0;
	s0 =	simm.s32 @!p2 $0x0  }
0x16: {  	s3 =	sld [smem:$0x3FDB];
	s0 =	simm.s32 @p2 $0x1  }
0x17: {  	s4 =	simm.s32 $0x1BF5;
	[smem:$0x3FA5] =	sst s0  }
0x18: {  	s0 =	sld [smem:$0x3F88];
	_ =	swait.ge [sflag:s4], $0x0  }
0x19: {  	s7 =	sld [smem:$0x3F89]  }
0x1a: {  	s8 =	sadd.s32 $0xFFFFE003, lr  }
0x1b: {  	s9 =	sadd.s32 $0xFFFFFEF7, lr;
	s5 =	simm.s32 $0xFFFFFFFF;
	p2 =	slt.u32 s8, $0xFFFFF086  }
0x1c: {  	p1 =	slt.u32 s9, $0xF7A;
	s5 =	simm.s32 @!p2 $0x0  }
0x1d: {  	s5 =	simm.s32 @p1 $0x1;
	p0 =	seq.s32 s7, s2  }
0x1e: {  	s7 =	smul.u32 @!p0 $0xF7A, s2;
	p2 =	seq.s32 @!p0 s5, $0x0  }
0x1f: {  	s9 =	smul.u32 $0xF7A, s1;
	s8 =	simm.s32 @!p0 $0x1BF5;
	p2 =	por !p2, p0  }
0x20: {  	[sflag:s8] =	ssyncset.s32 @!p0 $0xFFFFF086;
	s6 =	sadd.s32 @!p0 s3, s7;
	s7 =	simm.s32 @!p0 $0x108  }
0x21: {  	s3 =	sadd.s32 s3, s9;
	s6 =	sadd.s32 @!p0 $0x88, s6;
	s7 =	simm.s32 @p2 $0x1082  }
0x22: {  	[simem:s7], [sflag:s8] =	dma.local @!p0 [hbm:s6], $0xF7A  }
0x23: {  	s9 =	sor.u32 $0xD0000000, s2;
	s6 =	simm.s32 $0x108;
	_ =	swait.ge @!p0 [sflag:s8], $0x0  }
0x24: {  	s3 =	sadd.s32 $0x88, s3;
	s6 =	simm.s32 @!p1 $0x1082;
	[sflag:s4] =	ssyncset.s32 $0xFFFFF086  }
0x25: {  	[simem:s6], [sflag:s4] =	dma.local [hbm:s3], $0xF7A  }
0x26: {  	[smem:$0x3F89] =	sst s1;
	(tag) =	ssettag s2;
	_ =	strace s9  }
0x27: {  	s1 =	sld [smem:$0x3F99]  }
0x28: {  	s2 =	sld [smem:$0x3F9A]  }
0x29: {  	s4 =	sld [smem:$0x3F9C]  }
0x2a: {  	p0 =	seq.s32 s5, $0x0;
	s5 =	sld [smem:$0x3F9D]  }
0x2b: {  	s6 =	sld [smem:$0x3F9E]  }
0x2c: {  	s7 =	sld [smem:$0x3F9F]  }
0x2d: {  	s3 =	simm.s32 $0x108;
	s8 =	sld [smem:$0x3FA0]  }
0x2e: {  	s3 =	simm.s32 @!p0 $0x1082;
	s9 =	sld [smem:$0x3FA1]  }
0x2f: {  	lr =	sadd.s32 s0, s3;
	s0 =	sld [smem:$0x3F98]  }
0x30: {  	s3 =	sld [smem:$0x3F9B]  }
0x31: {  	[smem:$0x3FA4] =	sst s10  }
0x32: {  	s10 =	sld [smem:$0x3FA2];
	_ =	sdelay $0x3  }
0x33: {  	p0 =	seq.s32 s10, $0x1;
	s10 =	sld [smem:$0x3FA4];
	_ =	sdelay $0x3  }
0x34: {  	[smem:$0x3FA4] =	sst s10  }
0x35: {  	s10 =	sld [smem:$0x3FA3];
	_ =	sdelay $0x3  }
0x36: {  	p1 =	seq.s32 s10, $0x1;
	s10 =	sld [smem:$0x3FA4];
	_ =	sdelay $0x3  }
0x37: {  	[smem:$0x3FA4] =	sst s10  }
0x38: {  	s10 =	sld [smem:$0x3FA5]  }
0x39: {  	_ = 	snop;
	(pc) =	sbr.ind lr, $3  }
0x3a: {  	_ = 	snop  }
0x3b: {  	_ = 	snop  }
0x3c: {  	p2 =	seq.s32 s10, $0x1;
	s10 =	sld [smem:$0x3FA4]  }
0x3d: {  	_ =	shalt  }
0x3e: {  	_ =	shalt  }
0x3f: {  	_ =	shalt  }
0x40: {  	_ =	shalt  }
0x41: {  	_ =	shalt  }
0x42: {  	_ =	shalt  }
0x43: {  	_ =	shalt  }
0x44: {  	_ =	shalt  }
0x45: {  	_ =	shalt  }
0x46: {  	_ =	shalt  }
0x47: {  	_ =	shalt  }
0x48: {  	_ =	shalt  }
0x49: {  	_ =	shalt  }
0x4a: {  	_ =	shalt  }
0x4b: {  	_ =	shalt  }
0x4c: {  	_ =	shalt  }
0x4d: {  	_ =	shalt  }
0x4e: {  	_ =	shalt  }
0x4f: {  	_ =	shalt  }
0x50: {  	_ =	shalt  }
0x51: {  	_ =	shalt  }
0x52: {  	_ =	shalt  }
0x53: {  	_ =	shalt  }
0x54: {  	_ =	shalt  }
0x55: {  	_ =	shalt  }
0x56: {  	_ =	shalt  }
0x57: {  	_ =	shalt  }
0x58: {  	_ =	shalt  }
0x59: {  	_ =	shalt  }
0x5a: {  	_ =	shalt  }
0x5b: {  	_ =	shalt  }
0x5c: {  	_ =	shalt  }
0x5d: {  	_ =	shalt  }
0x5e: {  	_ =	shalt  }
0x5f: {  	_ =	shalt  }
0x60: {  	_ =	shalt  }
0x61: {  	_ =	shalt  }
0x62: {  	_ =	shalt  }
0x63: {  	_ =	shalt  }
0x64: {  	_ =	shalt  }
0x65: {  	_ =	shalt  }
0x66: {  	_ =	shalt  }
0x67: {  	_ =	shalt  }
0x68: {  	_ =	shalt  }
0x69: {  	_ =	shalt  }
0x6a: {  	_ =	shalt  }
0x6b: {  	_ =	shalt  }
0x6c: {  	_ =	shalt  }
0x6d: {  	_ =	shalt  }
0x6e: {  	_ =	shalt  }
0x6f: {  	_ =	shalt  }
0x70: {  	_ =	shalt  }
0x71: {  	_ =	shalt  }
0x72: {  	_ =	shalt  }
0x73: {  	_ =	shalt  }
0x74: {  	_ =	shalt  }
0x75: {  	_ =	shalt  }
0x76: {  	_ =	shalt  }
0x77: {  	_ =	shalt  }
0x78: {  	_ =	shalt  }
0x79: {  	_ =	shalt  }
0x7a: {  	_ =	shalt  }
0x7b: {  	_ =	shalt  }
0x7c: {  	_ =	shalt  }
0x7d: {  	_ =	shalt  }
0x7e: {  	_ =	shalt  }
0x7f: {  	_ =	shalt  }
0x80: {  	_ =	shalt  }
0x81: {  	_ =	shalt  }
0x82: {  	_ =	shalt  }
0x83: {  	_ =	shalt  }
0x84: {  	_ =	shalt  }
0x85: {  	_ =	shalt  }
0x86: {  	_ =	shalt  }
0x87: {  	_ =	shalt  }
.Lfunc_end0:
.L_simem_size_0:
called_computation_lowered:
.L_overlay_start_0:
0x88: {  	s2 =	sld [smem:$0x3FD9]  }
0x89: {  	s3 =	sld [smem:$0x3FFE];
	_ =	sdelay $0x1  }
0x8a: {  	s1 =	srdreg.scid  }
0x8b: {  	s0 =	sand.u32 $0x1, s1  }
0x8c: {  	s14 =	sshll.u32 s0, $0xA;
	s2 =	sadd.s32 s3, s2  }
0x8d: {  	s2 =	sadd.s32 s2, s14  }
0x8e: {  	[smem:$0x3FB0] =	sst s2  }
0x8f: {  	_ = 	snop  }
0x90: {  	s2 =	sld [smem:$0x3FD0];
	_ =	sdelay $0x2  }
0x91: {  	s15 =	simm.s32 $0xA;
	s4 =	simm.s32 $0x10  }
0x92: {  	[smem:s4], [sflag:s15] =	dma.local [hbm:s2], $0x1  }
0x93: {  	_ =	swait.eq [sflag:s15], $0x1  }
0x94: {  	[sflag:s15] =	ssyncset.done $0x0  }
0x95: {  	s16 =	sld [smem:$0x10];
	[sflag:s15] =	ssyncadd.s32 $0xFFFFFFFF  }
0x96: {  	s17 =	sld [smem:$0x11];
	(tm) =	ssettm $0x1  }
0x97: {  	s18 =	sld [smem:$0x3FFB];
	_ =	sdelay $0x3  }
0x98: {  	_ =	strace s18  }
0x99: {  	s4 =	sld [smem:$0x3FFC];
	_ =	sdelay $0x3  }
0x9a: {  	_ =	strace s4  }
0x9b: {  	s4 =	sld [smem:$0x3FFD];
	_ =	sdelay $0x3  }
0x9c: {  	_ =	strace s4  }
0x9d: {  	_ =	strace $0x8FFFFFFF  }
0x9e: {  	s19 =	sld [smem:$0x3FDB];
	_ =	sdelay $0x1  }
0x9f: {  	s5 =	simm.s32 $_scs_section_size  }
0xa0: {  	s6 =	simm.s32 $_size__tile_overlayer_lowered;
	s7 =	simm.s32 $_tile_overlayer_lowered  }
0xa1: {  	s22 =	simm.s32 $0x1BFF;
	s21 =	sshll.u32 s7, $0x1;
	s4 =	sadd.s32 s5, s19  }
0xa2: {  	s8 =	simm.s32 $0x0;
	s20 =	sshll.u32 s6, $0x1;
	s6 =	sadd.s32 s21, s4  }
0xa3: {  	[timem:s8], [sflag:s22] =	dma.local [hbm:s6], s20  }
0xa4: {  	_ =	swait.ge [sflag:s22], s20  }
0xa5: {  	s5 =	ssub.s32 $0x0, s20;
	[sflag:s22] =	ssyncset.done $0x0  }
0xa6: {  	[sflag:s22] =	ssyncadd.s32 s5;
	_ =	sdelay $0x1  }
0xa7: {  	s23 =	simm.s32 $0x1B8B  }
0xa8: {  	_ =	swait.ge [sflag:s23], $0x1  }
0xa9: {  	[sflag:s23] =	ssyncset.done $0x0  }
0xaa: {  	s25 =	simm.s32 $0x1B8E;
	s24 =	sld [smem:$0x3FFE];
	[sflag:s23] =	ssyncadd.s32 $0xFFFFFFFF  }
0xab: {  	s26 =	simm.s32 $execute0_lowered;
	[smem:$0x3FD2] =	sst s25  }
0xac: {  	s6 =	sshll.u32 s26, $0x1;
	_ =	strace $0x80000046;
	[dreg:$0x1] =	wrdreg $0xFFFFFFFF  }
0xad: {  	s28 =	simm.s32 $_size_execute0_lowered;
	s4 =	sadd.s32 s4, s6;
	[dreg:$0x0] =	wrdreg $0x0  }
0xae: {  	s6 =	sshll.u32 s28, $0x1;
	[dreg:$0x2] =	wrdreg s4  }
0xaf: {  	[dreg:$0x3] =	wrdreg s6  }
0xb0: {  	[dreg:$0x4] =	wrdreg $0xC0  }
0xb1: {  	_ =	task [dreg:s8], $0x5FFFF  }
0xb2: {  	[dreg:$0x1] =	wrdreg $0xFFFFFFFF  }
0xb3: {  	[dreg:$0x0] =	wrdreg $0x60  }
0xb4: {  	[dreg:$0x2] =	wrdreg s17  }
0xb5: {  	[dreg:$0x3] =	wrdreg s16  }
0xb6: {  	[dreg:$0x4] =	wrdreg s24  }
0xb7: {  	[dreg:$0x5] =	wrdreg $0xC0000  }
0xb8: {  	[dreg:$0x6] =	wrdreg $0x9  }
0xb9: {  	_ =	task.clear_ibuf [dreg:s8], $0x7FFFF;
	_ =	strace $0x90000046  }
0xba: {  	s29 =	simm.s32 $0x9;
	_ =	strace $0x80000048  }
0xbb: {  	_ =	swait.ge [sflag:s29], $0x1  }
0xbc: {  	[sflag:s29] =	ssyncadd.s32 $0xFFFFFFFF  }
0xbd: {  	_ =	strace $0x90000048  }
0xbe: {  	_ =	sfence  }
0xbf: {  	s30 =	sld [smem:$0x0];
	_ =	sdelay $0x2  }
0xc0: {  	s31 =	sshll.u32 s1, $0xD;
	s1 =	sshrl.u32 s1, $0x2  }
0xc1: {  	s3 =	sand.u32 $0x4000, s31;
	s1 =	sadd.s32 s1, s30  }
0xc2: {  	s0 =	sor.u32 s3, s0;
	s1 =	sshll.u32 s1, $0x11  }
0xc3: {  	s0 =	sor.u32 s1, s0  }
0xc4: {  	s0 =	sadd.s32 $0x8F2B, s0  }
0xc5: {  	[sflag:s0] =	ssyncadd.remote.s32 $0x1  }
0xc6: {  	_ =	sfence.sel $0xFFFF  }
0xc7: {  	[dreg:$0x0] =	wrdreg $0xFFFFFFFF;
	(pc) =	sbr.abs _section_cstart, $3  }
0xc8: {  	[dreg:$0x1] =	wrdreg $0xFFFFFFFF  }
0xc9: {  	_ =	task.clear_ibuf [dreg:s8], $0x2FFFF;
	_ =	strace $0x9FFFFFFF  }
0xca: {  	(tm) =	ssettm $0x7FFFFFFF  }
0xcb: {  	_ =	shalt  }
tec
execute0_lowered:
.L_overlay_start_1:
0x0: {  	(tag) =	ssettag $0x1  }
0x1: {  	s1 =	rddreg [dreg:$0x0]  }
0x2: {  	s2 =	rddreg [dreg:$0x1]  }
0x3: {  	s0 =	rddreg [dreg:$0x2]  }
0x4: {  	s4 =	rddreg [dreg:$0x3];
	s3 =	simm.s32 $0x0  }
0x5: {  	s6 =	stileid.u32;
	s21 =	srdreg.scid;
	s19 =	simm.s32 $0x8  }
0x6: {  	s28 =	simm.s32 $0x7;
	s29 =	simm.s32 $0x1;
	s30 =	simm.s32 $0xA400  }
0x7: {  	s31 =	simm.s32 $0x2;
	s20 =	simm.s32 $0x0;
	s5 =	smul.u32 $0x2800, s6  }
0x8: {  	[smem:$0x7FF] =	sst s3;
	s7 =	sadd.s32 $0x1D800, s0;
	s10 =	smul.u32 $0x50000, s6  }
0x9: {  	s8 =	sadd.s32 $0x4800, s0;
	s3 =	sand.u32 $0x1, s21;
	s11 =	smul.u32 $0x190, s6  }
0xa: {  	s9 =	sadd.s32 $0x5E800, s0;
	s25 =	smul.u32 $0x1900, s6;
	s13 =	sshll.u32 s6, $0x6  }
0xb: {  	s21 =	simm.s32 $0x32;
	_ =	strace $0x80000047;
	[dreg:$0x6] =	wrdreg s9  }
0xc: {  	s22 =	ssub.s32 $0x2, s3;
	s26 =	sor.u32 $0x1C07, s13;
	p0 =	sne.s32 s3, $0x0  }
0xd: {  	s3 =	simm.s32 $0x4;
	[dreg:$0x5] =	wrdreg s5;
	s5 =	sadd.s32 s5, s0  }
0xe: {  	s0 =	sadd.s32 $0x86800, s0;
	s23 =	sshrl.u32 s22, $0x1;
	s24 =	sshrl.u32 s10, $0x2  }
.Ltmp0:
0xf: {  	[dreg:$0x9] =	wrdreg s26;
	s15 =	sadd.s32 s7, s25;
	(pc) =	sbr.rel .LBB2_1-.Ltmp0, $4  }
0x10: {  	s16 =	sadd.s32 s8, s25;
	s26 =	simm.s32 $0x8800;
	[dreg:$0x7] =	wrdreg s0  }
0x11: {  	s0 =	ssub.s32 s22, s23;
	s9 =	sadd.s32 s24, s4;
	s5 =	sadd.s32 $0x36800, s5  }
0x12: {  	s22 =	simm.s32 $0x5000;
	s24 =	simm.s32 $0x6C00;
	[dreg:$0x8] =	wrdreg s5  }
0x13: {  	s17 =	smax.u32 s0, $0x1;
	s18 =	sshrl.u32 s9, $0x3;
	s0 =	simm.s32 $0x3  }
.LBB2_9:
0x14: {  	s20 =	sadd.s32 $0x1, s20  }
0x15: {  	s6 =	rddreg [dreg:$0x5];
	[bflag:$0x0] =	sbarrier.arrive $0xFFFF;
	p1 =	sne.s32 s20, s17  }
.Ltmp1:
0x16: {  	s25 =	sor.u32 $0x1C08, s13;
	s5 =	sadd.s32 s5, s6;
	(pc) =	sbr.rel @!p1 .LBB2_10-.Ltmp1, $4  }
0x17: {  	[hbm:s5], [sflag:s25] =	dma.local [spmem:s18], $0x2800  }
0x18: {  	_ =	swait.ge [sflag:s19], $0x2800  }
0x19: {  	[sflag:s19] =	ssyncset.done $0x0  }
0x1a: {  	[sflag:s19] =	ssyncadd.s32 $0xFFFFD800  }
.LBB2_1:
0x1b: {  	s5 =	rddreg [dreg:$0x8]  }
0x1c: {  	s6 =	rddreg [dreg:$0x9];
	s23 =	simm.s32 $0x0  }
0x1d: {  	[spmem:s18], [sflag:s6] =	dma.local [hbm:s5], $0x2800  }
0x1e: {  	[tilespmem:s23], [sflag:$0x8] =	stream.linear.gather [hbm4b:s15+s23], $0x1400, $0x38;
	v63 =	vld [tilespmem:$0x0]  }
0x1f: {  	_ =	swait.ge [sflag:s19], $0x1400  }
0x20: {  	[sflag:s19] =	ssyncset.done $0x0  }
.Ltmp2:
0x21: {  	s25 =	simm.s32 $0x2800;
	[sflag:s19] =	ssyncadd.s32 $0xFFFFEC00;
	(pc) =	sbr.rel @p0 .LBB2_11-.Ltmp2, $4  }
0x22: {  	[tilespmem:s25], [sflag:$0x8] =	stream.linear.gather [hbm4b:s16+s23], $0x1400, $0x38;
	v63 =	vld [tilespmem:$0x0]  }
0x23: {  	_ =	swait.ge [sflag:s19], $0x1400  }
0x24: {  	[sflag:s19] =	ssyncset.done $0x0  }
0x25: {  	s9 =	simm.s32 $0x0;
	[sflag:s19] =	ssyncadd.s32 $0xFFFFEC00  }
0x26: {  	[tilespmem:s22], [sflag:$0x1] =	stream.indirect.gather [hbm4b:s1+s21], $0x80, s9, s21, $0xb8;
	v63 =	vld [tilespmem:$0x0]  }
0x27: {  	s5 =	simm.s32 $0x80  }
0x28: {  	[tilespmem:s24], [sflag:$0x2] =	stream.indirect.gather [hbm4b:s1+s21], $0x80, s5, s21, $0xb8;
	v63 =	vld [tilespmem:$0x0]  }
0x29: {  	s25 =	simm.s32 $0x100  }
0x2a: {  	[tilespmem:s26], [sflag:$0x3] =	stream.indirect.gather [hbm4b:s1+s21], $0x80, s25, s21, $0xb8;
	v63 =	vld [tilespmem:$0x0]  }
0x2b: {  	_ =	swait.ge [sflag:s28], $0x2800  }
0x2c: {  	[sflag:s28] =	ssyncset.done $0x0  }
0x2d: {  	[sflag:s28] =	ssyncadd.s32 $0xFFFFD800  }
0x2e: {  	[bflag:$0x0] =	sbarrier.arrive $0xFFFF  }
.LBB2_3:
0x2f: {  	s5 =	smov.u32 s9  }
0x30: {  	s9 =	sadd.s32 $0x1, s9;
	p1 =	seq.s32 s5, $0x9  }
0x31: {  	s6 =	smul.u32 @!p1 $0x28, s9;
	_ =	sdelay $0x1  }
0x32: {  	s5 =	sand.u32 $0x1, s5;
	s25 =	sand.u32 $0x1, s9;
	s6 =	sadd.s32 @!p1 s11, s6  }
0x33: {  	p2 =	seq.s32 s5, $0x1;
	s5 =	smul.u32 @!p1 $0x1400, s25;
	s6 =	sshll.u32 @!p1 s6, $0x4  }
0x34: {  	s10 =	simm.s32 $0x28;
	s12 =	simm.s32 @!p1 $0x0;
	s23 =	sadd.s32 @!p1 s7, s6  }
0x35: {  	[tilespmem:s5], [sflag:$0x5] =	stream.linear.gather @!p1 [hbm4b:s23+s12], $0x1400, $0x38;
	v63 =	vld [tilespmem:$0x0]  }
0x36: {  	s10 =	simm.s32 @!p2 $0x0;
	s6 =	sadd.s32 @!p1 s8, s6;
	s5 =	sadd.s32 @!p1 $0x2800, s5  }
0x37: {  	[tilespmem:s5], [sflag:$0x6] =	stream.linear.gather @!p1 [hbm4b:s6+s12], $0x1400, $0x38;
	v63 =	vld [tilespmem:$0x0]  }
0x38: {  	s23 =	sshll.u32 s10, $0x7;
	_ =	swait.ge [sflag:s29], $0x1900  }
0x39: {  	s5 =	sadd.s32 $0x0, s23;
	[sflag:s29] =	ssyncset.done $0x0  }
0x3a: {  	s10 =	sadd.s32 $0x2800, s23;
	s12 =	sadd.s32 $0x180, s5;
	[sflag:s29] =	ssyncadd.s32 $0xFFFFE700  }
0x3b: {  	[tilespmem:s30], [sflag:$0x4] =	stream.indirect.gather [hbm4b:s1+s21], $0x80, s12, s21, $0xb8;
	v63 =	vld [tilespmem:$0x0]  }
0x3c: {  	s6 =	sadd.s32 $0x0, s10  }
0x3d: {  	[spmem:s4] =	stream.indirect.scatter.add.f32 [tilespmem:s22], [sflag:$0x8], $0x80, s6, s21, $0xb8;
	v63 =	vld [tilespmem:$0x0]  }
0x3e: {  	_ =	swait.ge [sflag:s19], $0x1900  }
0x3f: {  	[sflag:s19] =	ssyncset.done $0x0  }
0x40: {  	[sflag:s19] =	ssyncadd.s32 $0xFFFFE700  }
0x41: {  	_ =	swait.ge [sflag:s31], $0x1900  }
0x42: {  	[sflag:s31] =	ssyncset.done $0x0  }
0x43: {  	s14 =	sadd.s32 $0x200, s5;
	[sflag:s31] =	ssyncadd.s32 $0xFFFFE700  }
0x44: {  	[tilespmem:s22], [sflag:$0x1] =	stream.indirect.gather [hbm4b:s1+s21], $0x80, s14, s21, $0xb8;
	v63 =	vld [tilespmem:$0x0]  }
0x45: {  	s14 =	sadd.s32 $0x80, s6  }
0x46: {  	[spmem:s4] =	stream.indirect.scatter.add.f32 [tilespmem:s24], [sflag:$0x8], $0x80, s14, s21, $0xb8;
	v63 =	vld [tilespmem:$0x0]  }
0x47: {  	_ =	swait.ge [sflag:s19], $0x1900  }
0x48: {  	[sflag:s19] =	ssyncset.done $0x0  }
0x49: {  	[sflag:s19] =	ssyncadd.s32 $0xFFFFE700  }
0x4a: {  	_ =	swait.ge [sflag:s0], $0x1900  }
0x4b: {  	[sflag:s0] =	ssyncset.done $0x0  }
0x4c: {  	s14 =	sadd.s32 $0x280, s5;
	[sflag:s0] =	ssyncadd.s32 $0xFFFFE700  }
0x4d: {  	[tilespmem:s24], [sflag:$0x2] =	stream.indirect.gather [hbm4b:s1+s21], $0x80, s14, s21, $0xb8;
	v63 =	vld [tilespmem:$0x0]  }
0x4e: {  	s14 =	sadd.s32 $0x100, s6  }
0x4f: {  	[spmem:s4] =	stream.indirect.scatter.add.f32 [tilespmem:s26], [sflag:$0x8], $0x80, s14, s21, $0xb8;
	v63 =	vld [tilespmem:$0x0]  }
0x50: {  	_ =	swait.ge [sflag:s19], $0x1900  }
0x51: {  	[sflag:s19] =	ssyncset.done $0x0  }
0x52: {  	[sflag:s19] =	ssyncadd.s32 $0xFFFFE700  }
0x53: {  	_ =	swait.ge [sflag:s3], $0x1900  }
0x54: {  	[sflag:s3] =	ssyncset.done $0x0  }
0x55: {  	s5 =	sadd.s32 $0x300, s5;
	[sflag:s3] =	ssyncadd.s32 $0xFFFFE700  }
0x56: {  	[tilespmem:s26], [sflag:$0x3] =	stream.indirect.gather [hbm4b:s1+s21], $0x80, s5, s21, $0xb8;
	v63 =	vld [tilespmem:$0x0]  }
0x57: {  	s14 =	sadd.s32 $0x180, s6  }
0x58: {  	[spmem:s4] =	stream.indirect.scatter.add.f32 [tilespmem:s30], [sflag:$0x8], $0x80, s14, s21, $0xb8;
	v63 =	vld [tilespmem:$0x0]  }
0x59: {  	_ =	swait.ge [sflag:s19], $0x1900  }
0x5a: {  	s5 =	simm.s32 $0x800;
	[sflag:s19] =	ssyncset.done $0x0  }
.LBB2_4:
0x5b: {  	p2 =	seq.s32 s5, $0x4000  }
0x5c: {  	[sflag:s19] =	ssyncadd.s32 $0xFFFFE700;
	s6 =	smov.u32 s5;
	s5 =	sadd.s32 $0x800, s5  }
0x5d: {  	_ =	swait.ge [sflag:s29], $0x1900  }
0x5e: {  	s6 =	sshra.s32 s6, $0x2;
	[sflag:s29] =	ssyncset.done $0x0  }
0x5f: {  	s12 =	sadd.s32 s6, s23;
	[sflag:s29] =	ssyncadd.s32 $0xFFFFE700  }
0x60: {  	s14 =	sadd.s32 $0x180, s12  }
0x61: {  	[tilespmem:s30], [sflag:$0x4] =	stream.indirect.gather [hbm4b:s1+s21], $0x80, s14, s21, $0xb8;
	v63 =	vld [tilespmem:$0x0]  }
0x62: {  	s6 =	sadd.s32 s6, s10  }
0x63: {  	[spmem:s4] =	stream.indirect.scatter.add.f32 [tilespmem:s22], [sflag:$0x8], $0x80, s6, s21, $0xb8;
	v63 =	vld [tilespmem:$0x0]  }
0x64: {  	_ =	swait.ge [sflag:s19], $0x1900  }
0x65: {  	[sflag:s19] =	ssyncset.done $0x0  }
0x66: {  	[sflag:s19] =	ssyncadd.s32 $0xFFFFE700  }
0x67: {  	_ =	swait.ge [sflag:s31], $0x1900  }
0x68: {  	[sflag:s31] =	ssyncset.done $0x0  }
0x69: {  	s14 =	sadd.s32 $0x200, s12;
	[sflag:s31] =	ssyncadd.s32 $0xFFFFE700  }
0x6a: {  	[tilespmem:s22], [sflag:$0x1] =	stream.indirect.gather [hbm4b:s1+s21], $0x80, s14, s21, $0xb8;
	v63 =	vld [tilespmem:$0x0]  }
0x6b: {  	s14 =	sadd.s32 $0x80, s6  }
0x6c: {  	[spmem:s4] =	stream.indirect.scatter.add.f32 [tilespmem:s24], [sflag:$0x8], $0x80, s14, s21, $0xb8;
	v63 =	vld [tilespmem:$0x0]  }
0x6d: {  	_ =	swait.ge [sflag:s19], $0x1900  }
0x6e: {  	[sflag:s19] =	ssyncset.done $0x0  }
0x6f: {  	[sflag:s19] =	ssyncadd.s32 $0xFFFFE700  }
0x70: {  	_ =	swait.ge [sflag:s0], $0x1900  }
0x71: {  	[sflag:s0] =	ssyncset.done $0x0  }
0x72: {  	s14 =	sadd.s32 $0x280, s12;
	[sflag:s0] =	ssyncadd.s32 $0xFFFFE700  }
0x73: {  	[tilespmem:s24], [sflag:$0x2] =	stream.indirect.gather [hbm4b:s1+s21], $0x80, s14, s21, $0xb8;
	v63 =	vld [tilespmem:$0x0]  }
0x74: {  	s14 =	sadd.s32 $0x100, s6  }
0x75: {  	[spmem:s4] =	stream.indirect.scatter.add.f32 [tilespmem:s26], [sflag:$0x8], $0x80, s14, s21, $0xb8;
	v63 =	vld [tilespmem:$0x0]  }
0x76: {  	_ =	swait.ge [sflag:s19], $0x1900  }
0x77: {  	[sflag:s19] =	ssyncset.done $0x0  }
0x78: {  	[sflag:s19] =	ssyncadd.s32 $0xFFFFE700  }
0x79: {  	_ =	swait.ge [sflag:s3], $0x1900  }
0x7a: {  	[sflag:s3] =	ssyncset.done $0x0  }
0x7b: {  	s12 =	sadd.s32 $0x300, s12;
	[sflag:s3] =	ssyncadd.s32 $0xFFFFE700  }
0x7c: {  	[tilespmem:s26], [sflag:$0x3] =	stream.indirect.gather [hbm4b:s1+s21], $0x80, s12, s21, $0xb8;
	v63 =	vld [tilespmem:$0x0]  }
.Ltmp3:
0x7d: {  	_ = 	snop;
	(pc) =	sbr.rel @!p2 .LBB2_4-.Ltmp3, $4  }
0x7e: {  	s6 =	sadd.s32 $0x180, s6  }
0x7f: {  	[spmem:s4] =	stream.indirect.scatter.add.f32 [tilespmem:s30], [sflag:$0x8], $0x80, s6, s21, $0xb8;
	v63 =	vld [tilespmem:$0x0]  }
0x80: {  	_ =	swait.ge [sflag:s19], $0x1900  }
0x81: {  	[sflag:s19] =	ssyncset.done $0x0  }
0x82: {  	[sflag:s19] =	ssyncadd.s32 $0xFFFFE700  }
0x83: {  	_ =	swait.ge [sflag:s29], $0x1900  }
0x84: {  	[sflag:s29] =	ssyncset.done $0x0  }
0x85: {  	s5 =	sadd.s32 $0x1380, s23;
	[sflag:s29] =	ssyncadd.s32 $0xFFFFE700  }
0x86: {  	[tilespmem:s30], [sflag:$0x4] =	stream.indirect.gather [hbm4b:s1+s21], $0x80, s5, s21, $0xb8;
	v63 =	vld [tilespmem:$0x0]  }
0x87: {  	s12 =	sadd.s32 $0x3A00, s23  }
0x88: {  	[spmem:s4] =	stream.indirect.scatter.add.f32 [tilespmem:s22], [sflag:$0x8], $0x80, s12, s21, $0xb8;
	v63 =	vld [tilespmem:$0x0]  }
0x89: {  	_ =	swait.ge [sflag:s19], $0x1900  }
0x8a: {  	[sflag:s19] =	ssyncset.done $0x0  }
0x8b: {  	s5 =	simm.s32 @p1 $0x2;
	[sflag:s19] =	ssyncadd.s32 $0xFFFFE700  }
0x8c: {  	_ =	swait.ge @p1 [sflag:s5], $0x1900  }
0x8d: {  	s10 =	simm.s32 @p1 $0x32;
	[sflag:s5] =	ssyncset.done @p1 $0x0  }
0x8e: {  	s6 =	simm.s32 @p1 $0x6C00;
	[sflag:s5] =	ssyncadd.s32 @p1 $0xFFFFE700;
	s5 =	sadd.s32 @p1 $0x3A80, s23  }
0x8f: {  	[spmem:s4] =	stream.indirect.scatter.add.f32 @p1 [tilespmem:s6], [sflag:$0x8], $0x80, s5, s10, $0xb8;
	v63 =	vld [tilespmem:$0x0]  }
0x90: {  	s5 =	simm.s32 @p1 $0x8  }
0x91: {  	_ =	swait.ge @p1 [sflag:s5], $0x1900  }
0x92: {  	[sflag:s5] =	ssyncset.done @p1 $0x0  }
0x93: {  	[sflag:s5] =	ssyncadd.s32 @p1 $0xFFFFE700;
	s5 =	simm.s32 @p1 $0x3  }
0x94: {  	_ =	swait.ge @p1 [sflag:s5], $0x1900  }
0x95: {  	[sflag:s5] =	ssyncset.done @p1 $0x0  }
0x96: {  	[sflag:s5] =	ssyncadd.s32 @p1 $0xFFFFE700;
	s5 =	simm.s32 @!p1 $0x5  }
0x97: {  	_ =	swait.ge @!p1 [sflag:s5], $0x1400  }
0x98: {  	[sflag:s5] =	ssyncset.done @!p1 $0x0  }
0x99: {  	[sflag:s5] =	ssyncadd.s32 @!p1 $0xFFFFEC00;
	s5 =	simm.s32 @!p1 $0x6  }
0x9a: {  	_ =	swait.ge @!p1 [sflag:s5], $0x1400  }
0x9b: {  	[sflag:s5] =	ssyncset.done @!p1 $0x0  }
0x9c: {  	[sflag:s5] =	ssyncadd.s32 @!p1 $0xFFFFEC00;
	s5 =	simm.s32 @!p1 $0x2  }
0x9d: {  	s6 =	smul.u32 @!p1 $0x5000, s25;
	_ =	swait.ge @!p1 [sflag:s5], $0x1900  }
0x9e: {  	s10 =	simm.s32 @!p1 $0x5000;
	[sflag:s5] =	ssyncset.done @!p1 $0x0  }
0x9f: {  	[sflag:s5] =	ssyncadd.s32 @!p1 $0xFFFFE700;
	s5 =	sshrl.u32 @!p1 s6, $0x2;
	s6 =	simm.s32 @!p1 $0x32  }
0xa0: {  	[tilespmem:s10], [sflag:$0x1] =	stream.indirect.gather @!p1 [hbm4b:s1+s6], $0x80, s5, s6, $0xb8;
	v63 =	vld [tilespmem:$0x0]  }
0xa1: {  	s25 =	simm.s32 @!p1 $0x6C00;
	s10 =	sadd.s32 @!p1 $0x3A80, s23  }
0xa2: {  	[spmem:s4] =	stream.indirect.scatter.add.f32 @!p1 [tilespmem:s25], [sflag:$0x8], $0x80, s10, s6, $0xb8;
	v63 =	vld [tilespmem:$0x0]  }
0xa3: {  	s10 =	simm.s32 @!p1 $0x8  }
0xa4: {  	_ =	swait.ge @!p1 [sflag:s10], $0x1900  }
0xa5: {  	[sflag:s10] =	ssyncset.done @!p1 $0x0  }
0xa6: {  	[sflag:s10] =	ssyncadd.s32 @!p1 $0xFFFFE700;
	s10 =	simm.s32 @!p1 $0x3  }
0xa7: {  	_ =	swait.ge @!p1 [sflag:s10], $0x1900  }
0xa8: {  	[sflag:s10] =	ssyncset.done @!p1 $0x0  }
0xa9: {  	[sflag:s10] =	ssyncadd.s32 @!p1 $0xFFFFE700;
	s10 =	sor.u32 @!p1 $0x80, s5  }
0xaa: {  	[tilespmem:s25], [sflag:$0x2] =	stream.indirect.gather @!p1 [hbm4b:s1+s6], $0x80, s10, s6, $0xb8;
	v63 =	vld [tilespmem:$0x0]  }
0xab: {  	s14 =	sadd.s32 $0x3B00, s23  }
0xac: {  	[spmem:s4] =	stream.indirect.scatter.add.f32 [tilespmem:s26], [sflag:$0x8], $0x80, s14, s21, $0xb8;
	v63 =	vld [tilespmem:$0x0]  }
0xad: {  	_ =	swait.ge [sflag:s19], $0x1900  }
0xae: {  	[sflag:s19] =	ssyncset.done $0x0  }
0xaf: {  	[sflag:s19] =	ssyncadd.s32 $0xFFFFE700  }
0xb0: {  	_ =	swait.ge [sflag:s3], $0x1900  }
0xb1: {  	[sflag:s3] =	ssyncset.done $0x0  }
0xb2: {  	s5 =	sor.u32 @!p1 $0x100, s5;
	s10 =	simm.s32 @!p1 $0x8800;
	[sflag:s3] =	ssyncadd.s32 $0xFFFFE700  }
0xb3: {  	[tilespmem:s10], [sflag:$0x3] =	stream.indirect.gather @!p1 [hbm4b:s1+s6], $0x80, s5, s6, $0xb8;
	v63 =	vld [tilespmem:$0x0]  }
0xb4: {  	p1 =	seq.s32 s9, $0xA  }
.Ltmp4:
0xb5: {  	s25 =	sadd.s32 $0x3B80, s23;
	(pc) =	sbr.rel @!p1 .LBB2_3-.Ltmp4, $4  }
0xb6: {  	[spmem:s4] =	stream.indirect.scatter.add.f32 [tilespmem:s30], [sflag:$0x8], $0x80, s25, s21, $0xb8;
	v63 =	vld [tilespmem:$0x0]  }
0xb7: {  	_ =	swait.ge [sflag:s19], $0x1900  }
0xb8: {  	[sflag:s19] =	ssyncset.done $0x0  }
0xb9: {  	[sflag:s19] =	ssyncadd.s32 $0xFFFFE700  }
.Ltmp5:
0xba: {  	(pc) =	sbr.rel .LBB2_9-.Ltmp5, $2  }
0xbb: {  	_ =	sdelay $0x2  }
0xbc: {  	s5 =	rddreg [dreg:$0x6]  }
.LBB2_11:
0xbd: {  	[tilespmem:s22], [sflag:$0x1] =	stream.indirect.gather [hbm4b:s2+s21], $0x80, s9, s21, $0xb8;
	v63 =	vld [tilespmem:$0x0]  }
0xbe: {  	s5 =	simm.s32 $0x80  }
0xbf: {  	[tilespmem:s24], [sflag:$0x2] =	stream.indirect.gather [hbm4b:s2+s21], $0x80, s5, s21, $0xb8;
	v63 =	vld [tilespmem:$0x0]  }
0xc0: {  	s25 =	simm.s32 $0x100  }
0xc1: {  	[tilespmem:s26], [sflag:$0x3] =	stream.indirect.gather [hbm4b:s2+s21], $0x80, s25, s21, $0xb8;
	v63 =	vld [tilespmem:$0x0]  }
0xc2: {  	_ =	swait.ge [sflag:s28], $0x2800  }
0xc3: {  	[sflag:s28] =	ssyncset.done $0x0  }
0xc4: {  	[sflag:s28] =	ssyncadd.s32 $0xFFFFD800  }
0xc5: {  	[bflag:$0x0] =	sbarrier.arrive $0xFFFF  }
.LBB2_12:
0xc6: {  	s5 =	smov.u32 s9  }
0xc7: {  	s9 =	sadd.s32 $0x1, s9;
	p1 =	seq.s32 s5, $0x9  }
0xc8: {  	s6 =	smul.u32 @!p1 $0x28, s9;
	_ =	sdelay $0x1  }
0xc9: {  	s5 =	sand.u32 $0x1, s5;
	s25 =	sand.u32 $0x1, s9;
	s6 =	sadd.s32 @!p1 s11, s6  }
0xca: {  	p2 =	seq.s32 s5, $0x1;
	s5 =	smul.u32 @!p1 $0x1400, s25;
	s6 =	sshll.u32 @!p1 s6, $0x4  }
0xcb: {  	s10 =	simm.s32 $0x28;
	s14 =	simm.s32 @!p1 $0x0;
	s12 =	sadd.s32 @!p1 s7, s6  }
0xcc: {  	[tilespmem:s5], [sflag:$0x5] =	stream.linear.gather @!p1 [hbm4b:s12+s14], $0x1400, $0x38;
	v63 =	vld [tilespmem:$0x0]  }
0xcd: {  	s10 =	simm.s32 @!p2 $0x0;
	s6 =	sadd.s32 @!p1 s8, s6;
	s5 =	sadd.s32 @!p1 $0x2800, s5  }
0xce: {  	[tilespmem:s5], [sflag:$0x6] =	stream.linear.gather @!p1 [hbm4b:s6+s14], $0x1400, $0x38;
	v63 =	vld [tilespmem:$0x0]  }
0xcf: {  	s23 =	sshll.u32 s10, $0x7;
	_ =	swait.ge [sflag:s29], $0x1900  }
0xd0: {  	s5 =	sadd.s32 $0x0, s23;
	[sflag:s29] =	ssyncset.done $0x0  }
0xd1: {  	s10 =	sadd.s32 $0x2800, s23;
	s12 =	sadd.s32 $0x180, s5;
	[sflag:s29] =	ssyncadd.s32 $0xFFFFE700  }
0xd2: {  	[tilespmem:s30], [sflag:$0x4] =	stream.indirect.gather [hbm4b:s2+s21], $0x80, s12, s21, $0xb8;
	v63 =	vld [tilespmem:$0x0]  }
0xd3: {  	s6 =	sadd.s32 $0x0, s10  }
0xd4: {  	[spmem:s4] =	stream.indirect.scatter.add.f32 [tilespmem:s22], [sflag:$0x8], $0x80, s6, s21, $0xb8;
	v63 =	vld [tilespmem:$0x0]  }
0xd5: {  	_ =	swait.ge [sflag:s19], $0x1900  }
0xd6: {  	[sflag:s19] =	ssyncset.done $0x0  }
0xd7: {  	[sflag:s19] =	ssyncadd.s32 $0xFFFFE700  }
0xd8: {  	_ =	swait.ge [sflag:s31], $0x1900  }
0xd9: {  	[sflag:s31] =	ssyncset.done $0x0  }
0xda: {  	s14 =	sadd.s32 $0x200, s5;
	[sflag:s31] =	ssyncadd.s32 $0xFFFFE700  }
0xdb: {  	[tilespmem:s22], [sflag:$0x1] =	stream.indirect.gather [hbm4b:s2+s21], $0x80, s14, s21, $0xb8;
	v63 =	vld [tilespmem:$0x0]  }
0xdc: {  	s14 =	sadd.s32 $0x80, s6  }
0xdd: {  	[spmem:s4] =	stream.indirect.scatter.add.f32 [tilespmem:s24], [sflag:$0x8], $0x80, s14, s21, $0xb8;
	v63 =	vld [tilespmem:$0x0]  }
0xde: {  	_ =	swait.ge [sflag:s19], $0x1900  }
0xdf: {  	[sflag:s19] =	ssyncset.done $0x0  }
0xe0: {  	[sflag:s19] =	ssyncadd.s32 $0xFFFFE700  }
0xe1: {  	_ =	swait.ge [sflag:s0], $0x1900  }
0xe2: {  	[sflag:s0] =	ssyncset.done $0x0  }
0xe3: {  	s14 =	sadd.s32 $0x280, s5;
	[sflag:s0] =	ssyncadd.s32 $0xFFFFE700  }
0xe4: {  	[tilespmem:s24], [sflag:$0x2] =	stream.indirect.gather [hbm4b:s2+s21], $0x80, s14, s21, $0xb8;
	v63 =	vld [tilespmem:$0x0]  }
0xe5: {  	s14 =	sadd.s32 $0x100, s6  }
0xe6: {  	[spmem:s4] =	stream.indirect.scatter.add.f32 [tilespmem:s26], [sflag:$0x8], $0x80, s14, s21, $0xb8;
	v63 =	vld [tilespmem:$0x0]  }
0xe7: {  	_ =	swait.ge [sflag:s19], $0x1900  }
0xe8: {  	[sflag:s19] =	ssyncset.done $0x0  }
0xe9: {  	[sflag:s19] =	ssyncadd.s32 $0xFFFFE700  }
0xea: {  	_ =	swait.ge [sflag:s3], $0x1900  }
0xeb: {  	[sflag:s3] =	ssyncset.done $0x0  }
0xec: {  	s5 =	sadd.s32 $0x300, s5;
	[sflag:s3] =	ssyncadd.s32 $0xFFFFE700  }
0xed: {  	[tilespmem:s26], [sflag:$0x3] =	stream.indirect.gather [hbm4b:s2+s21], $0x80, s5, s21, $0xb8;
	v63 =	vld [tilespmem:$0x0]  }
0xee: {  	s14 =	sadd.s32 $0x180, s6  }
0xef: {  	[spmem:s4] =	stream.indirect.scatter.add.f32 [tilespmem:s30], [sflag:$0x8], $0x80, s14, s21, $0xb8;
	v63 =	vld [tilespmem:$0x0]  }
0xf0: {  	_ =	swait.ge [sflag:s19], $0x1900  }
0xf1: {  	s5 =	simm.s32 $0x800;
	[sflag:s19] =	ssyncset.done $0x0  }
.LBB2_13:
0xf2: {  	p2 =	seq.s32 s5, $0x4000  }
0xf3: {  	[sflag:s19] =	ssyncadd.s32 $0xFFFFE700;
	s6 =	smov.u32 s5;
	s5 =	sadd.s32 $0x800, s5  }
0xf4: {  	_ =	swait.ge [sflag:s29], $0x1900  }
0xf5: {  	s6 =	sshra.s32 s6, $0x2;
	[sflag:s29] =	ssyncset.done $0x0  }
0xf6: {  	s12 =	sadd.s32 s6, s23;
	[sflag:s29] =	ssyncadd.s32 $0xFFFFE700  }
0xf7: {  	s14 =	sadd.s32 $0x180, s12  }
0xf8: {  	[tilespmem:s30], [sflag:$0x4] =	stream.indirect.gather [hbm4b:s2+s21], $0x80, s14, s21, $0xb8;
	v63 =	vld [tilespmem:$0x0]  }
0xf9: {  	s6 =	sadd.s32 s6, s10  }
0xfa: {  	[spmem:s4] =	stream.indirect.scatter.add.f32 [tilespmem:s22], [sflag:$0x8], $0x80, s6, s21, $0xb8;
	v63 =	vld [tilespmem:$0x0]  }
0xfb: {  	_ =	swait.ge [sflag:s19], $0x1900  }
0xfc: {  	[sflag:s19] =	ssyncset.done $0x0  }
0xfd: {  	[sflag:s19] =	ssyncadd.s32 $0xFFFFE700  }
0xfe: {  	_ =	swait.ge [sflag:s31], $0x1900  }
0xff: {  	[sflag:s31] =	ssyncset.done $0x0  }
0x100: {  	s14 =	sadd.s32 $0x200, s12;
	[sflag:s31] =	ssyncadd.s32 $0xFFFFE700  }
0x101: {  	[tilespmem:s22], [sflag:$0x1] =	stream.indirect.gather [hbm4b:s2+s21], $0x80, s14, s21, $0xb8;
	v63 =	vld [tilespmem:$0x0]  }
0x102: {  	s14 =	sadd.s32 $0x80, s6  }
0x103: {  	[spmem:s4] =	stream.indirect.scatter.add.f32 [tilespmem:s24], [sflag:$0x8], $0x80, s14, s21, $0xb8;
	v63 =	vld [tilespmem:$0x0]  }
0x104: {  	_ =	swait.ge [sflag:s19], $0x1900  }
0x105: {  	[sflag:s19] =	ssyncset.done $0x0  }
0x106: {  	[sflag:s19] =	ssyncadd.s32 $0xFFFFE700  }
0x107: {  	_ =	swait.ge [sflag:s0], $0x1900  }
0x108: {  	[sflag:s0] =	ssyncset.done $0x0  }
0x109: {  	s14 =	sadd.s32 $0x280, s12;
	[sflag:s0] =	ssyncadd.s32 $0xFFFFE700  }
0x10a: {  	[tilespmem:s24], [sflag:$0x2] =	stream.indirect.gather [hbm4b:s2+s21], $0x80, s14, s21, $0xb8;
	v63 =	vld [tilespmem:$0x0]  }
0x10b: {  	s14 =	sadd.s32 $0x100, s6  }
0x10c: {  	[spmem:s4] =	stream.indirect.scatter.add.f32 [tilespmem:s26], [sflag:$0x8], $0x80, s14, s21, $0xb8;
	v63 =	vld [tilespmem:$0x0]  }
0x10d: {  	_ =	swait.ge [sflag:s19], $0x1900  }
0x10e: {  	[sflag:s19] =	ssyncset.done $0x0  }
0x10f: {  	[sflag:s19] =	ssyncadd.s32 $0xFFFFE700  }
0x110: {  	_ =	swait.ge [sflag:s3], $0x1900  }
0x111: {  	[sflag:s3] =	ssyncset.done $0x0  }
0x112: {  	s12 =	sadd.s32 $0x300, s12;
	[sflag:s3] =	ssyncadd.s32 $0xFFFFE700  }
0x113: {  	[tilespmem:s26], [sflag:$0x3] =	stream.indirect.gather [hbm4b:s2+s21], $0x80, s12, s21, $0xb8;
	v63 =	vld [tilespmem:$0x0]  }
.Ltmp6:
0x114: {  	_ = 	snop;
	(pc) =	sbr.rel @!p2 .LBB2_13-.Ltmp6, $4  }
0x115: {  	s6 =	sadd.s32 $0x180, s6  }
0x116: {  	[spmem:s4] =	stream.indirect.scatter.add.f32 [tilespmem:s30], [sflag:$0x8], $0x80, s6, s21, $0xb8;
	v63 =	vld [tilespmem:$0x0]  }
0x117: {  	_ =	swait.ge [sflag:s19], $0x1900  }
0x118: {  	[sflag:s19] =	ssyncset.done $0x0  }
0x119: {  	[sflag:s19] =	ssyncadd.s32 $0xFFFFE700  }
0x11a: {  	_ =	swait.ge [sflag:s29], $0x1900  }
0x11b: {  	[sflag:s29] =	ssyncset.done $0x0  }
0x11c: {  	s5 =	sadd.s32 $0x1380, s23;
	[sflag:s29] =	ssyncadd.s32 $0xFFFFE700  }
0x11d: {  	[tilespmem:s30], [sflag:$0x4] =	stream.indirect.gather [hbm4b:s2+s21], $0x80, s5, s21, $0xb8;
	v63 =	vld [tilespmem:$0x0]  }
0x11e: {  	s12 =	sadd.s32 $0x3A00, s23  }
0x11f: {  	[spmem:s4] =	stream.indirect.scatter.add.f32 [tilespmem:s22], [sflag:$0x8], $0x80, s12, s21, $0xb8;
	v63 =	vld [tilespmem:$0x0]  }
0x120: {  	_ =	swait.ge [sflag:s19], $0x1900  }
0x121: {  	[sflag:s19] =	ssyncset.done $0x0  }
0x122: {  	s5 =	simm.s32 @p1 $0x2;
	[sflag:s19] =	ssyncadd.s32 $0xFFFFE700  }
0x123: {  	_ =	swait.ge @p1 [sflag:s5], $0x1900  }
0x124: {  	s6 =	simm.s32 @p1 $0x32;
	[sflag:s5] =	ssyncset.done @p1 $0x0  }
0x125: {  	s10 =	simm.s32 @p1 $0x6C00;
	[sflag:s5] =	ssyncadd.s32 @p1 $0xFFFFE700;
	s5 =	sadd.s32 @p1 $0x3A80, s23  }
0x126: {  	[spmem:s4] =	stream.indirect.scatter.add.f32 @p1 [tilespmem:s10], [sflag:$0x8], $0x80, s5, s6, $0xb8;
	v63 =	vld [tilespmem:$0x0]  }
0x127: {  	s5 =	simm.s32 @p1 $0x8  }
0x128: {  	_ =	swait.ge @p1 [sflag:s5], $0x1900  }
0x129: {  	[sflag:s5] =	ssyncset.done @p1 $0x0  }
0x12a: {  	[sflag:s5] =	ssyncadd.s32 @p1 $0xFFFFE700;
	s5 =	simm.s32 @p1 $0x3  }
0x12b: {  	_ =	swait.ge @p1 [sflag:s5], $0x1900  }
0x12c: {  	[sflag:s5] =	ssyncset.done @p1 $0x0  }
0x12d: {  	[sflag:s5] =	ssyncadd.s32 @p1 $0xFFFFE700;
	s5 =	simm.s32 @!p1 $0x5  }
0x12e: {  	_ =	swait.ge @!p1 [sflag:s5], $0x1400  }
0x12f: {  	[sflag:s5] =	ssyncset.done @!p1 $0x0  }
0x130: {  	[sflag:s5] =	ssyncadd.s32 @!p1 $0xFFFFEC00;
	s5 =	simm.s32 @!p1 $0x6  }
0x131: {  	_ =	swait.ge @!p1 [sflag:s5], $0x1400  }
0x132: {  	[sflag:s5] =	ssyncset.done @!p1 $0x0  }
0x133: {  	[sflag:s5] =	ssyncadd.s32 @!p1 $0xFFFFEC00;
	s5 =	simm.s32 @!p1 $0x2  }
0x134: {  	s6 =	smul.u32 @!p1 $0x5000, s25;
	_ =	swait.ge @!p1 [sflag:s5], $0x1900  }
0x135: {  	s10 =	simm.s32 @!p1 $0x5000;
	[sflag:s5] =	ssyncset.done @!p1 $0x0  }
0x136: {  	[sflag:s5] =	ssyncadd.s32 @!p1 $0xFFFFE700;
	s5 =	sshrl.u32 @!p1 s6, $0x2;
	s6 =	simm.s32 @!p1 $0x32  }
0x137: {  	[tilespmem:s10], [sflag:$0x1] =	stream.indirect.gather @!p1 [hbm4b:s2+s6], $0x80, s5, s6, $0xb8;
	v63 =	vld [tilespmem:$0x0]  }
0x138: {  	s12 =	simm.s32 @!p1 $0x6C00;
	s10 =	sadd.s32 @!p1 $0x3A80, s23  }
0x139: {  	[spmem:s4] =	stream.indirect.scatter.add.f32 @!p1 [tilespmem:s12], [sflag:$0x8], $0x80, s10, s6, $0xb8;
	v63 =	vld [tilespmem:$0x0]  }
0x13a: {  	s10 =	simm.s32 @!p1 $0x8  }
0x13b: {  	_ =	swait.ge @!p1 [sflag:s10], $0x1900  }
0x13c: {  	[sflag:s10] =	ssyncset.done @!p1 $0x0  }
0x13d: {  	[sflag:s10] =	ssyncadd.s32 @!p1 $0xFFFFE700;
	s10 =	simm.s32 @!p1 $0x3  }
0x13e: {  	_ =	swait.ge @!p1 [sflag:s10], $0x1900  }
0x13f: {  	[sflag:s10] =	ssyncset.done @!p1 $0x0  }
0x140: {  	[sflag:s10] =	ssyncadd.s32 @!p1 $0xFFFFE700;
	s10 =	sor.u32 @!p1 $0x80, s5  }
0x141: {  	[tilespmem:s12], [sflag:$0x2] =	stream.indirect.gather @!p1 [hbm4b:s2+s6], $0x80, s10, s6, $0xb8;
	v63 =	vld [tilespmem:$0x0]  }
0x142: {  	s14 =	sadd.s32 $0x3B00, s23  }
0x143: {  	[spmem:s4] =	stream.indirect.scatter.add.f32 [tilespmem:s26], [sflag:$0x8], $0x80, s14, s21, $0xb8;
	v63 =	vld [tilespmem:$0x0]  }
0x144: {  	_ =	swait.ge [sflag:s19], $0x1900  }
0x145: {  	[sflag:s19] =	ssyncset.done $0x0  }
0x146: {  	[sflag:s19] =	ssyncadd.s32 $0xFFFFE700  }
0x147: {  	_ =	swait.ge [sflag:s3], $0x1900  }
0x148: {  	[sflag:s3] =	ssyncset.done $0x0  }
0x149: {  	s5 =	sor.u32 @!p1 $0x100, s5;
	s10 =	simm.s32 @!p1 $0x8800;
	[sflag:s3] =	ssyncadd.s32 $0xFFFFE700  }
0x14a: {  	[tilespmem:s10], [sflag:$0x3] =	stream.indirect.gather @!p1 [hbm4b:s2+s6], $0x80, s5, s6, $0xb8;
	v63 =	vld [tilespmem:$0x0]  }
0x14b: {  	p1 =	seq.s32 s9, $0xA  }
.Ltmp7:
0x14c: {  	s25 =	sadd.s32 $0x3B80, s23;
	(pc) =	sbr.rel @!p1 .LBB2_12-.Ltmp7, $4  }
0x14d: {  	[spmem:s4] =	stream.indirect.scatter.add.f32 [tilespmem:s30], [sflag:$0x8], $0x80, s25, s21, $0xb8;
	v63 =	vld [tilespmem:$0x0]  }
0x14e: {  	_ =	swait.ge [sflag:s19], $0x1900  }
0x14f: {  	[sflag:s19] =	ssyncset.done $0x0  }
0x150: {  	[sflag:s19] =	ssyncadd.s32 $0xFFFFE700  }
.Ltmp8:
0x151: {  	(pc) =	sbr.rel .LBB2_9-.Ltmp8, $2  }
0x152: {  	_ =	sdelay $0x2  }
0x153: {  	s5 =	rddreg [dreg:$0x7]  }
.LBB2_10:
0x154: {  	_ =	sfence.sel $0x180000  }
0x155: {  	[bflag:$0x0] =	sbarrier.arrive $0xFFFF  }
0x156: {  	_ =	strace $0x90000047  }
0x157: {  	s0 =	stileid.u32;
	[bflag:$0x2] =	sbarrier.arrive $0xFFFF  }
0x158: {  	p0 =	sne.s32 s0, $0x0;
	s0 =	rddreg [dreg:$0x4]  }
0x159: {  	s0 =	sadd.s32 @!p0 $0x100000, s0  }
0x15a: {  	[sflag:s0] =	ssyncadd.tile.s32 @!p0 $0x1;
	_ =	shalt  }
.Lfunc_end2:
_tile_overlayer_lowered:
.L_overlay_start_2:
0x15b: {  	(tag) =	ssettag $0x2  }
0x15c: {  	s0 =	rddreg [dreg:$0x0];
	s2 =	stileid.u32  }
0x15d: {  	s1 =	rddreg [dreg:$0x1];
	p0 =	sne.s32 s2, $0x0  }
0x15e: {  	s3 =	rddreg [dreg:$0x2];
	[bflag:$0x3] =	sbarrier.arrive $0xFFFF;
	s2 =	simm.s32 @!p0 $0x1C08  }
0x15f: {  	[timem:s3], [sflag:s2] =	dma.local @!p0 [hbm:s0], s1  }
0x160: {  	s0 =	simm.s32 @!p0 $0x8  }
0x161: {  	_ =	swait.ge @!p0 [sflag:s0], s1  }
0x162: {  	s1 =	ssub.s32 @!p0 $0x0, s1;
	[sflag:s0] =	ssyncset.done @!p0 $0x0  }
0x163: {  	[sflag:s0] =	ssyncadd.s32 @!p0 s1  }
0x164: {  	[bflag:$0x3] =	sbarrier.arrive $0xFFFF  }
0x165: {  	_ =	shalt  }

</sc_bundles>
